<compile_context>
chip_gen: v7x
topology: tpu7x:2x2x1
jax: 0.10.2.dev20260603
libtpu: 0.0.44.dev20260713+nightly
codegen_flags: <defaults>
</compile_context>

<pallas_src>
import functools

import jax
import jax.numpy as jnp
from jax import lax
from jax.experimental import pallas as pl
from jax.experimental.pallas import tpu as pltpu
from jax.experimental.pallas import tpu_sc as plsc

NC = 2
NS = 16
NW = NC * NS
G = 16
TC = 128


@jax.jit
def _sc_gather_t(tableT, idx):
  D, V = tableT.shape
  (B,) = idx.shape
  b_per_w = B // NW
  n_grp = b_per_w // G
  mesh = plsc.VectorSubcoreMesh(
      core_axis_name="c", subcore_axis_name="s", num_cores=NC,
      num_subcores=NS)

  @functools.partial(
      pl.kernel,
      out_type=jax.ShapeDtypeStruct((D, B), jnp.float32),
      mesh=mesh,
      scratch_types=[
          pltpu.VMEM((b_per_w,), jnp.int32),
          pltpu.VMEM((G, D, TC), jnp.float32),
          pltpu.VMEM((D, b_per_w), jnp.float32),
          [pltpu.SemaphoreType.DMA] * G,
      ],
      compiler_params=pltpu.CompilerParams(needs_layout_passes=False),
  )
  def body(table_hbm, idx_hbm, outT_hbm, idx_v, blocks_v, outblk_v, sems):
    wid = lax.axis_index("s") * NC + lax.axis_index("c")
    base = wid * b_per_w
    pltpu.sync_copy(idx_hbm.at[pl.ds(base, b_per_w)], idx_v)
    iota = lax.iota(jnp.int32, D)

    def fire(c, i):
      a = pl.multiple_of(i & -TC, TC)
      return pltpu.async_copy(
          table_hbm.at[:, pl.ds(a, TC)], blocks_v.at[c], sems[c])

    def drain(c):
      pltpu.make_async_copy(
          table_hbm.at[:, pl.ds(0, TC)], blocks_v.at[c], sems[c]).wait()

    def extract(c, i, pos):
      drain(c)
      col = plsc.load_gather(
          blocks_v,
          [jnp.full((D,), c, jnp.int32), iota,
           jnp.broadcast_to(i & (TC - 1), (D,))])
      plsc.store_scatter(outblk_v, [iota, jnp.broadcast_to(pos, (D,))], col)

    vec0 = idx_v[pl.ds(0, G)]
    for c in range(G):
      fire(c, vec0[c])

    def grp(g, carry):
      o = pl.multiple_of(g * G, G)
      vec = idx_v[pl.ds(o, G)]
      nxt = idx_v[pl.ds(o + G, G)]
      for c in range(G):
        extract(c, vec[c], o + c)
        fire(c, nxt[c])
      return carry

    lax.fori_loop(0, n_grp - 1, grp, 0)

    last = (n_grp - 1) * G
    vecl = idx_v[pl.ds(last, G)]
    for c in range(G):
      extract(c, vecl[c], last + c)

    pltpu.sync_copy(outblk_v, outT_hbm.at[:, pl.ds(base, b_per_w)])

  return body(tableT, idx)


def kernel(ordered_embs, nodes):
  B = nodes.shape[0]
  outT = _sc_gather_t(ordered_embs.T, nodes.reshape(B))
  return outT.T

# --- scband reference (transcript-rebuilt; emitter-appended) ---
"""Pipeline reference for scband-pretrained-graph-encoder-11304353923236 (READ-ONLY COPY).

The authoritative reference and input builder live on the scoring server;
editing this copy changes nothing except your own understanding.
"""

import jax, jax.numpy as jnp
import numpy as np

VOCAB = 1000000
HDIM = 16
BATCH = 16384


def setup_inputs(seed: int = 0) -> dict:
    key = jax.random.key(seed)
    k1, k2 = jax.random.split(key)
    # ordered_embs: the pretrained embedding table materialized in __init__
    # (node_embeddings dict + index dict collapse to a dense [VOCAB, HDIM] table)
    ordered_embs = jax.random.normal(k1, (VOCAB, HDIM), dtype=jnp.float32)
    nodes = jax.random.randint(k2, (BATCH, 1), 0, VOCAB, dtype=jnp.int32)
    return {"ordered_embs": ordered_embs, "nodes": nodes}


def reference(ordered_embs, nodes):
    # forward: self.ordered_embs[nodes].squeeze(1)
    gathered = jnp.take(ordered_embs, nodes, axis=0)  # [B, 1, HDIM]
    return jnp.squeeze(gathered, axis=1)              # [B, HDIM]

if __name__ == "__main__":
    import jax
    _d = setup_inputs()
    print(jax.jit(kernel)(*tuple(_d.values())))

</pallas_src>

<mosaic_0001>
#map = affine_map<(d0, d1) -> (0, 0)>
#map1 = affine_map<(d0, d1) -> (0)>
module attributes {stable_mosaic.version = 14 : i64} {
  func.func @body(%arg0: i32, %arg1: i32, %arg2: memref<16x1000000xf32, #tpu.memory_space<hbm>>, %arg3: memref<16384xi32, #tpu.memory_space<hbm>>, %arg4: memref<16x16384xf32, #tpu.memory_space<hbm>>, %arg5: memref<512xi32, #tpu.memory_space<vmem>>, %arg6: memref<16x16x128xf32, #tpu.memory_space<vmem>>, %arg7: memref<16x512xf32, #tpu.memory_space<vmem>>, %arg8: memref<!tpu.dma_semaphore, #tpu.memory_space<semaphore_mem>>, %arg9: memref<!tpu.dma_semaphore, #tpu.memory_space<semaphore_mem>>, %arg10: memref<!tpu.dma_semaphore, #tpu.memory_space<semaphore_mem>>, %arg11: memref<!tpu.dma_semaphore, #tpu.memory_space<semaphore_mem>>, %arg12: memref<!tpu.dma_semaphore, #tpu.memory_space<semaphore_mem>>, %arg13: memref<!tpu.dma_semaphore, #tpu.memory_space<semaphore_mem>>, %arg14: memref<!tpu.dma_semaphore, #tpu.memory_space<semaphore_mem>>, %arg15: memref<!tpu.dma_semaphore, #tpu.memory_space<semaphore_mem>>, %arg16: memref<!tpu.dma_semaphore, #tpu.memory_space<semaphore_mem>>, %arg17: memref<!tpu.dma_semaphore, #tpu.memory_space<semaphore_mem>>, %arg18: memref<!tpu.dma_semaphore, #tpu.memory_space<semaphore_mem>>, %arg19: memref<!tpu.dma_semaphore, #tpu.memory_space<semaphore_mem>>, %arg20: memref<!tpu.dma_semaphore, #tpu.memory_space<semaphore_mem>>, %arg21: memref<!tpu.dma_semaphore, #tpu.memory_space<semaphore_mem>>, %arg22: memref<!tpu.dma_semaphore, #tpu.memory_space<semaphore_mem>>, %arg23: memref<!tpu.dma_semaphore, #tpu.memory_space<semaphore_mem>>) attributes {dimension_semantics = [#tpu.dimension_semantics<core_parallel>, #tpu.dimension_semantics<subcore_parallel>], iteration_bounds = array<i64: 2, 16>, scalar_prefetch = 0 : i64, scratch_operands = 19 : i64, tpu.core_type = #tpu.core_type<sc_vector_subcore>, window_params = [{transform_indices = #map}, {transform_indices = #map1}, {transform_indices = #map}]} {
    %mul3A = arith.constant 2 : i32
    %mul3A_0 = arith.muli %arg1, %mul3A : i32
    %add3A = arith.addi %mul3A_0, %arg0 : i32
    %mul3A_1 = arith.constant 512 : i32
    %mul3A_2 = arith.muli %add3A, %mul3A_1 : i32
    "tpu.region"() ({
      %run_scoped3A = tpu.sem_alloc : memref<!tpu.dma_semaphore, #tpu.memory_space<semaphore_mem>>
      %dma_start3A_691 = tpu.memref_slice %arg3[%mul3A_2] : memref<16384xi32, #tpu.memory_space<hbm>> -> memref<512xi32, #tpu.memory_space<hbm>>
      %dma_start3A_692 = tpu.memref_slice %arg3[%mul3A_2] : memref<16384xi32, #tpu.memory_space<hbm>> -> memref<512xi32, #tpu.memory_space<hbm>>
      tpu.enqueue_dma source(%dma_start3A_692 : memref<512xi32, #tpu.memory_space<hbm>>) target(%arg5 : memref<512xi32, #tpu.memory_space<vmem>>) target_semaphore(%run_scoped3A : memref<!tpu.dma_semaphore, #tpu.memory_space<semaphore_mem>>)
      %dma_wait3A_693 = tpu.memref_slice %arg3[%mul3A_2] : memref<16384xi32, #tpu.memory_space<hbm>> -> memref<512xi32, #tpu.memory_space<hbm>>
      %dma_wait3A_694 = tpu.memref_slice %arg3[%mul3A_2] : memref<16384xi32, #tpu.memory_space<hbm>> -> memref<512xi32, #tpu.memory_space<hbm>>
      tpu.wait_dma2 semaphore(%run_scoped3A : memref<!tpu.dma_semaphore, #tpu.memory_space<semaphore_mem>>) src(%dma_wait3A_694 : memref<512xi32, #tpu.memory_space<hbm>>) dst(%arg5 : memref<512xi32, #tpu.memory_space<vmem>>)
      tpu.yield
    }) : () -> ()
    %iota3A = tpu.iota {dimensions = array<i32: 0>} : vector<16xi32>
    %get3A = arith.constant 0 : index
    %get3A_3 = tpu.vector_load %arg5[%get3A] {strides = array<i32>} : memref<512xi32, #tpu.memory_space<vmem>>, vector<16xi32>,
    %slice3A = vector.extract_strided_slice %get3A_3 {offsets = [0], sizes = [1], strides = [1]} : vector<16xi32> to vector<1xi32>
    %squeeze3A = vector.extract %slice3A[0] : i32 from vector<1xi32>
    %and3A = arith.constant -128 : i32
    %and3A_4 = arith.andi %squeeze3A, %and3A : i32
    %multiple_of3A = tpu.assume_multiple %and3A_4, 128 : i32
    %dma_start3A = arith.constant 0 : i32
    %dma_start3A_5 = arith.constant 0 : i32
    %dma_start3A_6 = arith.constant 0 : i32
    %dma_start3A_7 = tpu.memref_slice %arg6[%dma_start3A, %dma_start3A_5, %dma_start3A_6] : memref<16x16x128xf32, #tpu.memory_space<vmem>> -> memref<1x16x128xf32, #tpu.memory_space<vmem>>
    %dma_start3A_8 = tpu.memref_squeeze %dma_start3A_7 : memref<1x16x128xf32, #tpu.memory_space<vmem>> -> memref<16x128xf32, #tpu.memory_space<vmem>>
    %dma_start3A_9 = arith.constant 0 : i32
    %dma_start3A_10 = tpu.memref_slice %arg2[%dma_start3A_9, %multiple_of3A] : memref<16x1000000xf32, #tpu.memory_space<hbm>> -> memref<16x128xf32, #tpu.memory_space<hbm>>
    %dma_start3A_11 = arith.constant 0 : i32
    %dma_start3A_12 = arith.constant 0 : i32
    %dma_start3A_13 = tpu.memref_slice %arg6[%dma_start3A, %dma_start3A_11, %dma_start3A_12] : memref<16x16x128xf32, #tpu.memory_space<vmem>> -> memref<1x16x128xf32, #tpu.memory_space<vmem>>
    %dma_start3A_14 = tpu.memref_squeeze %dma_start3A_13 : memref<1x16x128xf32, #tpu.memory_space<vmem>> -> memref<16x128xf32, #tpu.memory_space<vmem>>
    %dma_start3A_15 = arith.constant 0 : i32
    %dma_start3A_16 = tpu.memref_slice %arg2[%dma_start3A_15, %multiple_of3A] : memref<16x1000000xf32, #tpu.memory_space<hbm>> -> memref<16x128xf32, #tpu.memory_space<hbm>>
    tpu.enqueue_dma source(%dma_start3A_16 : memref<16x128xf32, #tpu.memory_space<hbm>>) target(%dma_start3A_14 : memref<16x128xf32, #tpu.memory_space<vmem>>) target_semaphore(%arg8 : memref<!tpu.dma_semaphore, #tpu.memory_space<semaphore_mem>>)
    %slice3A_17 = vector.extract_strided_slice %get3A_3 {offsets = [1], sizes = [1], strides = [1]} : vector<16xi32> to vector<1xi32>
    %squeeze3A_18 = vector.extract %slice3A_17[0] : i32 from vector<1xi32>
    %and3A_19 = arith.constant -128 : i32
    %and3A_20 = arith.andi %squeeze3A_18, %and3A_19 : i32
    %multiple_of3A_21 = tpu.assume_multiple %and3A_20, 128 : i32
    %dma_start3A_22 = arith.constant 1 : i32
    %dma_start3A_23 = arith.constant 0 : i32
    %dma_start3A_24 = arith.constant 0 : i32
    %dma_start3A_25 = tpu.memref_slice %arg6[%dma_start3A_22, %dma_start3A_23, %dma_start3A_24] : memref<16x16x128xf32, #tpu.memory_space<vmem>> -> memref<1x16x128xf32, #tpu.memory_space<vmem>>
    %dma_start3A_26 = tpu.memref_squeeze %dma_start3A_25 : memref<1x16x128xf32, #tpu.memory_space<vmem>> -> memref<16x128xf32, #tpu.memory_space<vmem>>
    %dma_start3A_27 = arith.constant 0 : i32
    %dma_start3A_28 = tpu.memref_slice %arg2[%dma_start3A_27, %multiple_of3A_21] : memref<16x1000000xf32, #tpu.memory_space<hbm>> -> memref<16x128xf32, #tpu.memory_space<hbm>>
    %dma_start3A_29 = arith.constant 0 : i32
    %dma_start3A_30 = arith.constant 0 : i32
    %dma_start3A_31 = tpu.memref_slice %arg6[%dma_start3A_22, %dma_start3A_29, %dma_start3A_30] : memref<16x16x128xf32, #tpu.memory_space<vmem>> -> memref<1x16x128xf32, #tpu.memory_space<vmem>>
    %dma_start3A_32 = tpu.memref_squeeze %dma_start3A_31 : memref<1x16x128xf32, #tpu.memory_space<vmem>> -> memref<16x128xf32, #tpu.memory_space<vmem>>
    %dma_start3A_33 = arith.constant 0 : i32
    %dma_start3A_34 = tpu.memref_slice %arg2[%dma_start3A_33, %multiple_of3A_21] : memref<16x1000000xf32, #tpu.memory_space<hbm>> -> memref<16x128xf32, #tpu.memory_space<hbm>>
    tpu.enqueue_dma source(%dma_start3A_34 : memref<16x128xf32, #tpu.memory_space<hbm>>) target(%dma_start3A_32 : memref<16x128xf32, #tpu.memory_space<vmem>>) target_semaphore(%arg9 : memref<!tpu.dma_semaphore, #tpu.memory_space<semaphore_mem>>)
    %slice3A_35 = vector.extract_strided_slice %get3A_3 {offsets = [2], sizes = [1], strides = [1]} : vector<16xi32> to vector<1xi32>
    %squeeze3A_36 = vector.extract %slice3A_35[0] : i32 from vector<1xi32>
    %and3A_37 = arith.constant -128 : i32
    %and3A_38 = arith.andi %squeeze3A_36, %and3A_37 : i32
    %multiple_of3A_39 = tpu.assume_multiple %and3A_38, 128 : i32
    %dma_start3A_40 = arith.constant 2 : i32
    %dma_start3A_41 = arith.constant 0 : i32
    %dma_start3A_42 = arith.constant 0 : i32
    %dma_start3A_43 = tpu.memref_slice %arg6[%dma_start3A_40, %dma_start3A_41, %dma_start3A_42] : memref<16x16x128xf32, #tpu.memory_space<vmem>> -> memref<1x16x128xf32, #tpu.memory_space<vmem>>
    %dma_start3A_44 = tpu.memref_squeeze %dma_start3A_43 : memref<1x16x128xf32, #tpu.memory_space<vmem>> -> memref<16x128xf32, #tpu.memory_space<vmem>>
    %dma_start3A_45 = arith.constant 0 : i32
    %dma_start3A_46 = tpu.memref_slice %arg2[%dma_start3A_45, %multiple_of3A_39] : memref<16x1000000xf32, #tpu.memory_space<hbm>> -> memref<16x128xf32, #tpu.memory_space<hbm>>
    %dma_start3A_47 = arith.constant 0 : i32
    %dma_start3A_48 = arith.constant 0 : i32
    %dma_start3A_49 = tpu.memref_slice %arg6[%dma_start3A_40, %dma_start3A_47, %dma_start3A_48] : memref<16x16x128xf32, #tpu.memory_space<vmem>> -> memref<1x16x128xf32, #tpu.memory_space<vmem>>
    %dma_start3A_50 = tpu.memref_squeeze %dma_start3A_49 : memref<1x16x128xf32, #tpu.memory_space<vmem>> -> memref<16x128xf32, #tpu.memory_space<vmem>>
    %dma_start3A_51 = arith.constant 0 : i32
    %dma_start3A_52 = tpu.memref_slice %arg2[%dma_start3A_51, %multiple_of3A_39] : memref<16x1000000xf32, #tpu.memory_space<hbm>> -> memref<16x128xf32, #tpu.memory_space<hbm>>
    tpu.enqueue_dma source(%dma_start3A_52 : memref<16x128xf32, #tpu.memory_space<hbm>>) target(%dma_start3A_50 : memref<16x128xf32, #tpu.memory_space<vmem>>) target_semaphore(%arg10 : memref<!tpu.dma_semaphore, #tpu.memory_space<semaphore_mem>>)
    %slice3A_53 = vector.extract_strided_slice %get3A_3 {offsets = [3], sizes = [1], strides = [1]} : vector<16xi32> to vector<1xi32>
    %squeeze3A_54 = vector.extract %slice3A_53[0] : i32 from vector<1xi32>
    %and3A_55 = arith.constant -128 : i32
    %and3A_56 = arith.andi %squeeze3A_54, %and3A_55 : i32
    %multiple_of3A_57 = tpu.assume_multiple %and3A_56, 128 : i32
    %dma_start3A_58 = arith.constant 3 : i32
    %dma_start3A_59 = arith.constant 0 : i32
    %dma_start3A_60 = arith.constant 0 : i32
    %dma_start3A_61 = tpu.memref_slice %arg6[%dma_start3A_58, %dma_start3A_59, %dma_start3A_60] : memref<16x16x128xf32, #tpu.memory_space<vmem>> -> memref<1x16x128xf32, #tpu.memory_space<vmem>>
    %dma_start3A_62 = tpu.memref_squeeze %dma_start3A_61 : memref<1x16x128xf32, #tpu.memory_space<vmem>> -> memref<16x128xf32, #tpu.memory_space<vmem>>
    %dma_start3A_63 = arith.constant 0 : i32
    %dma_start3A_64 = tpu.memref_slice %arg2[%dma_start3A_63, %multiple_of3A_57] : memref<16x1000000xf32, #tpu.memory_space<hbm>> -> memref<16x128xf32, #tpu.memory_space<hbm>>
    %dma_start3A_65 = arith.constant 0 : i32
    %dma_start3A_66 = arith.constant 0 : i32
    %dma_start3A_67 = tpu.memref_slice %arg6[%dma_start3A_58, %dma_start3A_65, %dma_start3A_66] : memref<16x16x128xf32, #tpu.memory_space<vmem>> -> memref<1x16x128xf32, #tpu.memory_space<vmem>>
    %dma_start3A_68 = tpu.memref_squeeze %dma_start3A_67 : memref<1x16x128xf32, #tpu.memory_space<vmem>> -> memref<16x128xf32, #tpu.memory_space<vmem>>
    %dma_start3A_69 = arith.constant 0 : i32
    %dma_start3A_70 = tpu.memref_slice %arg2[%dma_start3A_69, %multiple_of3A_57] : memref<16x1000000xf32, #tpu.memory_space<hbm>> -> memref<16x128xf32, #tpu.memory_space<hbm>>
    tpu.enqueue_dma source(%dma_start3A_70 : memref<16x128xf32, #tpu.memory_space<hbm>>) target(%dma_start3A_68 : memref<16x128xf32, #tpu.memory_space<vmem>>) target_semaphore(%arg11 : memref<!tpu.dma_semaphore, #tpu.memory_space<semaphore_mem>>)
    %slice3A_71 = vector.extract_strided_slice %get3A_3 {offsets = [4], sizes = [1], strides = [1]} : vector<16xi32> to vector<1xi32>
    %squeeze3A_72 = vector.extract %slice3A_71[0] : i32 from vector<1xi32>
    %and3A_73 = arith.constant -128 : i32
    %and3A_74 = arith.andi %squeeze3A_72, %and3A_73 : i32
    %multiple_of3A_75 = tpu.assume_multiple %and3A_74, 128 : i32
    %dma_start3A_76 = arith.constant 4 : i32
    %dma_start3A_77 = arith.constant 0 : i32
    %dma_start3A_78 = arith.constant 0 : i32
    %dma_start3A_79 = tpu.memref_slice %arg6[%dma_start3A_76, %dma_start3A_77, %dma_start3A_78] : memref<16x16x128xf32, #tpu.memory_space<vmem>> -> memref<1x16x128xf32, #tpu.memory_space<vmem>>
    %dma_start3A_80 = tpu.memref_squeeze %dma_start3A_79 : memref<1x16x128xf32, #tpu.memory_space<vmem>> -> memref<16x128xf32, #tpu.memory_space<vmem>>
    %dma_start3A_81 = arith.constant 0 : i32
    %dma_start3A_82 = tpu.memref_slice %arg2[%dma_start3A_81, %multiple_of3A_75] : memref<16x1000000xf32, #tpu.memory_space<hbm>> -> memref<16x128xf32, #tpu.memory_space<hbm>>
    %dma_start3A_83 = arith.constant 0 : i32
    %dma_start3A_84 = arith.constant 0 : i32
    %dma_start3A_85 = tpu.memref_slice %arg6[%dma_start3A_76, %dma_start3A_83, %dma_start3A_84] : memref<16x16x128xf32, #tpu.memory_space<vmem>> -> memref<1x16x128xf32, #tpu.memory_space<vmem>>
    %dma_start3A_86 = tpu.memref_squeeze %dma_start3A_85 : memref<1x16x128xf32, #tpu.memory_space<vmem>> -> memref<16x128xf32, #tpu.memory_space<vmem>>
    %dma_start3A_87 = arith.constant 0 : i32
    %dma_start3A_88 = tpu.memref_slice %arg2[%dma_start3A_87, %multiple_of3A_75] : memref<16x1000000xf32, #tpu.memory_space<hbm>> -> memref<16x128xf32, #tpu.memory_space<hbm>>
    tpu.enqueue_dma source(%dma_start3A_88 : memref<16x128xf32, #tpu.memory_space<hbm>>) target(%dma_start3A_86 : memref<16x128xf32, #tpu.memory_space<vmem>>) target_semaphore(%arg12 : memref<!tpu.dma_semaphore, #tpu.memory_space<semaphore_mem>>)
    %slice3A_89 = vector.extract_strided_slice %get3A_3 {offsets = [5], sizes = [1], strides = [1]} : vector<16xi32> to vector<1xi32>
    %squeeze3A_90 = vector.extract %slice3A_89[0] : i32 from vector<1xi32>
    %and3A_91 = arith.constant -128 : i32
    %and3A_92 = arith.andi %squeeze3A_90, %and3A_91 : i32
    %multiple_of3A_93 = tpu.assume_multiple %and3A_92, 128 : i32
    %dma_start3A_94 = arith.constant 5 : i32
    %dma_start3A_95 = arith.constant 0 : i32
    %dma_start3A_96 = arith.constant 0 : i32
    %dma_start3A_97 = tpu.memref_slice %arg6[%dma_start3A_94, %dma_start3A_95, %dma_start3A_96] : memref<16x16x128xf32, #tpu.memory_space<vmem>> -> memref<1x16x128xf32, #tpu.memory_space<vmem>>
    %dma_start3A_98 = tpu.memref_squeeze %dma_start3A_97 : memref<1x16x128xf32, #tpu.memory_space<vmem>> -> memref<16x128xf32, #tpu.memory_space<vmem>>
    %dma_start3A_99 = arith.constant 0 : i32
    %dma_start3A_100 = tpu.memref_slice %arg2[%dma_start3A_99, %multiple_of3A_93] : memref<16x1000000xf32, #tpu.memory_space<hbm>> -> memref<16x128xf32, #tpu.memory_space<hbm>>
    %dma_start3A_101 = arith.constant 0 : i32
    %dma_start3A_102 = arith.constant 0 : i32
    %dma_start3A_103 = tpu.memref_slice %arg6[%dma_start3A_94, %dma_start3A_101, %dma_start3A_102] : memref<16x16x128xf32, #tpu.memory_space<vmem>> -> memref<1x16x128xf32, #tpu.memory_space<vmem>>
    %dma_start3A_104 = tpu.memref_squeeze %dma_start3A_103 : memref<1x16x128xf32, #tpu.memory_space<vmem>> -> memref<16x128xf32, #tpu.memory_space<vmem>>
    %dma_start3A_105 = arith.constant 0 : i32
    %dma_start3A_106 = tpu.memref_slice %arg2[%dma_start3A_105, %multiple_of3A_93] : memref<16x1000000xf32, #tpu.memory_space<hbm>> -> memref<16x128xf32, #tpu.memory_space<hbm>>
    tpu.enqueue_dma source(%dma_start3A_106 : memref<16x128xf32, #tpu.memory_space<hbm>>) target(%dma_start3A_104 : memref<16x128xf32, #tpu.memory_space<vmem>>) target_semaphore(%arg13 : memref<!tpu.dma_semaphore, #tpu.memory_space<semaphore_mem>>)
    %slice3A_107 = vector.extract_strided_slice %get3A_3 {offsets = [6], sizes = [1], strides = [1]} : vector<16xi32> to vector<1xi32>
    %squeeze3A_108 = vector.extract %slice3A_107[0] : i32 from vector<1xi32>
    %and3A_109 = arith.constant -128 : i32
    %and3A_110 = arith.andi %squeeze3A_108, %and3A_109 : i32
    %multiple_of3A_111 = tpu.assume_multiple %and3A_110, 128 : i32
    %dma_start3A_112 = arith.constant 6 : i32
    %dma_start3A_113 = arith.constant 0 : i32
    %dma_start3A_114 = arith.constant 0 : i32
    %dma_start3A_115 = tpu.memref_slice %arg6[%dma_start3A_112, %dma_start3A_113, %dma_start3A_114] : memref<16x16x128xf32, #tpu.memory_space<vmem>> -> memref<1x16x128xf32, #tpu.memory_space<vmem>>
    %dma_start3A_116 = tpu.memref_squeeze %dma_start3A_115 : memref<1x16x128xf32, #tpu.memory_space<vmem>> -> memref<16x128xf32, #tpu.memory_space<vmem>>
    %dma_start3A_117 = arith.constant 0 : i32
    %dma_start3A_118 = tpu.memref_slice %arg2[%dma_start3A_117, %multiple_of3A_111] : memref<16x1000000xf32, #tpu.memory_space<hbm>> -> memref<16x128xf32, #tpu.memory_space<hbm>>
    %dma_start3A_119 = arith.constant 0 : i32
    %dma_start3A_120 = arith.constant 0 : i32
    %dma_start3A_121 = tpu.memref_slice %arg6[%dma_start3A_112, %dma_start3A_119, %dma_start3A_120] : memref<16x16x128xf32, #tpu.memory_space<vmem>> -> memref<1x16x128xf32, #tpu.memory_space<vmem>>
    %dma_start3A_122 = tpu.memref_squeeze %dma_start3A_121 : memref<1x16x128xf32, #tpu.memory_space<vmem>> -> memref<16x128xf32, #tpu.memory_space<vmem>>
    %dma_start3A_123 = arith.constant 0 : i32
    %dma_start3A_124 = tpu.memref_slice %arg2[%dma_start3A_123, %multiple_of3A_111] : memref<16x1000000xf32, #tpu.memory_space<hbm>> -> memref<16x128xf32, #tpu.memory_space<hbm>>
    tpu.enqueue_dma source(%dma_start3A_124 : memref<16x128xf32, #tpu.memory_space<hbm>>) target(%dma_start3A_122 : memref<16x128xf32, #tpu.memory_space<vmem>>) target_semaphore(%arg14 : memref<!tpu.dma_semaphore, #tpu.memory_space<semaphore_mem>>)
    %slice3A_125 = vector.extract_strided_slice %get3A_3 {offsets = [7], sizes = [1], strides = [1]} : vector<16xi32> to vector<1xi32>
    %squeeze3A_126 = vector.extract %slice3A_125[0] : i32 from vector<1xi32>
    %and3A_127 = arith.constant -128 : i32
    %and3A_128 = arith.andi %squeeze3A_126, %and3A_127 : i32
    %multiple_of3A_129 = tpu.assume_multiple %and3A_128, 128 : i32
    %dma_start3A_130 = arith.constant 7 : i32
    %dma_start3A_131 = arith.constant 0 : i32
    %dma_start3A_132 = arith.constant 0 : i32
    %dma_start3A_133 = tpu.memref_slice %arg6[%dma_start3A_130, %dma_start3A_131, %dma_start3A_132] : memref<16x16x128xf32, #tpu.memory_space<vmem>> -> memref<1x16x128xf32, #tpu.memory_space<vmem>>
    %dma_start3A_134 = tpu.memref_squeeze %dma_start3A_133 : memref<1x16x128xf32, #tpu.memory_space<vmem>> -> memref<16x128xf32, #tpu.memory_space<vmem>>
    %dma_start3A_135 = arith.constant 0 : i32
    %dma_start3A_136 = tpu.memref_slice %arg2[%dma_start3A_135, %multiple_of3A_129] : memref<16x1000000xf32, #tpu.memory_space<hbm>> -> memref<16x128xf32, #tpu.memory_space<hbm>>
    %dma_start3A_137 = arith.constant 0 : i32
    %dma_start3A_138 = arith.constant 0 : i32
    %dma_start3A_139 = tpu.memref_slice %arg6[%dma_start3A_130, %dma_start3A_137, %dma_start3A_138] : memref<16x16x128xf32, #tpu.memory_space<vmem>> -> memref<1x16x128xf32, #tpu.memory_space<vmem>>
    %dma_start3A_140 = tpu.memref_squeeze %dma_start3A_139 : memref<1x16x128xf32, #tpu.memory_space<vmem>> -> memref<16x128xf32, #tpu.memory_space<vmem>>
    %dma_start3A_141 = arith.constant 0 : i32
    %dma_start3A_142 = tpu.memref_slice %arg2[%dma_start3A_141, %multiple_of3A_129] : memref<16x1000000xf32, #tpu.memory_space<hbm>> -> memref<16x128xf32, #tpu.memory_space<hbm>>
    tpu.enqueue_dma source(%dma_start3A_142 : memref<16x128xf32, #tpu.memory_space<hbm>>) target(%dma_start3A_140 : memref<16x128xf32, #tpu.memory_space<vmem>>) target_semaphore(%arg15 : memref<!tpu.dma_semaphore, #tpu.memory_space<semaphore_mem>>)
    %slice3A_143 = vector.extract_strided_slice %get3A_3 {offsets = [8], sizes = [1], strides = [1]} : vector<16xi32> to vector<1xi32>
    %squeeze3A_144 = vector.extract %slice3A_143[0] : i32 from vector<1xi32>
    %and3A_145 = arith.constant -128 : i32
    %and3A_146 = arith.andi %squeeze3A_144, %and3A_145 : i32
    %multiple_of3A_147 = tpu.assume_multiple %and3A_146, 128 : i32
    %dma_start3A_148 = arith.constant 8 : i32
    %dma_start3A_149 = arith.constant 0 : i32
    %dma_start3A_150 = arith.constant 0 : i32
    %dma_start3A_151 = tpu.memref_slice %arg6[%dma_start3A_148, %dma_start3A_149, %dma_start3A_150] : memref<16x16x128xf32, #tpu.memory_space<vmem>> -> memref<1x16x128xf32, #tpu.memory_space<vmem>>
    %dma_start3A_152 = tpu.memref_squeeze %dma_start3A_151 : memref<1x16x128xf32, #tpu.memory_space<vmem>> -> memref<16x128xf32, #tpu.memory_space<vmem>>
    %dma_start3A_153 = arith.constant 0 : i32
    %dma_start3A_154 = tpu.memref_slice %arg2[%dma_start3A_153, %multiple_of3A_147] : memref<16x1000000xf32, #tpu.memory_space<hbm>> -> memref<16x128xf32, #tpu.memory_space<hbm>>
    %dma_start3A_155 = arith.constant 0 : i32
    %dma_start3A_156 = arith.constant 0 : i32
    %dma_start3A_157 = tpu.memref_slice %arg6[%dma_start3A_148, %dma_start3A_155, %dma_start3A_156] : memref<16x16x128xf32, #tpu.memory_space<vmem>> -> memref<1x16x128xf32, #tpu.memory_space<vmem>>
    %dma_start3A_158 = tpu.memref_squeeze %dma_start3A_157 : memref<1x16x128xf32, #tpu.memory_space<vmem>> -> memref<16x128xf32, #tpu.memory_space<vmem>>
    %dma_start3A_159 = arith.constant 0 : i32
    %dma_start3A_160 = tpu.memref_slice %arg2[%dma_start3A_159, %multiple_of3A_147] : memref<16x1000000xf32, #tpu.memory_space<hbm>> -> memref<16x128xf32, #tpu.memory_space<hbm>>
    tpu.enqueue_dma source(%dma_start3A_160 : memref<16x128xf32, #tpu.memory_space<hbm>>) target(%dma_start3A_158 : memref<16x128xf32, #tpu.memory_space<vmem>>) target_semaphore(%arg16 : memref<!tpu.dma_semaphore, #tpu.memory_space<semaphore_mem>>)
    %slice3A_161 = vector.extract_strided_slice %get3A_3 {offsets = [9], sizes = [1], strides = [1]} : vector<16xi32> to vector<1xi32>
    %squeeze3A_162 = vector.extract %slice3A_161[0] : i32 from vector<1xi32>
    %and3A_163 = arith.constant -128 : i32
    %and3A_164 = arith.andi %squeeze3A_162, %and3A_163 : i32
    %multiple_of3A_165 = tpu.assume_multiple %and3A_164, 128 : i32
    %dma_start3A_166 = arith.constant 9 : i32
    %dma_start3A_167 = arith.constant 0 : i32
    %dma_start3A_168 = arith.constant 0 : i32
    %dma_start3A_169 = tpu.memref_slice %arg6[%dma_start3A_166, %dma_start3A_167, %dma_start3A_168] : memref<16x16x128xf32, #tpu.memory_space<vmem>> -> memref<1x16x128xf32, #tpu.memory_space<vmem>>
    %dma_start3A_170 = tpu.memref_squeeze %dma_start3A_169 : memref<1x16x128xf32, #tpu.memory_space<vmem>> -> memref<16x128xf32, #tpu.memory_space<vmem>>
    %dma_start3A_171 = arith.constant 0 : i32
    %dma_start3A_172 = tpu.memref_slice %arg2[%dma_start3A_171, %multiple_of3A_165] : memref<16x1000000xf32, #tpu.memory_space<hbm>> -> memref<16x128xf32, #tpu.memory_space<hbm>>
    %dma_start3A_173 = arith.constant 0 : i32
    %dma_start3A_174 = arith.constant 0 : i32
    %dma_start3A_175 = tpu.memref_slice %arg6[%dma_start3A_166, %dma_start3A_173, %dma_start3A_174] : memref<16x16x128xf32, #tpu.memory_space<vmem>> -> memref<1x16x128xf32, #tpu.memory_space<vmem>>
    %dma_start3A_176 = tpu.memref_squeeze %dma_start3A_175 : memref<1x16x128xf32, #tpu.memory_space<vmem>> -> memref<16x128xf32, #tpu.memory_space<vmem>>
    %dma_start3A_177 = arith.constant 0 : i32
    %dma_start3A_178 = tpu.memref_slice %arg2[%dma_start3A_177, %multiple_of3A_165] : memref<16x1000000xf32, #tpu.memory_space<hbm>> -> memref<16x128xf32, #tpu.memory_space<hbm>>
    tpu.enqueue_dma source(%dma_start3A_178 : memref<16x128xf32, #tpu.memory_space<hbm>>) target(%dma_start3A_176 : memref<16x128xf32, #tpu.memory_space<vmem>>) target_semaphore(%arg17 : memref<!tpu.dma_semaphore, #tpu.memory_space<semaphore_mem>>)
    %slice3A_179 = vector.extract_strided_slice %get3A_3 {offsets = [10], sizes = [1], strides = [1]} : vector<16xi32> to vector<1xi32>
    %squeeze3A_180 = vector.extract %slice3A_179[0] : i32 from vector<1xi32>
    %and3A_181 = arith.constant -128 : i32
    %and3A_182 = arith.andi %squeeze3A_180, %and3A_181 : i32
    %multiple_of3A_183 = tpu.assume_multiple %and3A_182, 128 : i32
    %dma_start3A_184 = arith.constant 10 : i32
    %dma_start3A_185 = arith.constant 0 : i32
    %dma_start3A_186 = arith.constant 0 : i32
    %dma_start3A_187 = tpu.memref_slice %arg6[%dma_start3A_184, %dma_start3A_185, %dma_start3A_186] : memref<16x16x128xf32, #tpu.memory_space<vmem>> -> memref<1x16x128xf32, #tpu.memory_space<vmem>>
    %dma_start3A_188 = tpu.memref_squeeze %dma_start3A_187 : memref<1x16x128xf32, #tpu.memory_space<vmem>> -> memref<16x128xf32, #tpu.memory_space<vmem>>
    %dma_start3A_189 = arith.constant 0 : i32
    %dma_start3A_190 = tpu.memref_slice %arg2[%dma_start3A_189, %multiple_of3A_183] : memref<16x1000000xf32, #tpu.memory_space<hbm>> -> memref<16x128xf32, #tpu.memory_space<hbm>>
    %dma_start3A_191 = arith.constant 0 : i32
    %dma_start3A_192 = arith.constant 0 : i32
    %dma_start3A_193 = tpu.memref_slice %arg6[%dma_start3A_184, %dma_start3A_191, %dma_start3A_192] : memref<16x16x128xf32, #tpu.memory_space<vmem>> -> memref<1x16x128xf32, #tpu.memory_space<vmem>>
    %dma_start3A_194 = tpu.memref_squeeze %dma_start3A_193 : memref<1x16x128xf32, #tpu.memory_space<vmem>> -> memref<16x128xf32, #tpu.memory_space<vmem>>
    %dma_start3A_195 = arith.constant 0 : i32
    %dma_start3A_196 = tpu.memref_slice %arg2[%dma_start3A_195, %multiple_of3A_183] : memref<16x1000000xf32, #tpu.memory_space<hbm>> -> memref<16x128xf32, #tpu.memory_space<hbm>>
    tpu.enqueue_dma source(%dma_start3A_196 : memref<16x128xf32, #tpu.memory_space<hbm>>) target(%dma_start3A_194 : memref<16x128xf32, #tpu.memory_space<vmem>>) target_semaphore(%arg18 : memref<!tpu.dma_semaphore, #tpu.memory_space<semaphore_mem>>)
    %slice3A_197 = vector.extract_strided_slice %get3A_3 {offsets = [11], sizes = [1], strides = [1]} : vector<16xi32> to vector<1xi32>
    %squeeze3A_198 = vector.extract %slice3A_197[0] : i32 from vector<1xi32>
    %and3A_199 = arith.constant -128 : i32
    %and3A_200 = arith.andi %squeeze3A_198, %and3A_199 : i32
    %multiple_of3A_201 = tpu.assume_multiple %and3A_200, 128 : i32
    %dma_start3A_202 = arith.constant 11 : i32
    %dma_start3A_203 = arith.constant 0 : i32
    %dma_start3A_204 = arith.constant 0 : i32
    %dma_start3A_205 = tpu.memref_slice %arg6[%dma_start3A_202, %dma_start3A_203, %dma_start3A_204] : memref<16x16x128xf32, #tpu.memory_space<vmem>> -> memref<1x16x128xf32, #tpu.memory_space<vmem>>
    %dma_start3A_206 = tpu.memref_squeeze %dma_start3A_205 : memref<1x16x128xf32, #tpu.memory_space<vmem>> -> memref<16x128xf32, #tpu.memory_space<vmem>>
    %dma_start3A_207 = arith.constant 0 : i32
    %dma_start3A_208 = tpu.memref_slice %arg2[%dma_start3A_207, %multiple_of3A_201] : memref<16x1000000xf32, #tpu.memory_space<hbm>> -> memref<16x128xf32, #tpu.memory_space<hbm>>
    %dma_start3A_209 = arith.constant 0 : i32
    %dma_start3A_210 = arith.constant 0 : i32
    %dma_start3A_211 = tpu.memref_slice %arg6[%dma_start3A_202, %dma_start3A_209, %dma_start3A_210] : memref<16x16x128xf32, #tpu.memory_space<vmem>> -> memref<1x16x128xf32, #tpu.memory_space<vmem>>
    %dma_start3A_212 = tpu.memref_squeeze %dma_start3A_211 : memref<1x16x128xf32, #tpu.memory_space<vmem>> -> memref<16x128xf32, #tpu.memory_space<vmem>>
    %dma_start3A_213 = arith.constant 0 : i32
    %dma_start3A_214 = tpu.memref_slice %arg2[%dma_start3A_213, %multiple_of3A_201] : memref<16x1000000xf32, #tpu.memory_space<hbm>> -> memref<16x128xf32, #tpu.memory_space<hbm>>
    tpu.enqueue_dma source(%dma_start3A_214 : memref<16x128xf32, #tpu.memory_space<hbm>>) target(%dma_start3A_212 : memref<16x128xf32, #tpu.memory_space<vmem>>) target_semaphore(%arg19 : memref<!tpu.dma_semaphore, #tpu.memory_space<semaphore_mem>>)
    %slice3A_215 = vector.extract_strided_slice %get3A_3 {offsets = [12], sizes = [1], strides = [1]} : vector<16xi32> to vector<1xi32>
    %squeeze3A_216 = vector.extract %slice3A_215[0] : i32 from vector<1xi32>
    %and3A_217 = arith.constant -128 : i32
    %and3A_218 = arith.andi %squeeze3A_216, %and3A_217 : i32
    %multiple_of3A_219 = tpu.assume_multiple %and3A_218, 128 : i32
    %dma_start3A_220 = arith.constant 12 : i32
    %dma_start3A_221 = arith.constant 0 : i32
    %dma_start3A_222 = arith.constant 0 : i32
    %dma_start3A_223 = tpu.memref_slice %arg6[%dma_start3A_220, %dma_start3A_221, %dma_start3A_222] : memref<16x16x128xf32, #tpu.memory_space<vmem>> -> memref<1x16x128xf32, #tpu.memory_space<vmem>>
    %dma_start3A_224 = tpu.memref_squeeze %dma_start3A_223 : memref<1x16x128xf32, #tpu.memory_space<vmem>> -> memref<16x128xf32, #tpu.memory_space<vmem>>
    %dma_start3A_225 = arith.constant 0 : i32
    %dma_start3A_226 = tpu.memref_slice %arg2[%dma_start3A_225, %multiple_of3A_219] : memref<16x1000000xf32, #tpu.memory_space<hbm>> -> memref<16x128xf32, #tpu.memory_space<hbm>>
    %dma_start3A_227 = arith.constant 0 : i32
    %dma_start3A_228 = arith.constant 0 : i32
    %dma_start3A_229 = tpu.memref_slice %arg6[%dma_start3A_220, %dma_start3A_227, %dma_start3A_228] : memref<16x16x128xf32, #tpu.memory_space<vmem>> -> memref<1x16x128xf32, #tpu.memory_space<vmem>>
    %dma_start3A_230 = tpu.memref_squeeze %dma_start3A_229 : memref<1x16x128xf32, #tpu.memory_space<vmem>> -> memref<16x128xf32, #tpu.memory_space<vmem>>
    %dma_start3A_231 = arith.constant 0 : i32
    %dma_start3A_232 = tpu.memref_slice %arg2[%dma_start3A_231, %multiple_of3A_219] : memref<16x1000000xf32, #tpu.memory_space<hbm>> -> memref<16x128xf32, #tpu.memory_space<hbm>>
    tpu.enqueue_dma source(%dma_start3A_232 : memref<16x128xf32, #tpu.memory_space<hbm>>) target(%dma_start3A_230 : memref<16x128xf32, #tpu.memory_space<vmem>>) target_semaphore(%arg20 : memref<!tpu.dma_semaphore, #tpu.memory_space<semaphore_mem>>)
    %slice3A_233 = vector.extract_strided_slice %get3A_3 {offsets = [13], sizes = [1], strides = [1]} : vector<16xi32> to vector<1xi32>
    %squeeze3A_234 = vector.extract %slice3A_233[0] : i32 from vector<1xi32>
    %and3A_235 = arith.constant -128 : i32
    %and3A_236 = arith.andi %squeeze3A_234, %and3A_235 : i32
    %multiple_of3A_237 = tpu.assume_multiple %and3A_236, 128 : i32
    %dma_start3A_238 = arith.constant 13 : i32
    %dma_start3A_239 = arith.constant 0 : i32
    %dma_start3A_240 = arith.constant 0 : i32
    %dma_start3A_241 = tpu.memref_slice %arg6[%dma_start3A_238, %dma_start3A_239, %dma_start3A_240] : memref<16x16x128xf32, #tpu.memory_space<vmem>> -> memref<1x16x128xf32, #tpu.memory_space<vmem>>
    %dma_start3A_242 = tpu.memref_squeeze %dma_start3A_241 : memref<1x16x128xf32, #tpu.memory_space<vmem>> -> memref<16x128xf32, #tpu.memory_space<vmem>>
    %dma_start3A_243 = arith.constant 0 : i32
    %dma_start3A_244 = tpu.memref_slice %arg2[%dma_start3A_243, %multiple_of3A_237] : memref<16x1000000xf32, #tpu.memory_space<hbm>> -> memref<16x128xf32, #tpu.memory_space<hbm>>
    %dma_start3A_245 = arith.constant 0 : i32
    %dma_start3A_246 = arith.constant 0 : i32
    %dma_start3A_247 = tpu.memref_slice %arg6[%dma_start3A_238, %dma_start3A_245, %dma_start3A_246] : memref<16x16x128xf32, #tpu.memory_space<vmem>> -> memref<1x16x128xf32, #tpu.memory_space<vmem>>
    %dma_start3A_248 = tpu.memref_squeeze %dma_start3A_247 : memref<1x16x128xf32, #tpu.memory_space<vmem>> -> memref<16x128xf32, #tpu.memory_space<vmem>>
    %dma_start3A_249 = arith.constant 0 : i32
    %dma_start3A_250 = tpu.memref_slice %arg2[%dma_start3A_249, %multiple_of3A_237] : memref<16x1000000xf32, #tpu.memory_space<hbm>> -> memref<16x128xf32, #tpu.memory_space<hbm>>
    tpu.enqueue_dma source(%dma_start3A_250 : memref<16x128xf32, #tpu.memory_space<hbm>>) target(%dma_start3A_248 : memref<16x128xf32, #tpu.memory_space<vmem>>) target_semaphore(%arg21 : memref<!tpu.dma_semaphore, #tpu.memory_space<semaphore_mem>>)
    %slice3A_251 = vector.extract_strided_slice %get3A_3 {offsets = [14], sizes = [1], strides = [1]} : vector<16xi32> to vector<1xi32>
    %squeeze3A_252 = vector.extract %slice3A_251[0] : i32 from vector<1xi32>
    %and3A_253 = arith.constant -128 : i32
    %and3A_254 = arith.andi %squeeze3A_252, %and3A_253 : i32
    %multiple_of3A_255 = tpu.assume_multiple %and3A_254, 128 : i32
    %dma_start3A_256 = arith.constant 14 : i32
    %dma_start3A_257 = arith.constant 0 : i32
    %dma_start3A_258 = arith.constant 0 : i32
    %dma_start3A_259 = tpu.memref_slice %arg6[%dma_start3A_256, %dma_start3A_257, %dma_start3A_258] : memref<16x16x128xf32, #tpu.memory_space<vmem>> -> memref<1x16x128xf32, #tpu.memory_space<vmem>>
    %dma_start3A_260 = tpu.memref_squeeze %dma_start3A_259 : memref<1x16x128xf32, #tpu.memory_space<vmem>> -> memref<16x128xf32, #tpu.memory_space<vmem>>
    %dma_start3A_261 = arith.constant 0 : i32
    %dma_start3A_262 = tpu.memref_slice %arg2[%dma_start3A_261, %multiple_of3A_255] : memref<16x1000000xf32, #tpu.memory_space<hbm>> -> memref<16x128xf32, #tpu.memory_space<hbm>>
    %dma_start3A_263 = arith.constant 0 : i32
    %dma_start3A_264 = arith.constant 0 : i32
    %dma_start3A_265 = tpu.memref_slice %arg6[%dma_start3A_256, %dma_start3A_263, %dma_start3A_264] : memref<16x16x128xf32, #tpu.memory_space<vmem>> -> memref<1x16x128xf32, #tpu.memory_space<vmem>>
    %dma_start3A_266 = tpu.memref_squeeze %dma_start3A_265 : memref<1x16x128xf32, #tpu.memory_space<vmem>> -> memref<16x128xf32, #tpu.memory_space<vmem>>
    %dma_start3A_267 = arith.constant 0 : i32
    %dma_start3A_268 = tpu.memref_slice %arg2[%dma_start3A_267, %multiple_of3A_255] : memref<16x1000000xf32, #tpu.memory_space<hbm>> -> memref<16x128xf32, #tpu.memory_space<hbm>>
    tpu.enqueue_dma source(%dma_start3A_268 : memref<16x128xf32, #tpu.memory_space<hbm>>) target(%dma_start3A_266 : memref<16x128xf32, #tpu.memory_space<vmem>>) target_semaphore(%arg22 : memref<!tpu.dma_semaphore, #tpu.memory_space<semaphore_mem>>)
    %slice3A_269 = vector.extract_strided_slice %get3A_3 {offsets = [15], sizes = [1], strides = [1]} : vector<16xi32> to vector<1xi32>
    %squeeze3A_270 = vector.extract %slice3A_269[0] : i32 from vector<1xi32>
    %and3A_271 = arith.constant -128 : i32
    %and3A_272 = arith.andi %squeeze3A_270, %and3A_271 : i32
    %multiple_of3A_273 = tpu.assume_multiple %and3A_272, 128 : i32
    %dma_start3A_274 = arith.constant 15 : i32
    %dma_start3A_275 = arith.constant 0 : i32
    %dma_start3A_276 = arith.constant 0 : i32
    %dma_start3A_277 = tpu.memref_slice %arg6[%dma_start3A_274, %dma_start3A_275, %dma_start3A_276] : memref<16x16x128xf32, #tpu.memory_space<vmem>> -> memref<1x16x128xf32, #tpu.memory_space<vmem>>
    %dma_start3A_278 = tpu.memref_squeeze %dma_start3A_277 : memref<1x16x128xf32, #tpu.memory_space<vmem>> -> memref<16x128xf32, #tpu.memory_space<vmem>>
    %dma_start3A_279 = arith.constant 0 : i32
    %dma_start3A_280 = tpu.memref_slice %arg2[%dma_start3A_279, %multiple_of3A_273] : memref<16x1000000xf32, #tpu.memory_space<hbm>> -> memref<16x128xf32, #tpu.memory_space<hbm>>
    %dma_start3A_281 = arith.constant 0 : i32
    %dma_start3A_282 = arith.constant 0 : i32
    %dma_start3A_283 = tpu.memref_slice %arg6[%dma_start3A_274, %dma_start3A_281, %dma_start3A_282] : memref<16x16x128xf32, #tpu.memory_space<vmem>> -> memref<1x16x128xf32, #tpu.memory_space<vmem>>
    %dma_start3A_284 = tpu.memref_squeeze %dma_start3A_283 : memref<1x16x128xf32, #tpu.memory_space<vmem>> -> memref<16x128xf32, #tpu.memory_space<vmem>>
    %dma_start3A_285 = arith.constant 0 : i32
    %dma_start3A_286 = tpu.memref_slice %arg2[%dma_start3A_285, %multiple_of3A_273] : memref<16x1000000xf32, #tpu.memory_space<hbm>> -> memref<16x128xf32, #tpu.memory_space<hbm>>
    tpu.enqueue_dma source(%dma_start3A_286 : memref<16x128xf32, #tpu.memory_space<hbm>>) target(%dma_start3A_284 : memref<16x128xf32, #tpu.memory_space<vmem>>) target_semaphore(%arg23 : memref<!tpu.dma_semaphore, #tpu.memory_space<semaphore_mem>>)
    %scan3A = arith.constant 0 : i32
    %scan3A_287 = arith.constant 0 : i32
    %scan3A_288 = arith.constant 31 : i32
    %scan3A_289 = arith.addi %scan3A_287, %scan3A_288 : i32
    %scan3A_290 = arith.constant 1 : i32
    scf.for %scan3A_691 = %scan3A_287 to %scan3A_289 step %scan3A_290  : i32 {
      %mul3A_692 = arith.constant 16 : i32
      %mul3A_693 = arith.muli %scan3A_691, %mul3A_692 : i32
      %multiple_of3A_694 = tpu.assume_multiple %mul3A_693, 16 : i32
      %get3A_695 = arith.index_cast %multiple_of3A_694 : i32 to index
      %get3A_696 = tpu.vector_load %arg5[%get3A_695] {strides = array<i32>} : memref<512xi32, #tpu.memory_space<vmem>>, vector<16xi32>,
      %add3A_697 = arith.constant 16 : i32
      %add3A_698 = arith.addi %multiple_of3A_694, %add3A_697 : i32
      %get3A_699 = arith.index_cast %add3A_698 : i32 to index
      %get3A_700 = tpu.vector_load %arg5[%get3A_699] {strides = array<i32>} : memref<512xi32, #tpu.memory_space<vmem>>, vector<16xi32>,
      %slice3A_701 = vector.extract_strided_slice %get3A_696 {offsets = [0], sizes = [1], strides = [1]} : vector<16xi32> to vector<1xi32>
      %squeeze3A_702 = vector.extract %slice3A_701[0] : i32 from vector<1xi32>
      %add3A_703 = arith.constant 0 : i32
      %add3A_704 = arith.addi %multiple_of3A_694, %add3A_703 : i32
      %dma_wait3A_705 = arith.constant 0 : i32
      %dma_wait3A_706 = arith.constant 0 : i32
      %dma_wait3A_707 = arith.constant 0 : i32
      %dma_wait3A_708 = tpu.memref_slice %arg6[%dma_wait3A_705, %dma_wait3A_706, %dma_wait3A_707] : memref<16x16x128xf32, #tpu.memory_space<vmem>> -> memref<1x16x128xf32, #tpu.memory_space<vmem>>
      %dma_wait3A_709 = tpu.memref_squeeze %dma_wait3A_708 : memref<1x16x128xf32, #tpu.memory_space<vmem>> -> memref<16x128xf32, #tpu.memory_space<vmem>>
      %dma_wait3A_710 = arith.constant 0 : i32
      %dma_wait3A_711 = arith.constant 0 : i32
      %dma_wait3A_712 = tpu.memref_slice %arg2[%dma_wait3A_710, %dma_wait3A_711] : memref<16x1000000xf32, #tpu.memory_space<hbm>> -> memref<16x128xf32, #tpu.memory_space<hbm>>
      %dma_wait3A_713 = arith.constant 0 : i32
      %dma_wait3A_714 = arith.constant 0 : i32
      %dma_wait3A_715 = tpu.memref_slice %arg6[%dma_wait3A_705, %dma_wait3A_713, %dma_wait3A_714] : memref<16x16x128xf32, #tpu.memory_space<vmem>> -> memref<1x16x128xf32, #tpu.memory_space<vmem>>
      %dma_wait3A_716 = tpu.memref_squeeze %dma_wait3A_715 : memref<1x16x128xf32, #tpu.memory_space<vmem>> -> memref<16x128xf32, #tpu.memory_space<vmem>>
      %dma_wait3A_717 = arith.constant 0 : i32
      %dma_wait3A_718 = arith.constant 0 : i32
      %dma_wait3A_719 = tpu.memref_slice %arg2[%dma_wait3A_717, %dma_wait3A_718] : memref<16x1000000xf32, #tpu.memory_space<hbm>> -> memref<16x128xf32, #tpu.memory_space<hbm>>
      tpu.wait_dma2 semaphore(%arg8 : memref<!tpu.dma_semaphore, #tpu.memory_space<semaphore_mem>>) src(%dma_wait3A_719 : memref<16x128xf32, #tpu.memory_space<hbm>>) dst(%dma_wait3A_716 : memref<16x128xf32, #tpu.memory_space<vmem>>)
      %broadcast_in_dim3A_720 = arith.constant 0 : i32
      %broadcast_in_dim3A_721 = vector.broadcast %broadcast_in_dim3A_720 : i32 to vector<16xi32>
      %and3A_722 = arith.constant 127 : i32
      %and3A_723 = arith.andi %squeeze3A_702, %and3A_722 : i32
      %broadcast_in_dim3A_724 = vector.broadcast %and3A_723 : i32 to vector<16xi32>
      %gather3A_725 = tpu.vector_load_idx %arg6[%broadcast_in_dim3A_721, %iota3A, %broadcast_in_dim3A_724] : memref<16x16x128xf32, #tpu.memory_space<vmem>>[vector<16xi32>, vector<16xi32>, vector<16xi32>], vector<16xf32>,
      %broadcast_in_dim3A_726 = vector.broadcast %add3A_704 : i32 to vector<16xi32>
      tpu.vector_store_idx %arg7[%iota3A, %broadcast_in_dim3A_726], %gather3A_725 : memref<16x512xf32, #tpu.memory_space<vmem>>[vector<16xi32>, vector<16xi32>], vector<16xf32>,
      %slice3A_727 = vector.extract_strided_slice %get3A_700 {offsets = [0], sizes = [1], strides = [1]} : vector<16xi32> to vector<1xi32>
      %squeeze3A_728 = vector.extract %slice3A_727[0] : i32 from vector<1xi32>
      %and3A_729 = arith.constant -128 : i32
      %and3A_730 = arith.andi %squeeze3A_728, %and3A_729 : i32
      %multiple_of3A_731 = tpu.assume_multiple %and3A_730, 128 : i32
      %dma_start3A_732 = arith.constant 0 : i32
      %dma_start3A_733 = arith.constant 0 : i32
      %dma_start3A_734 = arith.constant 0 : i32
      %dma_start3A_735 = tpu.memref_slice %arg6[%dma_start3A_732, %dma_start3A_733, %dma_start3A_734] : memref<16x16x128xf32, #tpu.memory_space<vmem>> -> memref<1x16x128xf32, #tpu.memory_space<vmem>>
      %dma_start3A_736 = tpu.memref_squeeze %dma_start3A_735 : memref<1x16x128xf32, #tpu.memory_space<vmem>> -> memref<16x128xf32, #tpu.memory_space<vmem>>
      %dma_start3A_737 = arith.constant 0 : i32
      %dma_start3A_738 = tpu.memref_slice %arg2[%dma_start3A_737, %multiple_of3A_731] : memref<16x1000000xf32, #tpu.memory_space<hbm>> -> memref<16x128xf32, #tpu.memory_space<hbm>>
      %dma_start3A_739 = arith.constant 0 : i32
      %dma_start3A_740 = arith.constant 0 : i32
      %dma_start3A_741 = tpu.memref_slice %arg6[%dma_start3A_732, %dma_start3A_739, %dma_start3A_740] : memref<16x16x128xf32, #tpu.memory_space<vmem>> -> memref<1x16x128xf32, #tpu.memory_space<vmem>>
      %dma_start3A_742 = tpu.memref_squeeze %dma_start3A_741 : memref<1x16x128xf32, #tpu.memory_space<vmem>> -> memref<16x128xf32, #tpu.memory_space<vmem>>
      %dma_start3A_743 = arith.constant 0 : i32
      %dma_start3A_744 = tpu.memref_slice %arg2[%dma_start3A_743, %multiple_of3A_731] : memref<16x1000000xf32, #tpu.memory_space<hbm>> -> memref<16x128xf32, #tpu.memory_space<hbm>>
      tpu.enqueue_dma source(%dma_start3A_744 : memref<16x128xf32, #tpu.memory_space<hbm>>) target(%dma_start3A_742 : memref<16x128xf32, #tpu.memory_space<vmem>>) target_semaphore(%arg8 : memref<!tpu.dma_semaphore, #tpu.memory_space<semaphore_mem>>)
      %slice3A_745 = vector.extract_strided_slice %get3A_696 {offsets = [1], sizes = [1], strides = [1]} : vector<16xi32> to vector<1xi32>
      %squeeze3A_746 = vector.extract %slice3A_745[0] : i32 from vector<1xi32>
      %add3A_747 = arith.constant 1 : i32
      %add3A_748 = arith.addi %multiple_of3A_694, %add3A_747 : i32
      %dma_wait3A_749 = arith.constant 1 : i32
      %dma_wait3A_750 = arith.constant 0 : i32
      %dma_wait3A_751 = arith.constant 0 : i32
      %dma_wait3A_752 = tpu.memref_slice %arg6[%dma_wait3A_749, %dma_wait3A_750, %dma_wait3A_751] : memref<16x16x128xf32, #tpu.memory_space<vmem>> -> memref<1x16x128xf32, #tpu.memory_space<vmem>>
      %dma_wait3A_753 = tpu.memref_squeeze %dma_wait3A_752 : memref<1x16x128xf32, #tpu.memory_space<vmem>> -> memref<16x128xf32, #tpu.memory_space<vmem>>
      %dma_wait3A_754 = arith.constant 0 : i32
      %dma_wait3A_755 = arith.constant 0 : i32
      %dma_wait3A_756 = tpu.memref_slice %arg2[%dma_wait3A_754, %dma_wait3A_755] : memref<16x1000000xf32, #tpu.memory_space<hbm>> -> memref<16x128xf32, #tpu.memory_space<hbm>>
      %dma_wait3A_757 = arith.constant 0 : i32
      %dma_wait3A_758 = arith.constant 0 : i32
      %dma_wait3A_759 = tpu.memref_slice %arg6[%dma_wait3A_749, %dma_wait3A_757, %dma_wait3A_758] : memref<16x16x128xf32, #tpu.memory_space<vmem>> -> memref<1x16x128xf32, #tpu.memory_space<vmem>>
      %dma_wait3A_760 = tpu.memref_squeeze %dma_wait3A_759 : memref<1x16x128xf32, #tpu.memory_space<vmem>> -> memref<16x128xf32, #tpu.memory_space<vmem>>
      %dma_wait3A_761 = arith.constant 0 : i32
      %dma_wait3A_762 = arith.constant 0 : i32
      %dma_wait3A_763 = tpu.memref_slice %arg2[%dma_wait3A_761, %dma_wait3A_762] : memref<16x1000000xf32, #tpu.memory_space<hbm>> -> memref<16x128xf32, #tpu.memory_space<hbm>>
      tpu.wait_dma2 semaphore(%arg9 : memref<!tpu.dma_semaphore, #tpu.memory_space<semaphore_mem>>) src(%dma_wait3A_763 : memref<16x128xf32, #tpu.memory_space<hbm>>) dst(%dma_wait3A_760 : memref<16x128xf32, #tpu.memory_space<vmem>>)
      %broadcast_in_dim3A_764 = arith.constant 1 : i32
      %broadcast_in_dim3A_765 = vector.broadcast %broadcast_in_dim3A_764 : i32 to vector<16xi32>
      %and3A_766 = arith.constant 127 : i32
      %and3A_767 = arith.andi %squeeze3A_746, %and3A_766 : i32
      %broadcast_in_dim3A_768 = vector.broadcast %and3A_767 : i32 to vector<16xi32>
      %gather3A_769 = tpu.vector_load_idx %arg6[%broadcast_in_dim3A_765, %iota3A, %broadcast_in_dim3A_768] : memref<16x16x128xf32, #tpu.memory_space<vmem>>[vector<16xi32>, vector<16xi32>, vector<16xi32>], vector<16xf32>,
      %broadcast_in_dim3A_770 = vector.broadcast %add3A_748 : i32 to vector<16xi32>
      tpu.vector_store_idx %arg7[%iota3A, %broadcast_in_dim3A_770], %gather3A_769 : memref<16x512xf32, #tpu.memory_space<vmem>>[vector<16xi32>, vector<16xi32>], vector<16xf32>,
      %slice3A_771 = vector.extract_strided_slice %get3A_700 {offsets = [1], sizes = [1], strides = [1]} : vector<16xi32> to vector<1xi32>
      %squeeze3A_772 = vector.extract %slice3A_771[0] : i32 from vector<1xi32>
      %and3A_773 = arith.constant -128 : i32
      %and3A_774 = arith.andi %squeeze3A_772, %and3A_773 : i32
      %multiple_of3A_775 = tpu.assume_multiple %and3A_774, 128 : i32
      %dma_start3A_776 = arith.constant 1 : i32
      %dma_start3A_777 = arith.constant 0 : i32
      %dma_start3A_778 = arith.constant 0 : i32
      %dma_start3A_779 = tpu.memref_slice %arg6[%dma_start3A_776, %dma_start3A_777, %dma_start3A_778] : memref<16x16x128xf32, #tpu.memory_space<vmem>> -> memref<1x16x128xf32, #tpu.memory_space<vmem>>
      %dma_start3A_780 = tpu.memref_squeeze %dma_start3A_779 : memref<1x16x128xf32, #tpu.memory_space<vmem>> -> memref<16x128xf32, #tpu.memory_space<vmem>>
      %dma_start3A_781 = arith.constant 0 : i32
      %dma_start3A_782 = tpu.memref_slice %arg2[%dma_start3A_781, %multiple_of3A_775] : memref<16x1000000xf32, #tpu.memory_space<hbm>> -> memref<16x128xf32, #tpu.memory_space<hbm>>
      %dma_start3A_783 = arith.constant 0 : i32
      %dma_start3A_784 = arith.constant 0 : i32
      %dma_start3A_785 = tpu.memref_slice %arg6[%dma_start3A_776, %dma_start3A_783, %dma_start3A_784] : memref<16x16x128xf32, #tpu.memory_space<vmem>> -> memref<1x16x128xf32, #tpu.memory_space<vmem>>
      %dma_start3A_786 = tpu.memref_squeeze %dma_start3A_785 : memref<1x16x128xf32, #tpu.memory_space<vmem>> -> memref<16x128xf32, #tpu.memory_space<vmem>>
      %dma_start3A_787 = arith.constant 0 : i32
      %dma_start3A_788 = tpu.memref_slice %arg2[%dma_start3A_787, %multiple_of3A_775] : memref<16x1000000xf32, #tpu.memory_space<hbm>> -> memref<16x128xf32, #tpu.memory_space<hbm>>
      tpu.enqueue_dma source(%dma_start3A_788 : memref<16x128xf32, #tpu.memory_space<hbm>>) target(%dma_start3A_786 : memref<16x128xf32, #tpu.memory_space<vmem>>) target_semaphore(%arg9 : memref<!tpu.dma_semaphore, #tpu.memory_space<semaphore_mem>>)
      %slice3A_789 = vector.extract_strided_slice %get3A_696 {offsets = [2], sizes = [1], strides = [1]} : vector<16xi32> to vector<1xi32>
      %squeeze3A_790 = vector.extract %slice3A_789[0] : i32 from vector<1xi32>
      %add3A_791 = arith.constant 2 : i32
      %add3A_792 = arith.addi %multiple_of3A_694, %add3A_791 : i32
      %dma_wait3A_793 = arith.constant 2 : i32
      %dma_wait3A_794 = arith.constant 0 : i32
      %dma_wait3A_795 = arith.constant 0 : i32
      %dma_wait3A_796 = tpu.memref_slice %arg6[%dma_wait3A_793, %dma_wait3A_794, %dma_wait3A_795] : memref<16x16x128xf32, #tpu.memory_space<vmem>> -> memref<1x16x128xf32, #tpu.memory_space<vmem>>
      %dma_wait3A_797 = tpu.memref_squeeze %dma_wait3A_796 : memref<1x16x128xf32, #tpu.memory_space<vmem>> -> memref<16x128xf32, #tpu.memory_space<vmem>>
      %dma_wait3A_798 = arith.constant 0 : i32
      %dma_wait3A_799 = arith.constant 0 : i32
      %dma_wait3A_800 = tpu.memref_slice %arg2[%dma_wait3A_798, %dma_wait3A_799] : memref<16x1000000xf32, #tpu.memory_space<hbm>> -> memref<16x128xf32, #tpu.memory_space<hbm>>
      %dma_wait3A_801 = arith.constant 0 : i32
      %dma_wait3A_802 = arith.constant 0 : i32
      %dma_wait3A_803 = tpu.memref_slice %arg6[%dma_wait3A_793, %dma_wait3A_801, %dma_wait3A_802] : memref<16x16x128xf32, #tpu.memory_space<vmem>> -> memref<1x16x128xf32, #tpu.memory_space<vmem>>
      %dma_wait3A_804 = tpu.memref_squeeze %dma_wait3A_803 : memref<1x16x128xf32, #tpu.memory_space<vmem>> -> memref<16x128xf32, #tpu.memory_space<vmem>>
      %dma_wait3A_805 = arith.constant 0 : i32
      %dma_wait3A_806 = arith.constant 0 : i32
      %dma_wait3A_807 = tpu.memref_slice %arg2[%dma_wait3A_805, %dma_wait3A_806] : memref<16x1000000xf32, #tpu.memory_space<hbm>> -> memref<16x128xf32, #tpu.memory_space<hbm>>
      tpu.wait_dma2 semaphore(%arg10 : memref<!tpu.dma_semaphore, #tpu.memory_space<semaphore_mem>>) src(%dma_wait3A_807 : memref<16x128xf32, #tpu.memory_space<hbm>>) dst(%dma_wait3A_804 : memref<16x128xf32, #tpu.memory_space<vmem>>)
      %broadcast_in_dim3A_808 = arith.constant 2 : i32
      %broadcast_in_dim3A_809 = vector.broadcast %broadcast_in_dim3A_808 : i32 to vector<16xi32>
      %and3A_810 = arith.constant 127 : i32
      %and3A_811 = arith.andi %squeeze3A_790, %and3A_810 : i32
      %broadcast_in_dim3A_812 = vector.broadcast %and3A_811 : i32 to vector<16xi32>
      %gather3A_813 = tpu.vector_load_idx %arg6[%broadcast_in_dim3A_809, %iota3A, %broadcast_in_dim3A_812] : memref<16x16x128xf32, #tpu.memory_space<vmem>>[vector<16xi32>, vector<16xi32>, vector<16xi32>], vector<16xf32>,
      %broadcast_in_dim3A_814 = vector.broadcast %add3A_792 : i32 to vector<16xi32>
      tpu.vector_store_idx %arg7[%iota3A, %broadcast_in_dim3A_814], %gather3A_813 : memref<16x512xf32, #tpu.memory_space<vmem>>[vector<16xi32>, vector<16xi32>], vector<16xf32>,
      %slice3A_815 = vector.extract_strided_slice %get3A_700 {offsets = [2], sizes = [1], strides = [1]} : vector<16xi32> to vector<1xi32>
      %squeeze3A_816 = vector.extract %slice3A_815[0] : i32 from vector<1xi32>
      %and3A_817 = arith.constant -128 : i32
      %and3A_818 = arith.andi %squeeze3A_816, %and3A_817 : i32
      %multiple_of3A_819 = tpu.assume_multiple %and3A_818, 128 : i32
      %dma_start3A_820 = arith.constant 2 : i32
      %dma_start3A_821 = arith.constant 0 : i32
      %dma_start3A_822 = arith.constant 0 : i32
      %dma_start3A_823 = tpu.memref_slice %arg6[%dma_start3A_820, %dma_start3A_821, %dma_start3A_822] : memref<16x16x128xf32, #tpu.memory_space<vmem>> -> memref<1x16x128xf32, #tpu.memory_space<vmem>>
      %dma_start3A_824 = tpu.memref_squeeze %dma_start3A_823 : memref<1x16x128xf32, #tpu.memory_space<vmem>> -> memref<16x128xf32, #tpu.memory_space<vmem>>
      %dma_start3A_825 = arith.constant 0 : i32
      %dma_start3A_826 = tpu.memref_slice %arg2[%dma_start3A_825, %multiple_of3A_819] : memref<16x1000000xf32, #tpu.memory_space<hbm>> -> memref<16x128xf32, #tpu.memory_space<hbm>>
      %dma_start3A_827 = arith.constant 0 : i32
      %dma_start3A_828 = arith.constant 0 : i32
      %dma_start3A_829 = tpu.memref_slice %arg6[%dma_start3A_820, %dma_start3A_827, %dma_start3A_828] : memref<16x16x128xf32, #tpu.memory_space<vmem>> -> memref<1x16x128xf32, #tpu.memory_space<vmem>>
      %dma_start3A_830 = tpu.memref_squeeze %dma_start3A_829 : memref<1x16x128xf32, #tpu.memory_space<vmem>> -> memref<16x128xf32, #tpu.memory_space<vmem>>
      %dma_start3A_831 = arith.constant 0 : i32
      %dma_start3A_832 = tpu.memref_slice %arg2[%dma_start3A_831, %multiple_of3A_819] : memref<16x1000000xf32, #tpu.memory_space<hbm>> -> memref<16x128xf32, #tpu.memory_space<hbm>>
      tpu.enqueue_dma source(%dma_start3A_832 : memref<16x128xf32, #tpu.memory_space<hbm>>) target(%dma_start3A_830 : memref<16x128xf32, #tpu.memory_space<vmem>>) target_semaphore(%arg10 : memref<!tpu.dma_semaphore, #tpu.memory_space<semaphore_mem>>)
      %slice3A_833 = vector.extract_strided_slice %get3A_696 {offsets = [3], sizes = [1], strides = [1]} : vector<16xi32> to vector<1xi32>
      %squeeze3A_834 = vector.extract %slice3A_833[0] : i32 from vector<1xi32>
      %add3A_835 = arith.constant 3 : i32
      %add3A_836 = arith.addi %multiple_of3A_694, %add3A_835 : i32
      %dma_wait3A_837 = arith.constant 3 : i32
      %dma_wait3A_838 = arith.constant 0 : i32
      %dma_wait3A_839 = arith.constant 0 : i32
      %dma_wait3A_840 = tpu.memref_slice %arg6[%dma_wait3A_837, %dma_wait3A_838, %dma_wait3A_839] : memref<16x16x128xf32, #tpu.memory_space<vmem>> -> memref<1x16x128xf32, #tpu.memory_space<vmem>>
      %dma_wait3A_841 = tpu.memref_squeeze %dma_wait3A_840 : memref<1x16x128xf32, #tpu.memory_space<vmem>> -> memref<16x128xf32, #tpu.memory_space<vmem>>
      %dma_wait3A_842 = arith.constant 0 : i32
      %dma_wait3A_843 = arith.constant 0 : i32
      %dma_wait3A_844 = tpu.memref_slice %arg2[%dma_wait3A_842, %dma_wait3A_843] : memref<16x1000000xf32, #tpu.memory_space<hbm>> -> memref<16x128xf32, #tpu.memory_space<hbm>>
      %dma_wait3A_845 = arith.constant 0 : i32
      %dma_wait3A_846 = arith.constant 0 : i32
      %dma_wait3A_847 = tpu.memref_slice %arg6[%dma_wait3A_837, %dma_wait3A_845, %dma_wait3A_846] : memref<16x16x128xf32, #tpu.memory_space<vmem>> -> memref<1x16x128xf32, #tpu.memory_space<vmem>>
      %dma_wait3A_848 = tpu.memref_squeeze %dma_wait3A_847 : memref<1x16x128xf32, #tpu.memory_space<vmem>> -> memref<16x128xf32, #tpu.memory_space<vmem>>
      %dma_wait3A_849 = arith.constant 0 : i32
      %dma_wait3A_850 = arith.constant 0 : i32
      %dma_wait3A_851 = tpu.memref_slice %arg2[%dma_wait3A_849, %dma_wait3A_850] : memref<16x1000000xf32, #tpu.memory_space<hbm>> -> memref<16x128xf32, #tpu.memory_space<hbm>>
      tpu.wait_dma2 semaphore(%arg11 : memref<!tpu.dma_semaphore, #tpu.memory_space<semaphore_mem>>) src(%dma_wait3A_851 : memref<16x128xf32, #tpu.memory_space<hbm>>) dst(%dma_wait3A_848 : memref<16x128xf32, #tpu.memory_space<vmem>>)
      %broadcast_in_dim3A_852 = arith.constant 3 : i32
      %broadcast_in_dim3A_853 = vector.broadcast %broadcast_in_dim3A_852 : i32 to vector<16xi32>
      %and3A_854 = arith.constant 127 : i32
      %and3A_855 = arith.andi %squeeze3A_834, %and3A_854 : i32
      %broadcast_in_dim3A_856 = vector.broadcast %and3A_855 : i32 to vector<16xi32>
      %gather3A_857 = tpu.vector_load_idx %arg6[%broadcast_in_dim3A_853, %iota3A, %broadcast_in_dim3A_856] : memref<16x16x128xf32, #tpu.memory_space<vmem>>[vector<16xi32>, vector<16xi32>, vector<16xi32>], vector<16xf32>,
      %broadcast_in_dim3A_858 = vector.broadcast %add3A_836 : i32 to vector<16xi32>
      tpu.vector_store_idx %arg7[%iota3A, %broadcast_in_dim3A_858], %gather3A_857 : memref<16x512xf32, #tpu.memory_space<vmem>>[vector<16xi32>, vector<16xi32>], vector<16xf32>,
      %slice3A_859 = vector.extract_strided_slice %get3A_700 {offsets = [3], sizes = [1], strides = [1]} : vector<16xi32> to vector<1xi32>
      %squeeze3A_860 = vector.extract %slice3A_859[0] : i32 from vector<1xi32>
      %and3A_861 = arith.constant -128 : i32
      %and3A_862 = arith.andi %squeeze3A_860, %and3A_861 : i32
      %multiple_of3A_863 = tpu.assume_multiple %and3A_862, 128 : i32
      %dma_start3A_864 = arith.constant 3 : i32
      %dma_start3A_865 = arith.constant 0 : i32
      %dma_start3A_866 = arith.constant 0 : i32
      %dma_start3A_867 = tpu.memref_slice %arg6[%dma_start3A_864, %dma_start3A_865, %dma_start3A_866] : memref<16x16x128xf32, #tpu.memory_space<vmem>> -> memref<1x16x128xf32, #tpu.memory_space<vmem>>
      %dma_start3A_868 = tpu.memref_squeeze %dma_start3A_867 : memref<1x16x128xf32, #tpu.memory_space<vmem>> -> memref<16x128xf32, #tpu.memory_space<vmem>>
      %dma_start3A_869 = arith.constant 0 : i32
      %dma_start3A_870 = tpu.memref_slice %arg2[%dma_start3A_869, %multiple_of3A_863] : memref<16x1000000xf32, #tpu.memory_space<hbm>> -> memref<16x128xf32, #tpu.memory_space<hbm>>
      %dma_start3A_871 = arith.constant 0 : i32
      %dma_start3A_872 = arith.constant 0 : i32
      %dma_start3A_873 = tpu.memref_slice %arg6[%dma_start3A_864, %dma_start3A_871, %dma_start3A_872] : memref<16x16x128xf32, #tpu.memory_space<vmem>> -> memref<1x16x128xf32, #tpu.memory_space<vmem>>
      %dma_start3A_874 = tpu.memref_squeeze %dma_start3A_873 : memref<1x16x128xf32, #tpu.memory_space<vmem>> -> memref<16x128xf32, #tpu.memory_space<vmem>>
      %dma_start3A_875 = arith.constant 0 : i32
      %dma_start3A_876 = tpu.memref_slice %arg2[%dma_start3A_875, %multiple_of3A_863] : memref<16x1000000xf32, #tpu.memory_space<hbm>> -> memref<16x128xf32, #tpu.memory_space<hbm>>
      tpu.enqueue_dma source(%dma_start3A_876 : memref<16x128xf32, #tpu.memory_space<hbm>>) target(%dma_start3A_874 : memref<16x128xf32, #tpu.memory_space<vmem>>) target_semaphore(%arg11 : memref<!tpu.dma_semaphore, #tpu.memory_space<semaphore_mem>>)
      %slice3A_877 = vector.extract_strided_slice %get3A_696 {offsets = [4], sizes = [1], strides = [1]} : vector<16xi32> to vector<1xi32>
      %squeeze3A_878 = vector.extract %slice3A_877[0] : i32 from vector<1xi32>
      %add3A_879 = arith.constant 4 : i32
      %add3A_880 = arith.addi %multiple_of3A_694, %add3A_879 : i32
      %dma_wait3A_881 = arith.constant 4 : i32
      %dma_wait3A_882 = arith.constant 0 : i32
      %dma_wait3A_883 = arith.constant 0 : i32
      %dma_wait3A_884 = tpu.memref_slice %arg6[%dma_wait3A_881, %dma_wait3A_882, %dma_wait3A_883] : memref<16x16x128xf32, #tpu.memory_space<vmem>> -> memref<1x16x128xf32, #tpu.memory_space<vmem>>
      %dma_wait3A_885 = tpu.memref_squeeze %dma_wait3A_884 : memref<1x16x128xf32, #tpu.memory_space<vmem>> -> memref<16x128xf32, #tpu.memory_space<vmem>>
      %dma_wait3A_886 = arith.constant 0 : i32
      %dma_wait3A_887 = arith.constant 0 : i32
      %dma_wait3A_888 = tpu.memref_slice %arg2[%dma_wait3A_886, %dma_wait3A_887] : memref<16x1000000xf32, #tpu.memory_space<hbm>> -> memref<16x128xf32, #tpu.memory_space<hbm>>
      %dma_wait3A_889 = arith.constant 0 : i32
      %dma_wait3A_890 = arith.constant 0 : i32
      %dma_wait3A_891 = tpu.memref_slice %arg6[%dma_wait3A_881, %dma_wait3A_889, %dma_wait3A_890] : memref<16x16x128xf32, #tpu.memory_space<vmem>> -> memref<1x16x128xf32, #tpu.memory_space<vmem>>
      %dma_wait3A_892 = tpu.memref_squeeze %dma_wait3A_891 : memref<1x16x128xf32, #tpu.memory_space<vmem>> -> memref<16x128xf32, #tpu.memory_space<vmem>>
      %dma_wait3A_893 = arith.constant 0 : i32
      %dma_wait3A_894 = arith.constant 0 : i32
      %dma_wait3A_895 = tpu.memref_slice %arg2[%dma_wait3A_893, %dma_wait3A_894] : memref<16x1000000xf32, #tpu.memory_space<hbm>> -> memref<16x128xf32, #tpu.memory_space<hbm>>
      tpu.wait_dma2 semaphore(%arg12 : memref<!tpu.dma_semaphore, #tpu.memory_space<semaphore_mem>>) src(%dma_wait3A_895 : memref<16x128xf32, #tpu.memory_space<hbm>>) dst(%dma_wait3A_892 : memref<16x128xf32, #tpu.memory_space<vmem>>)
      %broadcast_in_dim3A_896 = arith.constant 4 : i32
      %broadcast_in_dim3A_897 = vector.broadcast %broadcast_in_dim3A_896 : i32 to vector<16xi32>
      %and3A_898 = arith.constant 127 : i32
      %and3A_899 = arith.andi %squeeze3A_878, %and3A_898 : i32
      %broadcast_in_dim3A_900 = vector.broadcast %and3A_899 : i32 to vector<16xi32>
      %gather3A_901 = tpu.vector_load_idx %arg6[%broadcast_in_dim3A_897, %iota3A, %broadcast_in_dim3A_900] : memref<16x16x128xf32, #tpu.memory_space<vmem>>[vector<16xi32>, vector<16xi32>, vector<16xi32>], vector<16xf32>,
      %broadcast_in_dim3A_902 = vector.broadcast %add3A_880 : i32 to vector<16xi32>
      tpu.vector_store_idx %arg7[%iota3A, %broadcast_in_dim3A_902], %gather3A_901 : memref<16x512xf32, #tpu.memory_space<vmem>>[vector<16xi32>, vector<16xi32>], vector<16xf32>,
      %slice3A_903 = vector.extract_strided_slice %get3A_700 {offsets = [4], sizes = [1], strides = [1]} : vector<16xi32> to vector<1xi32>
      %squeeze3A_904 = vector.extract %slice3A_903[0] : i32 from vector<1xi32>
      %and3A_905 = arith.constant -128 : i32
      %and3A_906 = arith.andi %squeeze3A_904, %and3A_905 : i32
      %multiple_of3A_907 = tpu.assume_multiple %and3A_906, 128 : i32
      %dma_start3A_908 = arith.constant 4 : i32
      %dma_start3A_909 = arith.constant 0 : i32
      %dma_start3A_910 = arith.constant 0 : i32
      %dma_start3A_911 = tpu.memref_slice %arg6[%dma_start3A_908, %dma_start3A_909, %dma_start3A_910] : memref<16x16x128xf32, #tpu.memory_space<vmem>> -> memref<1x16x128xf32, #tpu.memory_space<vmem>>
      %dma_start3A_912 = tpu.memref_squeeze %dma_start3A_911 : memref<1x16x128xf32, #tpu.memory_space<vmem>> -> memref<16x128xf32, #tpu.memory_space<vmem>>
      %dma_start3A_913 = arith.constant 0 : i32
      %dma_start3A_914 = tpu.memref_slice %arg2[%dma_start3A_913, %multiple_of3A_907] : memref<16x1000000xf32, #tpu.memory_space<hbm>> -> memref<16x128xf32, #tpu.memory_space<hbm>>
      %dma_start3A_915 = arith.constant 0 : i32
      %dma_start3A_916 = arith.constant 0 : i32
      %dma_start3A_917 = tpu.memref_slice %arg6[%dma_start3A_908, %dma_start3A_915, %dma_start3A_916] : memref<16x16x128xf32, #tpu.memory_space<vmem>> -> memref<1x16x128xf32, #tpu.memory_space<vmem>>
      %dma_start3A_918 = tpu.memref_squeeze %dma_start3A_917 : memref<1x16x128xf32, #tpu.memory_space<vmem>> -> memref<16x128xf32, #tpu.memory_space<vmem>>
      %dma_start3A_919 = arith.constant 0 : i32
      %dma_start3A_920 = tpu.memref_slice %arg2[%dma_start3A_919, %multiple_of3A_907] : memref<16x1000000xf32, #tpu.memory_space<hbm>> -> memref<16x128xf32, #tpu.memory_space<hbm>>
      tpu.enqueue_dma source(%dma_start3A_920 : memref<16x128xf32, #tpu.memory_space<hbm>>) target(%dma_start3A_918 : memref<16x128xf32, #tpu.memory_space<vmem>>) target_semaphore(%arg12 : memref<!tpu.dma_semaphore, #tpu.memory_space<semaphore_mem>>)
      %slice3A_921 = vector.extract_strided_slice %get3A_696 {offsets = [5], sizes = [1], strides = [1]} : vector<16xi32> to vector<1xi32>
      %squeeze3A_922 = vector.extract %slice3A_921[0] : i32 from vector<1xi32>
      %add3A_923 = arith.constant 5 : i32
      %add3A_924 = arith.addi %multiple_of3A_694, %add3A_923 : i32
      %dma_wait3A_925 = arith.constant 5 : i32
      %dma_wait3A_926 = arith.constant 0 : i32
      %dma_wait3A_927 = arith.constant 0 : i32
      %dma_wait3A_928 = tpu.memref_slice %arg6[%dma_wait3A_925, %dma_wait3A_926, %dma_wait3A_927] : memref<16x16x128xf32, #tpu.memory_space<vmem>> -> memref<1x16x128xf32, #tpu.memory_space<vmem>>
      %dma_wait3A_929 = tpu.memref_squeeze %dma_wait3A_928 : memref<1x16x128xf32, #tpu.memory_space<vmem>> -> memref<16x128xf32, #tpu.memory_space<vmem>>
      %dma_wait3A_930 = arith.constant 0 : i32
      %dma_wait3A_931 = arith.constant 0 : i32
      %dma_wait3A_932 = tpu.memref_slice %arg2[%dma_wait3A_930, %dma_wait3A_931] : memref<16x1000000xf32, #tpu.memory_space<hbm>> -> memref<16x128xf32, #tpu.memory_space<hbm>>
      %dma_wait3A_933 = arith.constant 0 : i32
      %dma_wait3A_934 = arith.constant 0 : i32
      %dma_wait3A_935 = tpu.memref_slice %arg6[%dma_wait3A_925, %dma_wait3A_933, %dma_wait3A_934] : memref<16x16x128xf32, #tpu.memory_space<vmem>> -> memref<1x16x128xf32, #tpu.memory_space<vmem>>
      %dma_wait3A_936 = tpu.memref_squeeze %dma_wait3A_935 : memref<1x16x128xf32, #tpu.memory_space<vmem>> -> memref<16x128xf32, #tpu.memory_space<vmem>>
      %dma_wait3A_937 = arith.constant 0 : i32
      %dma_wait3A_938 = arith.constant 0 : i32
      %dma_wait3A_939 = tpu.memref_slice %arg2[%dma_wait3A_937, %dma_wait3A_938] : memref<16x1000000xf32, #tpu.memory_space<hbm>> -> memref<16x128xf32, #tpu.memory_space<hbm>>
      tpu.wait_dma2 semaphore(%arg13 : memref<!tpu.dma_semaphore, #tpu.memory_space<semaphore_mem>>) src(%dma_wait3A_939 : memref<16x128xf32, #tpu.memory_space<hbm>>) dst(%dma_wait3A_936 : memref<16x128xf32, #tpu.memory_space<vmem>>)
      %broadcast_in_dim3A_940 = arith.constant 5 : i32
      %broadcast_in_dim3A_941 = vector.broadcast %broadcast_in_dim3A_940 : i32 to vector<16xi32>
      %and3A_942 = arith.constant 127 : i32
      %and3A_943 = arith.andi %squeeze3A_922, %and3A_942 : i32
      %broadcast_in_dim3A_944 = vector.broadcast %and3A_943 : i32 to vector<16xi32>
      %gather3A_945 = tpu.vector_load_idx %arg6[%broadcast_in_dim3A_941, %iota3A, %broadcast_in_dim3A_944] : memref<16x16x128xf32, #tpu.memory_space<vmem>>[vector<16xi32>, vector<16xi32>, vector<16xi32>], vector<16xf32>,
      %broadcast_in_dim3A_946 = vector.broadcast %add3A_924 : i32 to vector<16xi32>
      tpu.vector_store_idx %arg7[%iota3A, %broadcast_in_dim3A_946], %gather3A_945 : memref<16x512xf32, #tpu.memory_space<vmem>>[vector<16xi32>, vector<16xi32>], vector<16xf32>,
      %slice3A_947 = vector.extract_strided_slice %get3A_700 {offsets = [5], sizes = [1], strides = [1]} : vector<16xi32> to vector<1xi32>
      %squeeze3A_948 = vector.extract %slice3A_947[0] : i32 from vector<1xi32>
      %and3A_949 = arith.constant -128 : i32
      %and3A_950 = arith.andi %squeeze3A_948, %and3A_949 : i32
      %multiple_of3A_951 = tpu.assume_multiple %and3A_950, 128 : i32
      %dma_start3A_952 = arith.constant 5 : i32
      %dma_start3A_953 = arith.constant 0 : i32
      %dma_start3A_954 = arith.constant 0 : i32
      %dma_start3A_955 = tpu.memref_slice %arg6[%dma_start3A_952, %dma_start3A_953, %dma_start3A_954] : memref<16x16x128xf32, #tpu.memory_space<vmem>> -> memref<1x16x128xf32, #tpu.memory_space<vmem>>
      %dma_start3A_956 = tpu.memref_squeeze %dma_start3A_955 : memref<1x16x128xf32, #tpu.memory_space<vmem>> -> memref<16x128xf32, #tpu.memory_space<vmem>>
      %dma_start3A_957 = arith.constant 0 : i32
      %dma_start3A_958 = tpu.memref_slice %arg2[%dma_start3A_957, %multiple_of3A_951] : memref<16x1000000xf32, #tpu.memory_space<hbm>> -> memref<16x128xf32, #tpu.memory_space<hbm>>
      %dma_start3A_959 = arith.constant 0 : i32
      %dma_start3A_960 = arith.constant 0 : i32
      %dma_start3A_961 = tpu.memref_slice %arg6[%dma_start3A_952, %dma_start3A_959, %dma_start3A_960] : memref<16x16x128xf32, #tpu.memory_space<vmem>> -> memref<1x16x128xf32, #tpu.memory_space<vmem>>
      %dma_start3A_962 = tpu.memref_squeeze %dma_start3A_961 : memref<1x16x128xf32, #tpu.memory_space<vmem>> -> memref<16x128xf32, #tpu.memory_space<vmem>>
      %dma_start3A_963 = arith.constant 0 : i32
      %dma_start3A_964 = tpu.memref_slice %arg2[%dma_start3A_963, %multiple_of3A_951] : memref<16x1000000xf32, #tpu.memory_space<hbm>> -> memref<16x128xf32, #tpu.memory_space<hbm>>
      tpu.enqueue_dma source(%dma_start3A_964 : memref<16x128xf32, #tpu.memory_space<hbm>>) target(%dma_start3A_962 : memref<16x128xf32, #tpu.memory_space<vmem>>) target_semaphore(%arg13 : memref<!tpu.dma_semaphore, #tpu.memory_space<semaphore_mem>>)
      %slice3A_965 = vector.extract_strided_slice %get3A_696 {offsets = [6], sizes = [1], strides = [1]} : vector<16xi32> to vector<1xi32>
      %squeeze3A_966 = vector.extract %slice3A_965[0] : i32 from vector<1xi32>
      %add3A_967 = arith.constant 6 : i32
      %add3A_968 = arith.addi %multiple_of3A_694, %add3A_967 : i32
      %dma_wait3A_969 = arith.constant 6 : i32
      %dma_wait3A_970 = arith.constant 0 : i32
      %dma_wait3A_971 = arith.constant 0 : i32
      %dma_wait3A_972 = tpu.memref_slice %arg6[%dma_wait3A_969, %dma_wait3A_970, %dma_wait3A_971] : memref<16x16x128xf32, #tpu.memory_space<vmem>> -> memref<1x16x128xf32, #tpu.memory_space<vmem>>
      %dma_wait3A_973 = tpu.memref_squeeze %dma_wait3A_972 : memref<1x16x128xf32, #tpu.memory_space<vmem>> -> memref<16x128xf32, #tpu.memory_space<vmem>>
      %dma_wait3A_974 = arith.constant 0 : i32
      %dma_wait3A_975 = arith.constant 0 : i32
      %dma_wait3A_976 = tpu.memref_slice %arg2[%dma_wait3A_974, %dma_wait3A_975] : memref<16x1000000xf32, #tpu.memory_space<hbm>> -> memref<16x128xf32, #tpu.memory_space<hbm>>
      %dma_wait3A_977 = arith.constant 0 : i32
      %dma_wait3A_978 = arith.constant 0 : i32
      %dma_wait3A_979 = tpu.memref_slice %arg6[%dma_wait3A_969, %dma_wait3A_977, %dma_wait3A_978] : memref<16x16x128xf32, #tpu.memory_space<vmem>> -> memref<1x16x128xf32, #tpu.memory_space<vmem>>
      %dma_wait3A_980 = tpu.memref_squeeze %dma_wait3A_979 : memref<1x16x128xf32, #tpu.memory_space<vmem>> -> memref<16x128xf32, #tpu.memory_space<vmem>>
      %dma_wait3A_981 = arith.constant 0 : i32
      %dma_wait3A_982 = arith.constant 0 : i32
      %dma_wait3A_983 = tpu.memref_slice %arg2[%dma_wait3A_981, %dma_wait3A_982] : memref<16x1000000xf32, #tpu.memory_space<hbm>> -> memref<16x128xf32, #tpu.memory_space<hbm>>
      tpu.wait_dma2 semaphore(%arg14 : memref<!tpu.dma_semaphore, #tpu.memory_space<semaphore_mem>>) src(%dma_wait3A_983 : memref<16x128xf32, #tpu.memory_space<hbm>>) dst(%dma_wait3A_980 : memref<16x128xf32, #tpu.memory_space<vmem>>)
      %broadcast_in_dim3A_984 = arith.constant 6 : i32
      %broadcast_in_dim3A_985 = vector.broadcast %broadcast_in_dim3A_984 : i32 to vector<16xi32>
      %and3A_986 = arith.constant 127 : i32
      %and3A_987 = arith.andi %squeeze3A_966, %and3A_986 : i32
      %broadcast_in_dim3A_988 = vector.broadcast %and3A_987 : i32 to vector<16xi32>
      %gather3A_989 = tpu.vector_load_idx %arg6[%broadcast_in_dim3A_985, %iota3A, %broadcast_in_dim3A_988] : memref<16x16x128xf32, #tpu.memory_space<vmem>>[vector<16xi32>, vector<16xi32>, vector<16xi32>], vector<16xf32>,
      %broadcast_in_dim3A_990 = vector.broadcast %add3A_968 : i32 to vector<16xi32>
      tpu.vector_store_idx %arg7[%iota3A, %broadcast_in_dim3A_990], %gather3A_989 : memref<16x512xf32, #tpu.memory_space<vmem>>[vector<16xi32>, vector<16xi32>], vector<16xf32>,
      %slice3A_991 = vector.extract_strided_slice %get3A_700 {offsets = [6], sizes = [1], strides = [1]} : vector<16xi32> to vector<1xi32>
      %squeeze3A_992 = vector.extract %slice3A_991[0] : i32 from vector<1xi32>
      %and3A_993 = arith.constant -128 : i32
      %and3A_994 = arith.andi %squeeze3A_992, %and3A_993 : i32
      %multiple_of3A_995 = tpu.assume_multiple %and3A_994, 128 : i32
      %dma_start3A_996 = arith.constant 6 : i32
      %dma_start3A_997 = arith.constant 0 : i32
      %dma_start3A_998 = arith.constant 0 : i32
      %dma_start3A_999 = tpu.memref_slice %arg6[%dma_start3A_996, %dma_start3A_997, %dma_start3A_998] : memref<16x16x128xf32, #tpu.memory_space<vmem>> -> memref<1x16x128xf32, #tpu.memory_space<vmem>>
      %dma_start3A_1000 = tpu.memref_squeeze %dma_start3A_999 : memref<1x16x128xf32, #tpu.memory_space<vmem>> -> memref<16x128xf32, #tpu.memory_space<vmem>>
      %dma_start3A_1001 = arith.constant 0 : i32
      %dma_start3A_1002 = tpu.memref_slice %arg2[%dma_start3A_1001, %multiple_of3A_995] : memref<16x1000000xf32, #tpu.memory_space<hbm>> -> memref<16x128xf32, #tpu.memory_space<hbm>>
      %dma_start3A_1003 = arith.constant 0 : i32
      %dma_start3A_1004 = arith.constant 0 : i32
      %dma_start3A_1005 = tpu.memref_slice %arg6[%dma_start3A_996, %dma_start3A_1003, %dma_start3A_1004] : memref<16x16x128xf32, #tpu.memory_space<vmem>> -> memref<1x16x128xf32, #tpu.memory_space<vmem>>
      %dma_start3A_1006 = tpu.memref_squeeze %dma_start3A_1005 : memref<1x16x128xf32, #tpu.memory_space<vmem>> -> memref<16x128xf32, #tpu.memory_space<vmem>>
      %dma_start3A_1007 = arith.constant 0 : i32
      %dma_start3A_1008 = tpu.memref_slice %arg2[%dma_start3A_1007, %multiple_of3A_995] : memref<16x1000000xf32, #tpu.memory_space<hbm>> -> memref<16x128xf32, #tpu.memory_space<hbm>>
      tpu.enqueue_dma source(%dma_start3A_1008 : memref<16x128xf32, #tpu.memory_space<hbm>>) target(%dma_start3A_1006 : memref<16x128xf32, #tpu.memory_space<vmem>>) target_semaphore(%arg14 : memref<!tpu.dma_semaphore, #tpu.memory_space<semaphore_mem>>)
      %slice3A_1009 = vector.extract_strided_slice %get3A_696 {offsets = [7], sizes = [1], strides = [1]} : vector<16xi32> to vector<1xi32>
      %squeeze3A_1010 = vector.extract %slice3A_1009[0] : i32 from vector<1xi32>
      %add3A_1011 = arith.constant 7 : i32
      %add3A_1012 = arith.addi %multiple_of3A_694, %add3A_1011 : i32
      %dma_wait3A_1013 = arith.constant 7 : i32
      %dma_wait3A_1014 = arith.constant 0 : i32
      %dma_wait3A_1015 = arith.constant 0 : i32
      %dma_wait3A_1016 = tpu.memref_slice %arg6[%dma_wait3A_1013, %dma_wait3A_1014, %dma_wait3A_1015] : memref<16x16x128xf32, #tpu.memory_space<vmem>> -> memref<1x16x128xf32, #tpu.memory_space<vmem>>
      %dma_wait3A_1017 = tpu.memref_squeeze %dma_wait3A_1016 : memref<1x16x128xf32, #tpu.memory_space<vmem>> -> memref<16x128xf32, #tpu.memory_space<vmem>>
      %dma_wait3A_1018 = arith.constant 0 : i32
      %dma_wait3A_1019 = arith.constant 0 : i32
      %dma_wait3A_1020 = tpu.memref_slice %arg2[%dma_wait3A_1018, %dma_wait3A_1019] : memref<16x1000000xf32, #tpu.memory_space<hbm>> -> memref<16x128xf32, #tpu.memory_space<hbm>>
      %dma_wait3A_1021 = arith.constant 0 : i32
      %dma_wait3A_1022 = arith.constant 0 : i32
      %dma_wait3A_1023 = tpu.memref_slice %arg6[%dma_wait3A_1013, %dma_wait3A_1021, %dma_wait3A_1022] : memref<16x16x128xf32, #tpu.memory_space<vmem>> -> memref<1x16x128xf32, #tpu.memory_space<vmem>>
      %dma_wait3A_1024 = tpu.memref_squeeze %dma_wait3A_1023 : memref<1x16x128xf32, #tpu.memory_space<vmem>> -> memref<16x128xf32, #tpu.memory_space<vmem>>
      %dma_wait3A_1025 = arith.constant 0 : i32
      %dma_wait3A_1026 = arith.constant 0 : i32
      %dma_wait3A_1027 = tpu.memref_slice %arg2[%dma_wait3A_1025, %dma_wait3A_1026] : memref<16x1000000xf32, #tpu.memory_space<hbm>> -> memref<16x128xf32, #tpu.memory_space<hbm>>
      tpu.wait_dma2 semaphore(%arg15 : memref<!tpu.dma_semaphore, #tpu.memory_space<semaphore_mem>>) src(%dma_wait3A_1027 : memref<16x128xf32, #tpu.memory_space<hbm>>) dst(%dma_wait3A_1024 : memref<16x128xf32, #tpu.memory_space<vmem>>)
      %broadcast_in_dim3A_1028 = arith.constant 7 : i32
      %broadcast_in_dim3A_1029 = vector.broadcast %broadcast_in_dim3A_1028 : i32 to vector<16xi32>
      %and3A_1030 = arith.constant 127 : i32
      %and3A_1031 = arith.andi %squeeze3A_1010, %and3A_1030 : i32
      %broadcast_in_dim3A_1032 = vector.broadcast %and3A_1031 : i32 to vector<16xi32>
      %gather3A_1033 = tpu.vector_load_idx %arg6[%broadcast_in_dim3A_1029, %iota3A, %broadcast_in_dim3A_1032] : memref<16x16x128xf32, #tpu.memory_space<vmem>>[vector<16xi32>, vector<16xi32>, vector<16xi32>], vector<16xf32>,
      %broadcast_in_dim3A_1034 = vector.broadcast %add3A_1012 : i32 to vector<16xi32>
      tpu.vector_store_idx %arg7[%iota3A, %broadcast_in_dim3A_1034], %gather3A_1033 : memref<16x512xf32, #tpu.memory_space<vmem>>[vector<16xi32>, vector<16xi32>], vector<16xf32>,
      %slice3A_1035 = vector.extract_strided_slice %get3A_700 {offsets = [7], sizes = [1], strides = [1]} : vector<16xi32> to vector<1xi32>
      %squeeze3A_1036 = vector.extract %slice3A_1035[0] : i32 from vector<1xi32>
      %and3A_1037 = arith.constant -128 : i32
      %and3A_1038 = arith.andi %squeeze3A_1036, %and3A_1037 : i32
      %multiple_of3A_1039 = tpu.assume_multiple %and3A_1038, 128 : i32
      %dma_start3A_1040 = arith.constant 7 : i32
      %dma_start3A_1041 = arith.constant 0 : i32
      %dma_start3A_1042 = arith.constant 0 : i32
      %dma_start3A_1043 = tpu.memref_slice %arg6[%dma_start3A_1040, %dma_start3A_1041, %dma_start3A_1042] : memref<16x16x128xf32, #tpu.memory_space<vmem>> -> memref<1x16x128xf32, #tpu.memory_space<vmem>>
      %dma_start3A_1044 = tpu.memref_squeeze %dma_start3A_1043 : memref<1x16x128xf32, #tpu.memory_space<vmem>> -> memref<16x128xf32, #tpu.memory_space<vmem>>
      %dma_start3A_1045 = arith.constant 0 : i32
      %dma_start3A_1046 = tpu.memref_slice %arg2[%dma_start3A_1045, %multiple_of3A_1039] : memref<16x1000000xf32, #tpu.memory_space<hbm>> -> memref<16x128xf32, #tpu.memory_space<hbm>>
      %dma_start3A_1047 = arith.constant 0 : i32
      %dma_start3A_1048 = arith.constant 0 : i32
      %dma_start3A_1049 = tpu.memref_slice %arg6[%dma_start3A_1040, %dma_start3A_1047, %dma_start3A_1048] : memref<16x16x128xf32, #tpu.memory_space<vmem>> -> memref<1x16x128xf32, #tpu.memory_space<vmem>>
      %dma_start3A_1050 = tpu.memref_squeeze %dma_start3A_1049 : memref<1x16x128xf32, #tpu.memory_space<vmem>> -> memref<16x128xf32, #tpu.memory_space<vmem>>
      %dma_start3A_1051 = arith.constant 0 : i32
      %dma_start3A_1052 = tpu.memref_slice %arg2[%dma_start3A_1051, %multiple_of3A_1039] : memref<16x1000000xf32, #tpu.memory_space<hbm>> -> memref<16x128xf32, #tpu.memory_space<hbm>>
      tpu.enqueue_dma source(%dma_start3A_1052 : memref<16x128xf32, #tpu.memory_space<hbm>>) target(%dma_start3A_1050 : memref<16x128xf32, #tpu.memory_space<vmem>>) target_semaphore(%arg15 : memref<!tpu.dma_semaphore, #tpu.memory_space<semaphore_mem>>)
      %slice3A_1053 = vector.extract_strided_slice %get3A_696 {offsets = [8], sizes = [1], strides = [1]} : vector<16xi32> to vector<1xi32>
      %squeeze3A_1054 = vector.extract %slice3A_1053[0] : i32 from vector<1xi32>
      %add3A_1055 = arith.constant 8 : i32
      %add3A_1056 = arith.addi %multiple_of3A_694, %add3A_1055 : i32
      %dma_wait3A_1057 = arith.constant 8 : i32
      %dma_wait3A_1058 = arith.constant 0 : i32
      %dma_wait3A_1059 = arith.constant 0 : i32
      %dma_wait3A_1060 = tpu.memref_slice %arg6[%dma_wait3A_1057, %dma_wait3A_1058, %dma_wait3A_1059] : memref<16x16x128xf32, #tpu.memory_space<vmem>> -> memref<1x16x128xf32, #tpu.memory_space<vmem>>
      %dma_wait3A_1061 = tpu.memref_squeeze %dma_wait3A_1060 : memref<1x16x128xf32, #tpu.memory_space<vmem>> -> memref<16x128xf32, #tpu.memory_space<vmem>>
      %dma_wait3A_1062 = arith.constant 0 : i32
      %dma_wait3A_1063 = arith.constant 0 : i32
      %dma_wait3A_1064 = tpu.memref_slice %arg2[%dma_wait3A_1062, %dma_wait3A_1063] : memref<16x1000000xf32, #tpu.memory_space<hbm>> -> memref<16x128xf32, #tpu.memory_space<hbm>>
      %dma_wait3A_1065 = arith.constant 0 : i32
      %dma_wait3A_1066 = arith.constant 0 : i32
      %dma_wait3A_1067 = tpu.memref_slice %arg6[%dma_wait3A_1057, %dma_wait3A_1065, %dma_wait3A_1066] : memref<16x16x128xf32, #tpu.memory_space<vmem>> -> memref<1x16x128xf32, #tpu.memory_space<vmem>>
      %dma_wait3A_1068 = tpu.memref_squeeze %dma_wait3A_1067 : memref<1x16x128xf32, #tpu.memory_space<vmem>> -> memref<16x128xf32, #tpu.memory_space<vmem>>
      %dma_wait3A_1069 = arith.constant 0 : i32
      %dma_wait3A_1070 = arith.constant 0 : i32
      %dma_wait3A_1071 = tpu.memref_slice %arg2[%dma_wait3A_1069, %dma_wait3A_1070] : memref<16x1000000xf32, #tpu.memory_space<hbm>> -> memref<16x128xf32, #tpu.memory_space<hbm>>
      tpu.wait_dma2 semaphore(%arg16 : memref<!tpu.dma_semaphore, #tpu.memory_space<semaphore_mem>>) src(%dma_wait3A_1071 : memref<16x128xf32, #tpu.memory_space<hbm>>) dst(%dma_wait3A_1068 : memref<16x128xf32, #tpu.memory_space<vmem>>)
      %broadcast_in_dim3A_1072 = arith.constant 8 : i32
      %broadcast_in_dim3A_1073 = vector.broadcast %broadcast_in_dim3A_1072 : i32 to vector<16xi32>
      %and3A_1074 = arith.constant 127 : i32
      %and3A_1075 = arith.andi %squeeze3A_1054, %and3A_1074 : i32
      %broadcast_in_dim3A_1076 = vector.broadcast %and3A_1075 : i32 to vector<16xi32>
      %gather3A_1077 = tpu.vector_load_idx %arg6[%broadcast_in_dim3A_1073, %iota3A, %broadcast_in_dim3A_1076] : memref<16x16x128xf32, #tpu.memory_space<vmem>>[vector<16xi32>, vector<16xi32>, vector<16xi32>], vector<16xf32>,
      %broadcast_in_dim3A_1078 = vector.broadcast %add3A_1056 : i32 to vector<16xi32>
      tpu.vector_store_idx %arg7[%iota3A, %broadcast_in_dim3A_1078], %gather3A_1077 : memref<16x512xf32, #tpu.memory_space<vmem>>[vector<16xi32>, vector<16xi32>], vector<16xf32>,
      %slice3A_1079 = vector.extract_strided_slice %get3A_700 {offsets = [8], sizes = [1], strides = [1]} : vector<16xi32> to vector<1xi32>
      %squeeze3A_1080 = vector.extract %slice3A_1079[0] : i32 from vector<1xi32>
      %and3A_1081 = arith.constant -128 : i32
      %and3A_1082 = arith.andi %squeeze3A_1080, %and3A_1081 : i32
      %multiple_of3A_1083 = tpu.assume_multiple %and3A_1082, 128 : i32
      %dma_start3A_1084 = arith.constant 8 : i32
      %dma_start3A_1085 = arith.constant 0 : i32
      %dma_start3A_1086 = arith.constant 0 : i32
      %dma_start3A_1087 = tpu.memref_slice %arg6[%dma_start3A_1084, %dma_start3A_1085, %dma_start3A_1086] : memref<16x16x128xf32, #tpu.memory_space<vmem>> -> memref<1x16x128xf32, #tpu.memory_space<vmem>>
      %dma_start3A_1088 = tpu.memref_squeeze %dma_start3A_1087 : memref<1x16x128xf32, #tpu.memory_space<vmem>> -> memref<16x128xf32, #tpu.memory_space<vmem>>
      %dma_start3A_1089 = arith.constant 0 : i32
      %dma_start3A_1090 = tpu.memref_slice %arg2[%dma_start3A_1089, %multiple_of3A_1083] : memref<16x1000000xf32, #tpu.memory_space<hbm>> -> memref<16x128xf32, #tpu.memory_space<hbm>>
      %dma_start3A_1091 = arith.constant 0 : i32
      %dma_start3A_1092 = arith.constant 0 : i32
      %dma_start3A_1093 = tpu.memref_slice %arg6[%dma_start3A_1084, %dma_start3A_1091, %dma_start3A_1092] : memref<16x16x128xf32, #tpu.memory_space<vmem>> -> memref<1x16x128xf32, #tpu.memory_space<vmem>>
      %dma_start3A_1094 = tpu.memref_squeeze %dma_start3A_1093 : memref<1x16x128xf32, #tpu.memory_space<vmem>> -> memref<16x128xf32, #tpu.memory_space<vmem>>
      %dma_start3A_1095 = arith.constant 0 : i32
      %dma_start3A_1096 = tpu.memref_slice %arg2[%dma_start3A_1095, %multiple_of3A_1083] : memref<16x1000000xf32, #tpu.memory_space<hbm>> -> memref<16x128xf32, #tpu.memory_space<hbm>>
      tpu.enqueue_dma source(%dma_start3A_1096 : memref<16x128xf32, #tpu.memory_space<hbm>>) target(%dma_start3A_1094 : memref<16x128xf32, #tpu.memory_space<vmem>>) target_semaphore(%arg16 : memref<!tpu.dma_semaphore, #tpu.memory_space<semaphore_mem>>)
      %slice3A_1097 = vector.extract_strided_slice %get3A_696 {offsets = [9], sizes = [1], strides = [1]} : vector<16xi32> to vector<1xi32>
      %squeeze3A_1098 = vector.extract %slice3A_1097[0] : i32 from vector<1xi32>
      %add3A_1099 = arith.constant 9 : i32
      %add3A_1100 = arith.addi %multiple_of3A_694, %add3A_1099 : i32
      %dma_wait3A_1101 = arith.constant 9 : i32
      %dma_wait3A_1102 = arith.constant 0 : i32
      %dma_wait3A_1103 = arith.constant 0 : i32
      %dma_wait3A_1104 = tpu.memref_slice %arg6[%dma_wait3A_1101, %dma_wait3A_1102, %dma_wait3A_1103] : memref<16x16x128xf32, #tpu.memory_space<vmem>> -> memref<1x16x128xf32, #tpu.memory_space<vmem>>
      %dma_wait3A_1105 = tpu.memref_squeeze %dma_wait3A_1104 : memref<1x16x128xf32, #tpu.memory_space<vmem>> -> memref<16x128xf32, #tpu.memory_space<vmem>>
      %dma_wait3A_1106 = arith.constant 0 : i32
      %dma_wait3A_1107 = arith.constant 0 : i32
      %dma_wait3A_1108 = tpu.memref_slice %arg2[%dma_wait3A_1106, %dma_wait3A_1107] : memref<16x1000000xf32, #tpu.memory_space<hbm>> -> memref<16x128xf32, #tpu.memory_space<hbm>>
      %dma_wait3A_1109 = arith.constant 0 : i32
      %dma_wait3A_1110 = arith.constant 0 : i32
      %dma_wait3A_1111 = tpu.memref_slice %arg6[%dma_wait3A_1101, %dma_wait3A_1109, %dma_wait3A_1110] : memref<16x16x128xf32, #tpu.memory_space<vmem>> -> memref<1x16x128xf32, #tpu.memory_space<vmem>>
      %dma_wait3A_1112 = tpu.memref_squeeze %dma_wait3A_1111 : memref<1x16x128xf32, #tpu.memory_space<vmem>> -> memref<16x128xf32, #tpu.memory_space<vmem>>
      %dma_wait3A_1113 = arith.constant 0 : i32
      %dma_wait3A_1114 = arith.constant 0 : i32
      %dma_wait3A_1115 = tpu.memref_slice %arg2[%dma_wait3A_1113, %dma_wait3A_1114] : memref<16x1000000xf32, #tpu.memory_space<hbm>> -> memref<16x128xf32, #tpu.memory_space<hbm>>
      tpu.wait_dma2 semaphore(%arg17 : memref<!tpu.dma_semaphore, #tpu.memory_space<semaphore_mem>>) src(%dma_wait3A_1115 : memref<16x128xf32, #tpu.memory_space<hbm>>) dst(%dma_wait3A_1112 : memref<16x128xf32, #tpu.memory_space<vmem>>)
      %broadcast_in_dim3A_1116 = arith.constant 9 : i32
      %broadcast_in_dim3A_1117 = vector.broadcast %broadcast_in_dim3A_1116 : i32 to vector<16xi32>
      %and3A_1118 = arith.constant 127 : i32
      %and3A_1119 = arith.andi %squeeze3A_1098, %and3A_1118 : i32
      %broadcast_in_dim3A_1120 = vector.broadcast %and3A_1119 : i32 to vector<16xi32>
      %gather3A_1121 = tpu.vector_load_idx %arg6[%broadcast_in_dim3A_1117, %iota3A, %broadcast_in_dim3A_1120] : memref<16x16x128xf32, #tpu.memory_space<vmem>>[vector<16xi32>, vector<16xi32>, vector<16xi32>], vector<16xf32>,
      %broadcast_in_dim3A_1122 = vector.broadcast %add3A_1100 : i32 to vector<16xi32>
      tpu.vector_store_idx %arg7[%iota3A, %broadcast_in_dim3A_1122], %gather3A_1121 : memref<16x512xf32, #tpu.memory_space<vmem>>[vector<16xi32>, vector<16xi32>], vector<16xf32>,
      %slice3A_1123 = vector.extract_strided_slice %get3A_700 {offsets = [9], sizes = [1], strides = [1]} : vector<16xi32> to vector<1xi32>
      %squeeze3A_1124 = vector.extract %slice3A_1123[0] : i32 from vector<1xi32>
      %and3A_1125 = arith.constant -128 : i32
      %and3A_1126 = arith.andi %squeeze3A_1124, %and3A_1125 : i32
      %multiple_of3A_1127 = tpu.assume_multiple %and3A_1126, 128 : i32
      %dma_start3A_1128 = arith.constant 9 : i32
      %dma_start3A_1129 = arith.constant 0 : i32
      %dma_start3A_1130 = arith.constant 0 : i32
      %dma_start3A_1131 = tpu.memref_slice %arg6[%dma_start3A_1128, %dma_start3A_1129, %dma_start3A_1130] : memref<16x16x128xf32, #tpu.memory_space<vmem>> -> memref<1x16x128xf32, #tpu.memory_space<vmem>>
      %dma_start3A_1132 = tpu.memref_squeeze %dma_start3A_1131 : memref<1x16x128xf32, #tpu.memory_space<vmem>> -> memref<16x128xf32, #tpu.memory_space<vmem>>
      %dma_start3A_1133 = arith.constant 0 : i32
      %dma_start3A_1134 = tpu.memref_slice %arg2[%dma_start3A_1133, %multiple_of3A_1127] : memref<16x1000000xf32, #tpu.memory_space<hbm>> -> memref<16x128xf32, #tpu.memory_space<hbm>>
      %dma_start3A_1135 = arith.constant 0 : i32
      %dma_start3A_1136 = arith.constant 0 : i32
      %dma_start3A_1137 = tpu.memref_slice %arg6[%dma_start3A_1128, %dma_start3A_1135, %dma_start3A_1136] : memref<16x16x128xf32, #tpu.memory_space<vmem>> -> memref<1x16x128xf32, #tpu.memory_space<vmem>>
      %dma_start3A_1138 = tpu.memref_squeeze %dma_start3A_1137 : memref<1x16x128xf32, #tpu.memory_space<vmem>> -> memref<16x128xf32, #tpu.memory_space<vmem>>
      %dma_start3A_1139 = arith.constant 0 : i32
      %dma_start3A_1140 = tpu.memref_slice %arg2[%dma_start3A_1139, %multiple_of3A_1127] : memref<16x1000000xf32, #tpu.memory_space<hbm>> -> memref<16x128xf32, #tpu.memory_space<hbm>>
      tpu.enqueue_dma source(%dma_start3A_1140 : memref<16x128xf32, #tpu.memory_space<hbm>>) target(%dma_start3A_1138 : memref<16x128xf32, #tpu.memory_space<vmem>>) target_semaphore(%arg17 : memref<!tpu.dma_semaphore, #tpu.memory_space<semaphore_mem>>)
      %slice3A_1141 = vector.extract_strided_slice %get3A_696 {offsets = [10], sizes = [1], strides = [1]} : vector<16xi32> to vector<1xi32>
      %squeeze3A_1142 = vector.extract %slice3A_1141[0] : i32 from vector<1xi32>
      %add3A_1143 = arith.constant 10 : i32
      %add3A_1144 = arith.addi %multiple_of3A_694, %add3A_1143 : i32
      %dma_wait3A_1145 = arith.constant 10 : i32
      %dma_wait3A_1146 = arith.constant 0 : i32
      %dma_wait3A_1147 = arith.constant 0 : i32
      %dma_wait3A_1148 = tpu.memref_slice %arg6[%dma_wait3A_1145, %dma_wait3A_1146, %dma_wait3A_1147] : memref<16x16x128xf32, #tpu.memory_space<vmem>> -> memref<1x16x128xf32, #tpu.memory_space<vmem>>
      %dma_wait3A_1149 = tpu.memref_squeeze %dma_wait3A_1148 : memref<1x16x128xf32, #tpu.memory_space<vmem>> -> memref<16x128xf32, #tpu.memory_space<vmem>>
      %dma_wait3A_1150 = arith.constant 0 : i32
      %dma_wait3A_1151 = arith.constant 0 : i32
      %dma_wait3A_1152 = tpu.memref_slice %arg2[%dma_wait3A_1150, %dma_wait3A_1151] : memref<16x1000000xf32, #tpu.memory_space<hbm>> -> memref<16x128xf32, #tpu.memory_space<hbm>>
      %dma_wait3A_1153 = arith.constant 0 : i32
      %dma_wait3A_1154 = arith.constant 0 : i32
      %dma_wait3A_1155 = tpu.memref_slice %arg6[%dma_wait3A_1145, %dma_wait3A_1153, %dma_wait3A_1154] : memref<16x16x128xf32, #tpu.memory_space<vmem>> -> memref<1x16x128xf32, #tpu.memory_space<vmem>>
      %dma_wait3A_1156 = tpu.memref_squeeze %dma_wait3A_1155 : memref<1x16x128xf32, #tpu.memory_space<vmem>> -> memref<16x128xf32, #tpu.memory_space<vmem>>
      %dma_wait3A_1157 = arith.constant 0 : i32
      %dma_wait3A_1158 = arith.constant 0 : i32
      %dma_wait3A_1159 = tpu.memref_slice %arg2[%dma_wait3A_1157, %dma_wait3A_1158] : memref<16x1000000xf32, #tpu.memory_space<hbm>> -> memref<16x128xf32, #tpu.memory_space<hbm>>
      tpu.wait_dma2 semaphore(%arg18 : memref<!tpu.dma_semaphore, #tpu.memory_space<semaphore_mem>>) src(%dma_wait3A_1159 : memref<16x128xf32, #tpu.memory_space<hbm>>) dst(%dma_wait3A_1156 : memref<16x128xf32, #tpu.memory_space<vmem>>)
      %broadcast_in_dim3A_1160 = arith.constant 10 : i32
      %broadcast_in_dim3A_1161 = vector.broadcast %broadcast_in_dim3A_1160 : i32 to vector<16xi32>
      %and3A_1162 = arith.constant 127 : i32
      %and3A_1163 = arith.andi %squeeze3A_1142, %and3A_1162 : i32
      %broadcast_in_dim3A_1164 = vector.broadcast %and3A_1163 : i32 to vector<16xi32>
      %gather3A_1165 = tpu.vector_load_idx %arg6[%broadcast_in_dim3A_1161, %iota3A, %broadcast_in_dim3A_1164] : memref<16x16x128xf32, #tpu.memory_space<vmem>>[vector<16xi32>, vector<16xi32>, vector<16xi32>], vector<16xf32>,
      %broadcast_in_dim3A_1166 = vector.broadcast %add3A_1144 : i32 to vector<16xi32>
      tpu.vector_store_idx %arg7[%iota3A, %broadcast_in_dim3A_1166], %gather3A_1165 : memref<16x512xf32, #tpu.memory_space<vmem>>[vector<16xi32>, vector<16xi32>], vector<16xf32>,
      %slice3A_1167 = vector.extract_strided_slice %get3A_700 {offsets = [10], sizes = [1], strides = [1]} : vector<16xi32> to vector<1xi32>
      %squeeze3A_1168 = vector.extract %slice3A_1167[0] : i32 from vector<1xi32>
      %and3A_1169 = arith.constant -128 : i32
      %and3A_1170 = arith.andi %squeeze3A_1168, %and3A_1169 : i32
      %multiple_of3A_1171 = tpu.assume_multiple %and3A_1170, 128 : i32
      %dma_start3A_1172 = arith.constant 10 : i32
      %dma_start3A_1173 = arith.constant 0 : i32
      %dma_start3A_1174 = arith.constant 0 : i32
      %dma_start3A_1175 = tpu.memref_slice %arg6[%dma_start3A_1172, %dma_start3A_1173, %dma_start3A_1174] : memref<16x16x128xf32, #tpu.memory_space<vmem>> -> memref<1x16x128xf32, #tpu.memory_space<vmem>>
      %dma_start3A_1176 = tpu.memref_squeeze %dma_start3A_1175 : memref<1x16x128xf32, #tpu.memory_space<vmem>> -> memref<16x128xf32, #tpu.memory_space<vmem>>
      %dma_start3A_1177 = arith.constant 0 : i32
      %dma_start3A_1178 = tpu.memref_slice %arg2[%dma_start3A_1177, %multiple_of3A_1171] : memref<16x1000000xf32, #tpu.memory_space<hbm>> -> memref<16x128xf32, #tpu.memory_space<hbm>>
      %dma_start3A_1179 = arith.constant 0 : i32
      %dma_start3A_1180 = arith.constant 0 : i32
      %dma_start3A_1181 = tpu.memref_slice %arg6[%dma_start3A_1172, %dma_start3A_1179, %dma_start3A_1180] : memref<16x16x128xf32, #tpu.memory_space<vmem>> -> memref<1x16x128xf32, #tpu.memory_space<vmem>>
      %dma_start3A_1182 = tpu.memref_squeeze %dma_start3A_1181 : memref<1x16x128xf32, #tpu.memory_space<vmem>> -> memref<16x128xf32, #tpu.memory_space<vmem>>
      %dma_start3A_1183 = arith.constant 0 : i32
      %dma_start3A_1184 = tpu.memref_slice %arg2[%dma_start3A_1183, %multiple_of3A_1171] : memref<16x1000000xf32, #tpu.memory_space<hbm>> -> memref<16x128xf32, #tpu.memory_space<hbm>>
      tpu.enqueue_dma source(%dma_start3A_1184 : memref<16x128xf32, #tpu.memory_space<hbm>>) target(%dma_start3A_1182 : memref<16x128xf32, #tpu.memory_space<vmem>>) target_semaphore(%arg18 : memref<!tpu.dma_semaphore, #tpu.memory_space<semaphore_mem>>)
      %slice3A_1185 = vector.extract_strided_slice %get3A_696 {offsets = [11], sizes = [1], strides = [1]} : vector<16xi32> to vector<1xi32>
      %squeeze3A_1186 = vector.extract %slice3A_1185[0] : i32 from vector<1xi32>
      %add3A_1187 = arith.constant 11 : i32
      %add3A_1188 = arith.addi %multiple_of3A_694, %add3A_1187 : i32
      %dma_wait3A_1189 = arith.constant 11 : i32
      %dma_wait3A_1190 = arith.constant 0 : i32
      %dma_wait3A_1191 = arith.constant 0 : i32
      %dma_wait3A_1192 = tpu.memref_slice %arg6[%dma_wait3A_1189, %dma_wait3A_1190, %dma_wait3A_1191] : memref<16x16x128xf32, #tpu.memory_space<vmem>> -> memref<1x16x128xf32, #tpu.memory_space<vmem>>
      %dma_wait3A_1193 = tpu.memref_squeeze %dma_wait3A_1192 : memref<1x16x128xf32, #tpu.memory_space<vmem>> -> memref<16x128xf32, #tpu.memory_space<vmem>>
      %dma_wait3A_1194 = arith.constant 0 : i32
      %dma_wait3A_1195 = arith.constant 0 : i32
      %dma_wait3A_1196 = tpu.memref_slice %arg2[%dma_wait3A_1194, %dma_wait3A_1195] : memref<16x1000000xf32, #tpu.memory_space<hbm>> -> memref<16x128xf32, #tpu.memory_space<hbm>>
      %dma_wait3A_1197 = arith.constant 0 : i32
      %dma_wait3A_1198 = arith.constant 0 : i32
      %dma_wait3A_1199 = tpu.memref_slice %arg6[%dma_wait3A_1189, %dma_wait3A_1197, %dma_wait3A_1198] : memref<16x16x128xf32, #tpu.memory_space<vmem>> -> memref<1x16x128xf32, #tpu.memory_space<vmem>>
      %dma_wait3A_1200 = tpu.memref_squeeze %dma_wait3A_1199 : memref<1x16x128xf32, #tpu.memory_space<vmem>> -> memref<16x128xf32, #tpu.memory_space<vmem>>
      %dma_wait3A_1201 = arith.constant 0 : i32
      %dma_wait3A_1202 = arith.constant 0 : i32
      %dma_wait3A_1203 = tpu.memref_slice %arg2[%dma_wait3A_1201, %dma_wait3A_1202] : memref<16x1000000xf32, #tpu.memory_space<hbm>> -> memref<16x128xf32, #tpu.memory_space<hbm>>
      tpu.wait_dma2 semaphore(%arg19 : memref<!tpu.dma_semaphore, #tpu.memory_space<semaphore_mem>>) src(%dma_wait3A_1203 : memref<16x128xf32, #tpu.memory_space<hbm>>) dst(%dma_wait3A_1200 : memref<16x128xf32, #tpu.memory_space<vmem>>)
      %broadcast_in_dim3A_1204 = arith.constant 11 : i32
      %broadcast_in_dim3A_1205 = vector.broadcast %broadcast_in_dim3A_1204 : i32 to vector<16xi32>
      %and3A_1206 = arith.constant 127 : i32
      %and3A_1207 = arith.andi %squeeze3A_1186, %and3A_1206 : i32
      %broadcast_in_dim3A_1208 = vector.broadcast %and3A_1207 : i32 to vector<16xi32>
      %gather3A_1209 = tpu.vector_load_idx %arg6[%broadcast_in_dim3A_1205, %iota3A, %broadcast_in_dim3A_1208] : memref<16x16x128xf32, #tpu.memory_space<vmem>>[vector<16xi32>, vector<16xi32>, vector<16xi32>], vector<16xf32>,
      %broadcast_in_dim3A_1210 = vector.broadcast %add3A_1188 : i32 to vector<16xi32>
      tpu.vector_store_idx %arg7[%iota3A, %broadcast_in_dim3A_1210], %gather3A_1209 : memref<16x512xf32, #tpu.memory_space<vmem>>[vector<16xi32>, vector<16xi32>], vector<16xf32>,
      %slice3A_1211 = vector.extract_strided_slice %get3A_700 {offsets = [11], sizes = [1], strides = [1]} : vector<16xi32> to vector<1xi32>
      %squeeze3A_1212 = vector.extract %slice3A_1211[0] : i32 from vector<1xi32>
      %and3A_1213 = arith.constant -128 : i32
      %and3A_1214 = arith.andi %squeeze3A_1212, %and3A_1213 : i32
      %multiple_of3A_1215 = tpu.assume_multiple %and3A_1214, 128 : i32
      %dma_start3A_1216 = arith.constant 11 : i32
      %dma_start3A_1217 = arith.constant 0 : i32
      %dma_start3A_1218 = arith.constant 0 : i32
      %dma_start3A_1219 = tpu.memref_slice %arg6[%dma_start3A_1216, %dma_start3A_1217, %dma_start3A_1218] : memref<16x16x128xf32, #tpu.memory_space<vmem>> -> memref<1x16x128xf32, #tpu.memory_space<vmem>>
      %dma_start3A_1220 = tpu.memref_squeeze %dma_start3A_1219 : memref<1x16x128xf32, #tpu.memory_space<vmem>> -> memref<16x128xf32, #tpu.memory_space<vmem>>
      %dma_start3A_1221 = arith.constant 0 : i32
      %dma_start3A_1222 = tpu.memref_slice %arg2[%dma_start3A_1221, %multiple_of3A_1215] : memref<16x1000000xf32, #tpu.memory_space<hbm>> -> memref<16x128xf32, #tpu.memory_space<hbm>>
      %dma_start3A_1223 = arith.constant 0 : i32
      %dma_start3A_1224 = arith.constant 0 : i32
      %dma_start3A_1225 = tpu.memref_slice %arg6[%dma_start3A_1216, %dma_start3A_1223, %dma_start3A_1224] : memref<16x16x128xf32, #tpu.memory_space<vmem>> -> memref<1x16x128xf32, #tpu.memory_space<vmem>>
      %dma_start3A_1226 = tpu.memref_squeeze %dma_start3A_1225 : memref<1x16x128xf32, #tpu.memory_space<vmem>> -> memref<16x128xf32, #tpu.memory_space<vmem>>
      %dma_start3A_1227 = arith.constant 0 : i32
      %dma_start3A_1228 = tpu.memref_slice %arg2[%dma_start3A_1227, %multiple_of3A_1215] : memref<16x1000000xf32, #tpu.memory_space<hbm>> -> memref<16x128xf32, #tpu.memory_space<hbm>>
      tpu.enqueue_dma source(%dma_start3A_1228 : memref<16x128xf32, #tpu.memory_space<hbm>>) target(%dma_start3A_1226 : memref<16x128xf32, #tpu.memory_space<vmem>>) target_semaphore(%arg19 : memref<!tpu.dma_semaphore, #tpu.memory_space<semaphore_mem>>)
      %slice3A_1229 = vector.extract_strided_slice %get3A_696 {offsets = [12], sizes = [1], strides = [1]} : vector<16xi32> to vector<1xi32>
      %squeeze3A_1230 = vector.extract %slice3A_1229[0] : i32 from vector<1xi32>
      %add3A_1231 = arith.constant 12 : i32
      %add3A_1232 = arith.addi %multiple_of3A_694, %add3A_1231 : i32
      %dma_wait3A_1233 = arith.constant 12 : i32
      %dma_wait3A_1234 = arith.constant 0 : i32
      %dma_wait3A_1235 = arith.constant 0 : i32
      %dma_wait3A_1236 = tpu.memref_slice %arg6[%dma_wait3A_1233, %dma_wait3A_1234, %dma_wait3A_1235] : memref<16x16x128xf32, #tpu.memory_space<vmem>> -> memref<1x16x128xf32, #tpu.memory_space<vmem>>
      %dma_wait3A_1237 = tpu.memref_squeeze %dma_wait3A_1236 : memref<1x16x128xf32, #tpu.memory_space<vmem>> -> memref<16x128xf32, #tpu.memory_space<vmem>>
      %dma_wait3A_1238 = arith.constant 0 : i32
      %dma_wait3A_1239 = arith.constant 0 : i32
      %dma_wait3A_1240 = tpu.memref_slice %arg2[%dma_wait3A_1238, %dma_wait3A_1239] : memref<16x1000000xf32, #tpu.memory_space<hbm>> -> memref<16x128xf32, #tpu.memory_space<hbm>>
      %dma_wait3A_1241 = arith.constant 0 : i32
      %dma_wait3A_1242 = arith.constant 0 : i32
      %dma_wait3A_1243 = tpu.memref_slice %arg6[%dma_wait3A_1233, %dma_wait3A_1241, %dma_wait3A_1242] : memref<16x16x128xf32, #tpu.memory_space<vmem>> -> memref<1x16x128xf32, #tpu.memory_space<vmem>>
      %dma_wait3A_1244 = tpu.memref_squeeze %dma_wait3A_1243 : memref<1x16x128xf32, #tpu.memory_space<vmem>> -> memref<16x128xf32, #tpu.memory_space<vmem>>
      %dma_wait3A_1245 = arith.constant 0 : i32
      %dma_wait3A_1246 = arith.constant 0 : i32
      %dma_wait3A_1247 = tpu.memref_slice %arg2[%dma_wait3A_1245, %dma_wait3A_1246] : memref<16x1000000xf32, #tpu.memory_space<hbm>> -> memref<16x128xf32, #tpu.memory_space<hbm>>
      tpu.wait_dma2 semaphore(%arg20 : memref<!tpu.dma_semaphore, #tpu.memory_space<semaphore_mem>>) src(%dma_wait3A_1247 : memref<16x128xf32, #tpu.memory_space<hbm>>) dst(%dma_wait3A_1244 : memref<16x128xf32, #tpu.memory_space<vmem>>)
      %broadcast_in_dim3A_1248 = arith.constant 12 : i32
      %broadcast_in_dim3A_1249 = vector.broadcast %broadcast_in_dim3A_1248 : i32 to vector<16xi32>
      %and3A_1250 = arith.constant 127 : i32
      %and3A_1251 = arith.andi %squeeze3A_1230, %and3A_1250 : i32
      %broadcast_in_dim3A_1252 = vector.broadcast %and3A_1251 : i32 to vector<16xi32>
      %gather3A_1253 = tpu.vector_load_idx %arg6[%broadcast_in_dim3A_1249, %iota3A, %broadcast_in_dim3A_1252] : memref<16x16x128xf32, #tpu.memory_space<vmem>>[vector<16xi32>, vector<16xi32>, vector<16xi32>], vector<16xf32>,
      %broadcast_in_dim3A_1254 = vector.broadcast %add3A_1232 : i32 to vector<16xi32>
      tpu.vector_store_idx %arg7[%iota3A, %broadcast_in_dim3A_1254], %gather3A_1253 : memref<16x512xf32, #tpu.memory_space<vmem>>[vector<16xi32>, vector<16xi32>], vector<16xf32>,
      %slice3A_1255 = vector.extract_strided_slice %get3A_700 {offsets = [12], sizes = [1], strides = [1]} : vector<16xi32> to vector<1xi32>
      %squeeze3A_1256 = vector.extract %slice3A_1255[0] : i32 from vector<1xi32>
      %and3A_1257 = arith.constant -128 : i32
      %and3A_1258 = arith.andi %squeeze3A_1256, %and3A_1257 : i32
      %multiple_of3A_1259 = tpu.assume_multiple %and3A_1258, 128 : i32
      %dma_start3A_1260 = arith.constant 12 : i32
      %dma_start3A_1261 = arith.constant 0 : i32
      %dma_start3A_1262 = arith.constant 0 : i32
      %dma_start3A_1263 = tpu.memref_slice %arg6[%dma_start3A_1260, %dma_start3A_1261, %dma_start3A_1262] : memref<16x16x128xf32, #tpu.memory_space<vmem>> -> memref<1x16x128xf32, #tpu.memory_space<vmem>>
      %dma_start3A_1264 = tpu.memref_squeeze %dma_start3A_1263 : memref<1x16x128xf32, #tpu.memory_space<vmem>> -> memref<16x128xf32, #tpu.memory_space<vmem>>
      %dma_start3A_1265 = arith.constant 0 : i32
      %dma_start3A_1266 = tpu.memref_slice %arg2[%dma_start3A_1265, %multiple_of3A_1259] : memref<16x1000000xf32, #tpu.memory_space<hbm>> -> memref<16x128xf32, #tpu.memory_space<hbm>>
      %dma_start3A_1267 = arith.constant 0 : i32
      %dma_start3A_1268 = arith.constant 0 : i32
      %dma_start3A_1269 = tpu.memref_slice %arg6[%dma_start3A_1260, %dma_start3A_1267, %dma_start3A_1268] : memref<16x16x128xf32, #tpu.memory_space<vmem>> -> memref<1x16x128xf32, #tpu.memory_space<vmem>>
      %dma_start3A_1270 = tpu.memref_squeeze %dma_start3A_1269 : memref<1x16x128xf32, #tpu.memory_space<vmem>> -> memref<16x128xf32, #tpu.memory_space<vmem>>
      %dma_start3A_1271 = arith.constant 0 : i32
      %dma_start3A_1272 = tpu.memref_slice %arg2[%dma_start3A_1271, %multiple_of3A_1259] : memref<16x1000000xf32, #tpu.memory_space<hbm>> -> memref<16x128xf32, #tpu.memory_space<hbm>>
      tpu.enqueue_dma source(%dma_start3A_1272 : memref<16x128xf32, #tpu.memory_space<hbm>>) target(%dma_start3A_1270 : memref<16x128xf32, #tpu.memory_space<vmem>>) target_semaphore(%arg20 : memref<!tpu.dma_semaphore, #tpu.memory_space<semaphore_mem>>)
      %slice3A_1273 = vector.extract_strided_slice %get3A_696 {offsets = [13], sizes = [1], strides = [1]} : vector<16xi32> to vector<1xi32>
      %squeeze3A_1274 = vector.extract %slice3A_1273[0] : i32 from vector<1xi32>
      %add3A_1275 = arith.constant 13 : i32
      %add3A_1276 = arith.addi %multiple_of3A_694, %add3A_1275 : i32
      %dma_wait3A_1277 = arith.constant 13 : i32
      %dma_wait3A_1278 = arith.constant 0 : i32
      %dma_wait3A_1279 = arith.constant 0 : i32
      %dma_wait3A_1280 = tpu.memref_slice %arg6[%dma_wait3A_1277, %dma_wait3A_1278, %dma_wait3A_1279] : memref<16x16x128xf32, #tpu.memory_space<vmem>> -> memref<1x16x128xf32, #tpu.memory_space<vmem>>
      %dma_wait3A_1281 = tpu.memref_squeeze %dma_wait3A_1280 : memref<1x16x128xf32, #tpu.memory_space<vmem>> -> memref<16x128xf32, #tpu.memory_space<vmem>>
      %dma_wait3A_1282 = arith.constant 0 : i32
      %dma_wait3A_1283 = arith.constant 0 : i32
      %dma_wait3A_1284 = tpu.memref_slice %arg2[%dma_wait3A_1282, %dma_wait3A_1283] : memref<16x1000000xf32, #tpu.memory_space<hbm>> -> memref<16x128xf32, #tpu.memory_space<hbm>>
      %dma_wait3A_1285 = arith.constant 0 : i32
      %dma_wait3A_1286 = arith.constant 0 : i32
      %dma_wait3A_1287 = tpu.memref_slice %arg6[%dma_wait3A_1277, %dma_wait3A_1285, %dma_wait3A_1286] : memref<16x16x128xf32, #tpu.memory_space<vmem>> -> memref<1x16x128xf32, #tpu.memory_space<vmem>>
      %dma_wait3A_1288 = tpu.memref_squeeze %dma_wait3A_1287 : memref<1x16x128xf32, #tpu.memory_space<vmem>> -> memref<16x128xf32, #tpu.memory_space<vmem>>
      %dma_wait3A_1289 = arith.constant 0 : i32
      %dma_wait3A_1290 = arith.constant 0 : i32
      %dma_wait3A_1291 = tpu.memref_slice %arg2[%dma_wait3A_1289, %dma_wait3A_1290] : memref<16x1000000xf32, #tpu.memory_space<hbm>> -> memref<16x128xf32, #tpu.memory_space<hbm>>
      tpu.wait_dma2 semaphore(%arg21 : memref<!tpu.dma_semaphore, #tpu.memory_space<semaphore_mem>>) src(%dma_wait3A_1291 : memref<16x128xf32, #tpu.memory_space<hbm>>) dst(%dma_wait3A_1288 : memref<16x128xf32, #tpu.memory_space<vmem>>)
      %broadcast_in_dim3A_1292 = arith.constant 13 : i32
      %broadcast_in_dim3A_1293 = vector.broadcast %broadcast_in_dim3A_1292 : i32 to vector<16xi32>
      %and3A_1294 = arith.constant 127 : i32
      %and3A_1295 = arith.andi %squeeze3A_1274, %and3A_1294 : i32
      %broadcast_in_dim3A_1296 = vector.broadcast %and3A_1295 : i32 to vector<16xi32>
      %gather3A_1297 = tpu.vector_load_idx %arg6[%broadcast_in_dim3A_1293, %iota3A, %broadcast_in_dim3A_1296] : memref<16x16x128xf32, #tpu.memory_space<vmem>>[vector<16xi32>, vector<16xi32>, vector<16xi32>], vector<16xf32>,
      %broadcast_in_dim3A_1298 = vector.broadcast %add3A_1276 : i32 to vector<16xi32>
      tpu.vector_store_idx %arg7[%iota3A, %broadcast_in_dim3A_1298], %gather3A_1297 : memref<16x512xf32, #tpu.memory_space<vmem>>[vector<16xi32>, vector<16xi32>], vector<16xf32>,
      %slice3A_1299 = vector.extract_strided_slice %get3A_700 {offsets = [13], sizes = [1], strides = [1]} : vector<16xi32> to vector<1xi32>
      %squeeze3A_1300 = vector.extract %slice3A_1299[0] : i32 from vector<1xi32>
      %and3A_1301 = arith.constant -128 : i32
      %and3A_1302 = arith.andi %squeeze3A_1300, %and3A_1301 : i32
      %multiple_of3A_1303 = tpu.assume_multiple %and3A_1302, 128 : i32
      %dma_start3A_1304 = arith.constant 13 : i32
      %dma_start3A_1305 = arith.constant 0 : i32
      %dma_start3A_1306 = arith.constant 0 : i32
      %dma_start3A_1307 = tpu.memref_slice %arg6[%dma_start3A_1304, %dma_start3A_1305, %dma_start3A_1306] : memref<16x16x128xf32, #tpu.memory_space<vmem>> -> memref<1x16x128xf32, #tpu.memory_space<vmem>>
      %dma_start3A_1308 = tpu.memref_squeeze %dma_start3A_1307 : memref<1x16x128xf32, #tpu.memory_space<vmem>> -> memref<16x128xf32, #tpu.memory_space<vmem>>
      %dma_start3A_1309 = arith.constant 0 : i32
      %dma_start3A_1310 = tpu.memref_slice %arg2[%dma_start3A_1309, %multiple_of3A_1303] : memref<16x1000000xf32, #tpu.memory_space<hbm>> -> memref<16x128xf32, #tpu.memory_space<hbm>>
      %dma_start3A_1311 = arith.constant 0 : i32
      %dma_start3A_1312 = arith.constant 0 : i32
      %dma_start3A_1313 = tpu.memref_slice %arg6[%dma_start3A_1304, %dma_start3A_1311, %dma_start3A_1312] : memref<16x16x128xf32, #tpu.memory_space<vmem>> -> memref<1x16x128xf32, #tpu.memory_space<vmem>>
      %dma_start3A_1314 = tpu.memref_squeeze %dma_start3A_1313 : memref<1x16x128xf32, #tpu.memory_space<vmem>> -> memref<16x128xf32, #tpu.memory_space<vmem>>
      %dma_start3A_1315 = arith.constant 0 : i32
      %dma_start3A_1316 = tpu.memref_slice %arg2[%dma_start3A_1315, %multiple_of3A_1303] : memref<16x1000000xf32, #tpu.memory_space<hbm>> -> memref<16x128xf32, #tpu.memory_space<hbm>>
      tpu.enqueue_dma source(%dma_start3A_1316 : memref<16x128xf32, #tpu.memory_space<hbm>>) target(%dma_start3A_1314 : memref<16x128xf32, #tpu.memory_space<vmem>>) target_semaphore(%arg21 : memref<!tpu.dma_semaphore, #tpu.memory_space<semaphore_mem>>)
      %slice3A_1317 = vector.extract_strided_slice %get3A_696 {offsets = [14], sizes = [1], strides = [1]} : vector<16xi32> to vector<1xi32>
      %squeeze3A_1318 = vector.extract %slice3A_1317[0] : i32 from vector<1xi32>
      %add3A_1319 = arith.constant 14 : i32
      %add3A_1320 = arith.addi %multiple_of3A_694, %add3A_1319 : i32
      %dma_wait3A_1321 = arith.constant 14 : i32
      %dma_wait3A_1322 = arith.constant 0 : i32
      %dma_wait3A_1323 = arith.constant 0 : i32
      %dma_wait3A_1324 = tpu.memref_slice %arg6[%dma_wait3A_1321, %dma_wait3A_1322, %dma_wait3A_1323] : memref<16x16x128xf32, #tpu.memory_space<vmem>> -> memref<1x16x128xf32, #tpu.memory_space<vmem>>
      %dma_wait3A_1325 = tpu.memref_squeeze %dma_wait3A_1324 : memref<1x16x128xf32, #tpu.memory_space<vmem>> -> memref<16x128xf32, #tpu.memory_space<vmem>>
      %dma_wait3A_1326 = arith.constant 0 : i32
      %dma_wait3A_1327 = arith.constant 0 : i32
      %dma_wait3A_1328 = tpu.memref_slice %arg2[%dma_wait3A_1326, %dma_wait3A_1327] : memref<16x1000000xf32, #tpu.memory_space<hbm>> -> memref<16x128xf32, #tpu.memory_space<hbm>>
      %dma_wait3A_1329 = arith.constant 0 : i32
      %dma_wait3A_1330 = arith.constant 0 : i32
      %dma_wait3A_1331 = tpu.memref_slice %arg6[%dma_wait3A_1321, %dma_wait3A_1329, %dma_wait3A_1330] : memref<16x16x128xf32, #tpu.memory_space<vmem>> -> memref<1x16x128xf32, #tpu.memory_space<vmem>>
      %dma_wait3A_1332 = tpu.memref_squeeze %dma_wait3A_1331 : memref<1x16x128xf32, #tpu.memory_space<vmem>> -> memref<16x128xf32, #tpu.memory_space<vmem>>
      %dma_wait3A_1333 = arith.constant 0 : i32
      %dma_wait3A_1334 = arith.constant 0 : i32
      %dma_wait3A_1335 = tpu.memref_slice %arg2[%dma_wait3A_1333, %dma_wait3A_1334] : memref<16x1000000xf32, #tpu.memory_space<hbm>> -> memref<16x128xf32, #tpu.memory_space<hbm>>
      tpu.wait_dma2 semaphore(%arg22 : memref<!tpu.dma_semaphore, #tpu.memory_space<semaphore_mem>>) src(%dma_wait3A_1335 : memref<16x128xf32, #tpu.memory_space<hbm>>) dst(%dma_wait3A_1332 : memref<16x128xf32, #tpu.memory_space<vmem>>)
      %broadcast_in_dim3A_1336 = arith.constant 14 : i32
      %broadcast_in_dim3A_1337 = vector.broadcast %broadcast_in_dim3A_1336 : i32 to vector<16xi32>
      %and3A_1338 = arith.constant 127 : i32
      %and3A_1339 = arith.andi %squeeze3A_1318, %and3A_1338 : i32
      %broadcast_in_dim3A_1340 = vector.broadcast %and3A_1339 : i32 to vector<16xi32>
      %gather3A_1341 = tpu.vector_load_idx %arg6[%broadcast_in_dim3A_1337, %iota3A, %broadcast_in_dim3A_1340] : memref<16x16x128xf32, #tpu.memory_space<vmem>>[vector<16xi32>, vector<16xi32>, vector<16xi32>], vector<16xf32>,
      %broadcast_in_dim3A_1342 = vector.broadcast %add3A_1320 : i32 to vector<16xi32>
      tpu.vector_store_idx %arg7[%iota3A, %broadcast_in_dim3A_1342], %gather3A_1341 : memref<16x512xf32, #tpu.memory_space<vmem>>[vector<16xi32>, vector<16xi32>], vector<16xf32>,
      %slice3A_1343 = vector.extract_strided_slice %get3A_700 {offsets = [14], sizes = [1], strides = [1]} : vector<16xi32> to vector<1xi32>
      %squeeze3A_1344 = vector.extract %slice3A_1343[0] : i32 from vector<1xi32>
      %and3A_1345 = arith.constant -128 : i32
      %and3A_1346 = arith.andi %squeeze3A_1344, %and3A_1345 : i32
      %multiple_of3A_1347 = tpu.assume_multiple %and3A_1346, 128 : i32
      %dma_start3A_1348 = arith.constant 14 : i32
      %dma_start3A_1349 = arith.constant 0 : i32
      %dma_start3A_1350 = arith.constant 0 : i32
      %dma_start3A_1351 = tpu.memref_slice %arg6[%dma_start3A_1348, %dma_start3A_1349, %dma_start3A_1350] : memref<16x16x128xf32, #tpu.memory_space<vmem>> -> memref<1x16x128xf32, #tpu.memory_space<vmem>>
      %dma_start3A_1352 = tpu.memref_squeeze %dma_start3A_1351 : memref<1x16x128xf32, #tpu.memory_space<vmem>> -> memref<16x128xf32, #tpu.memory_space<vmem>>
      %dma_start3A_1353 = arith.constant 0 : i32
      %dma_start3A_1354 = tpu.memref_slice %arg2[%dma_start3A_1353, %multiple_of3A_1347] : memref<16x1000000xf32, #tpu.memory_space<hbm>> -> memref<16x128xf32, #tpu.memory_space<hbm>>
      %dma_start3A_1355 = arith.constant 0 : i32
      %dma_start3A_1356 = arith.constant 0 : i32
      %dma_start3A_1357 = tpu.memref_slice %arg6[%dma_start3A_1348, %dma_start3A_1355, %dma_start3A_1356] : memref<16x16x128xf32, #tpu.memory_space<vmem>> -> memref<1x16x128xf32, #tpu.memory_space<vmem>>
      %dma_start3A_1358 = tpu.memref_squeeze %dma_start3A_1357 : memref<1x16x128xf32, #tpu.memory_space<vmem>> -> memref<16x128xf32, #tpu.memory_space<vmem>>
      %dma_start3A_1359 = arith.constant 0 : i32
      %dma_start3A_1360 = tpu.memref_slice %arg2[%dma_start3A_1359, %multiple_of3A_1347] : memref<16x1000000xf32, #tpu.memory_space<hbm>> -> memref<16x128xf32, #tpu.memory_space<hbm>>
      tpu.enqueue_dma source(%dma_start3A_1360 : memref<16x128xf32, #tpu.memory_space<hbm>>) target(%dma_start3A_1358 : memref<16x128xf32, #tpu.memory_space<vmem>>) target_semaphore(%arg22 : memref<!tpu.dma_semaphore, #tpu.memory_space<semaphore_mem>>)
      %slice3A_1361 = vector.extract_strided_slice %get3A_696 {offsets = [15], sizes = [1], strides = [1]} : vector<16xi32> to vector<1xi32>
      %squeeze3A_1362 = vector.extract %slice3A_1361[0] : i32 from vector<1xi32>
      %add3A_1363 = arith.constant 15 : i32
      %add3A_1364 = arith.addi %multiple_of3A_694, %add3A_1363 : i32
      %dma_wait3A_1365 = arith.constant 15 : i32
      %dma_wait3A_1366 = arith.constant 0 : i32
      %dma_wait3A_1367 = arith.constant 0 : i32
      %dma_wait3A_1368 = tpu.memref_slice %arg6[%dma_wait3A_1365, %dma_wait3A_1366, %dma_wait3A_1367] : memref<16x16x128xf32, #tpu.memory_space<vmem>> -> memref<1x16x128xf32, #tpu.memory_space<vmem>>
      %dma_wait3A_1369 = tpu.memref_squeeze %dma_wait3A_1368 : memref<1x16x128xf32, #tpu.memory_space<vmem>> -> memref<16x128xf32, #tpu.memory_space<vmem>>
      %dma_wait3A_1370 = arith.constant 0 : i32
      %dma_wait3A_1371 = arith.constant 0 : i32
      %dma_wait3A_1372 = tpu.memref_slice %arg2[%dma_wait3A_1370, %dma_wait3A_1371] : memref<16x1000000xf32, #tpu.memory_space<hbm>> -> memref<16x128xf32, #tpu.memory_space<hbm>>
      %dma_wait3A_1373 = arith.constant 0 : i32
      %dma_wait3A_1374 = arith.constant 0 : i32
      %dma_wait3A_1375 = tpu.memref_slice %arg6[%dma_wait3A_1365, %dma_wait3A_1373, %dma_wait3A_1374] : memref<16x16x128xf32, #tpu.memory_space<vmem>> -> memref<1x16x128xf32, #tpu.memory_space<vmem>>
      %dma_wait3A_1376 = tpu.memref_squeeze %dma_wait3A_1375 : memref<1x16x128xf32, #tpu.memory_space<vmem>> -> memref<16x128xf32, #tpu.memory_space<vmem>>
      %dma_wait3A_1377 = arith.constant 0 : i32
      %dma_wait3A_1378 = arith.constant 0 : i32
      %dma_wait3A_1379 = tpu.memref_slice %arg2[%dma_wait3A_1377, %dma_wait3A_1378] : memref<16x1000000xf32, #tpu.memory_space<hbm>> -> memref<16x128xf32, #tpu.memory_space<hbm>>
      tpu.wait_dma2 semaphore(%arg23 : memref<!tpu.dma_semaphore, #tpu.memory_space<semaphore_mem>>) src(%dma_wait3A_1379 : memref<16x128xf32, #tpu.memory_space<hbm>>) dst(%dma_wait3A_1376 : memref<16x128xf32, #tpu.memory_space<vmem>>)
      %broadcast_in_dim3A_1380 = arith.constant 15 : i32
      %broadcast_in_dim3A_1381 = vector.broadcast %broadcast_in_dim3A_1380 : i32 to vector<16xi32>
      %and3A_1382 = arith.constant 127 : i32
      %and3A_1383 = arith.andi %squeeze3A_1362, %and3A_1382 : i32
      %broadcast_in_dim3A_1384 = vector.broadcast %and3A_1383 : i32 to vector<16xi32>
      %gather3A_1385 = tpu.vector_load_idx %arg6[%broadcast_in_dim3A_1381, %iota3A, %broadcast_in_dim3A_1384] : memref<16x16x128xf32, #tpu.memory_space<vmem>>[vector<16xi32>, vector<16xi32>, vector<16xi32>], vector<16xf32>,
      %broadcast_in_dim3A_1386 = vector.broadcast %add3A_1364 : i32 to vector<16xi32>
      tpu.vector_store_idx %arg7[%iota3A, %broadcast_in_dim3A_1386], %gather3A_1385 : memref<16x512xf32, #tpu.memory_space<vmem>>[vector<16xi32>, vector<16xi32>], vector<16xf32>,
      %slice3A_1387 = vector.extract_strided_slice %get3A_700 {offsets = [15], sizes = [1], strides = [1]} : vector<16xi32> to vector<1xi32>
      %squeeze3A_1388 = vector.extract %slice3A_1387[0] : i32 from vector<1xi32>
      %and3A_1389 = arith.constant -128 : i32
      %and3A_1390 = arith.andi %squeeze3A_1388, %and3A_1389 : i32
      %multiple_of3A_1391 = tpu.assume_multiple %and3A_1390, 128 : i32
      %dma_start3A_1392 = arith.constant 15 : i32
      %dma_start3A_1393 = arith.constant 0 : i32
      %dma_start3A_1394 = arith.constant 0 : i32
      %dma_start3A_1395 = tpu.memref_slice %arg6[%dma_start3A_1392, %dma_start3A_1393, %dma_start3A_1394] : memref<16x16x128xf32, #tpu.memory_space<vmem>> -> memref<1x16x128xf32, #tpu.memory_space<vmem>>
      %dma_start3A_1396 = tpu.memref_squeeze %dma_start3A_1395 : memref<1x16x128xf32, #tpu.memory_space<vmem>> -> memref<16x128xf32, #tpu.memory_space<vmem>>
      %dma_start3A_1397 = arith.constant 0 : i32
      %dma_start3A_1398 = tpu.memref_slice %arg2[%dma_start3A_1397, %multiple_of3A_1391] : memref<16x1000000xf32, #tpu.memory_space<hbm>> -> memref<16x128xf32, #tpu.memory_space<hbm>>
      %dma_start3A_1399 = arith.constant 0 : i32
      %dma_start3A_1400 = arith.constant 0 : i32
      %dma_start3A_1401 = tpu.memref_slice %arg6[%dma_start3A_1392, %dma_start3A_1399, %dma_start3A_1400] : memref<16x16x128xf32, #tpu.memory_space<vmem>> -> memref<1x16x128xf32, #tpu.memory_space<vmem>>
      %dma_start3A_1402 = tpu.memref_squeeze %dma_start3A_1401 : memref<1x16x128xf32, #tpu.memory_space<vmem>> -> memref<16x128xf32, #tpu.memory_space<vmem>>
      %dma_start3A_1403 = arith.constant 0 : i32
      %dma_start3A_1404 = tpu.memref_slice %arg2[%dma_start3A_1403, %multiple_of3A_1391] : memref<16x1000000xf32, #tpu.memory_space<hbm>> -> memref<16x128xf32, #tpu.memory_space<hbm>>
      tpu.enqueue_dma source(%dma_start3A_1404 : memref<16x128xf32, #tpu.memory_space<hbm>>) target(%dma_start3A_1402 : memref<16x128xf32, #tpu.memory_space<vmem>>) target_semaphore(%arg23 : memref<!tpu.dma_semaphore, #tpu.memory_space<semaphore_mem>>)
    }
    %scan3A_291 = arith.constant 31 : i32
    %get3A_292 = arith.constant 496 : index
    %get3A_293 = tpu.vector_load %arg5[%get3A_292] {strides = array<i32>} : memref<512xi32, #tpu.memory_space<vmem>>, vector<16xi32>,
    %slice3A_294 = vector.extract_strided_slice %get3A_293 {offsets = [0], sizes = [1], strides = [1]} : vector<16xi32> to vector<1xi32>
    %squeeze3A_295 = vector.extract %slice3A_294[0] : i32 from vector<1xi32>
    %dma_wait3A = arith.constant 0 : i32
    %dma_wait3A_296 = arith.constant 0 : i32
    %dma_wait3A_297 = arith.constant 0 : i32
    %dma_wait3A_298 = tpu.memref_slice %arg6[%dma_wait3A, %dma_wait3A_296, %dma_wait3A_297] : memref<16x16x128xf32, #tpu.memory_space<vmem>> -> memref<1x16x128xf32, #tpu.memory_space<vmem>>
    %dma_wait3A_299 = tpu.memref_squeeze %dma_wait3A_298 : memref<1x16x128xf32, #tpu.memory_space<vmem>> -> memref<16x128xf32, #tpu.memory_space<vmem>>
    %dma_wait3A_300 = arith.constant 0 : i32
    %dma_wait3A_301 = arith.constant 0 : i32
    %dma_wait3A_302 = tpu.memref_slice %arg2[%dma_wait3A_300, %dma_wait3A_301] : memref<16x1000000xf32, #tpu.memory_space<hbm>> -> memref<16x128xf32, #tpu.memory_space<hbm>>
    %dma_wait3A_303 = arith.constant 0 : i32
    %dma_wait3A_304 = arith.constant 0 : i32
    %dma_wait3A_305 = tpu.memref_slice %arg6[%dma_wait3A, %dma_wait3A_303, %dma_wait3A_304] : memref<16x16x128xf32, #tpu.memory_space<vmem>> -> memref<1x16x128xf32, #tpu.memory_space<vmem>>
    %dma_wait3A_306 = tpu.memref_squeeze %dma_wait3A_305 : memref<1x16x128xf32, #tpu.memory_space<vmem>> -> memref<16x128xf32, #tpu.memory_space<vmem>>
    %dma_wait3A_307 = arith.constant 0 : i32
    %dma_wait3A_308 = arith.constant 0 : i32
    %dma_wait3A_309 = tpu.memref_slice %arg2[%dma_wait3A_307, %dma_wait3A_308] : memref<16x1000000xf32, #tpu.memory_space<hbm>> -> memref<16x128xf32, #tpu.memory_space<hbm>>
    tpu.wait_dma2 semaphore(%arg8 : memref<!tpu.dma_semaphore, #tpu.memory_space<semaphore_mem>>) src(%dma_wait3A_309 : memref<16x128xf32, #tpu.memory_space<hbm>>) dst(%dma_wait3A_306 : memref<16x128xf32, #tpu.memory_space<vmem>>)
    %broadcast_in_dim3A = arith.constant 0 : i32
    %broadcast_in_dim3A_310 = vector.broadcast %broadcast_in_dim3A : i32 to vector<16xi32>
    %and3A_311 = arith.constant 127 : i32
    %and3A_312 = arith.andi %squeeze3A_295, %and3A_311 : i32
    %broadcast_in_dim3A_313 = vector.broadcast %and3A_312 : i32 to vector<16xi32>
    %gather3A = tpu.vector_load_idx %arg6[%broadcast_in_dim3A_310, %iota3A, %broadcast_in_dim3A_313] : memref<16x16x128xf32, #tpu.memory_space<vmem>>[vector<16xi32>, vector<16xi32>, vector<16xi32>], vector<16xf32>,
    %broadcast_in_dim3A_314 = arith.constant 496 : i32
    %broadcast_in_dim3A_315 = vector.broadcast %broadcast_in_dim3A_314 : i32 to vector<16xi32>
    tpu.vector_store_idx %arg7[%iota3A, %broadcast_in_dim3A_315], %gather3A : memref<16x512xf32, #tpu.memory_space<vmem>>[vector<16xi32>, vector<16xi32>], vector<16xf32>,
    %slice3A_316 = vector.extract_strided_slice %get3A_293 {offsets = [1], sizes = [1], strides = [1]} : vector<16xi32> to vector<1xi32>
    %squeeze3A_317 = vector.extract %slice3A_316[0] : i32 from vector<1xi32>
    %dma_wait3A_318 = arith.constant 1 : i32
    %dma_wait3A_319 = arith.constant 0 : i32
    %dma_wait3A_320 = arith.constant 0 : i32
    %dma_wait3A_321 = tpu.memref_slice %arg6[%dma_wait3A_318, %dma_wait3A_319, %dma_wait3A_320] : memref<16x16x128xf32, #tpu.memory_space<vmem>> -> memref<1x16x128xf32, #tpu.memory_space<vmem>>
    %dma_wait3A_322 = tpu.memref_squeeze %dma_wait3A_321 : memref<1x16x128xf32, #tpu.memory_space<vmem>> -> memref<16x128xf32, #tpu.memory_space<vmem>>
    %dma_wait3A_323 = arith.constant 0 : i32
    %dma_wait3A_324 = arith.constant 0 : i32
    %dma_wait3A_325 = tpu.memref_slice %arg2[%dma_wait3A_323, %dma_wait3A_324] : memref<16x1000000xf32, #tpu.memory_space<hbm>> -> memref<16x128xf32, #tpu.memory_space<hbm>>
    %dma_wait3A_326 = arith.constant 0 : i32
    %dma_wait3A_327 = arith.constant 0 : i32
    %dma_wait3A_328 = tpu.memref_slice %arg6[%dma_wait3A_318, %dma_wait3A_326, %dma_wait3A_327] : memref<16x16x128xf32, #tpu.memory_space<vmem>> -> memref<1x16x128xf32, #tpu.memory_space<vmem>>
    %dma_wait3A_329 = tpu.memref_squeeze %dma_wait3A_328 : memref<1x16x128xf32, #tpu.memory_space<vmem>> -> memref<16x128xf32, #tpu.memory_space<vmem>>
    %dma_wait3A_330 = arith.constant 0 : i32
    %dma_wait3A_331 = arith.constant 0 : i32
    %dma_wait3A_332 = tpu.memref_slice %arg2[%dma_wait3A_330, %dma_wait3A_331] : memref<16x1000000xf32, #tpu.memory_space<hbm>> -> memref<16x128xf32, #tpu.memory_space<hbm>>
    tpu.wait_dma2 semaphore(%arg9 : memref<!tpu.dma_semaphore, #tpu.memory_space<semaphore_mem>>) src(%dma_wait3A_332 : memref<16x128xf32, #tpu.memory_space<hbm>>) dst(%dma_wait3A_329 : memref<16x128xf32, #tpu.memory_space<vmem>>)
    %broadcast_in_dim3A_333 = arith.constant 1 : i32
    %broadcast_in_dim3A_334 = vector.broadcast %broadcast_in_dim3A_333 : i32 to vector<16xi32>
    %and3A_335 = arith.constant 127 : i32
    %and3A_336 = arith.andi %squeeze3A_317, %and3A_335 : i32
    %broadcast_in_dim3A_337 = vector.broadcast %and3A_336 : i32 to vector<16xi32>
    %gather3A_338 = tpu.vector_load_idx %arg6[%broadcast_in_dim3A_334, %iota3A, %broadcast_in_dim3A_337] : memref<16x16x128xf32, #tpu.memory_space<vmem>>[vector<16xi32>, vector<16xi32>, vector<16xi32>], vector<16xf32>,
    %broadcast_in_dim3A_339 = arith.constant 497 : i32
    %broadcast_in_dim3A_340 = vector.broadcast %broadcast_in_dim3A_339 : i32 to vector<16xi32>
    tpu.vector_store_idx %arg7[%iota3A, %broadcast_in_dim3A_340], %gather3A_338 : memref<16x512xf32, #tpu.memory_space<vmem>>[vector<16xi32>, vector<16xi32>], vector<16xf32>,
    %slice3A_341 = vector.extract_strided_slice %get3A_293 {offsets = [2], sizes = [1], strides = [1]} : vector<16xi32> to vector<1xi32>
    %squeeze3A_342 = vector.extract %slice3A_341[0] : i32 from vector<1xi32>
    %dma_wait3A_343 = arith.constant 2 : i32
    %dma_wait3A_344 = arith.constant 0 : i32
    %dma_wait3A_345 = arith.constant 0 : i32
    %dma_wait3A_346 = tpu.memref_slice %arg6[%dma_wait3A_343, %dma_wait3A_344, %dma_wait3A_345] : memref<16x16x128xf32, #tpu.memory_space<vmem>> -> memref<1x16x128xf32, #tpu.memory_space<vmem>>
    %dma_wait3A_347 = tpu.memref_squeeze %dma_wait3A_346 : memref<1x16x128xf32, #tpu.memory_space<vmem>> -> memref<16x128xf32, #tpu.memory_space<vmem>>
    %dma_wait3A_348 = arith.constant 0 : i32
    %dma_wait3A_349 = arith.constant 0 : i32
    %dma_wait3A_350 = tpu.memref_slice %arg2[%dma_wait3A_348, %dma_wait3A_349] : memref<16x1000000xf32, #tpu.memory_space<hbm>> -> memref<16x128xf32, #tpu.memory_space<hbm>>
    %dma_wait3A_351 = arith.constant 0 : i32
    %dma_wait3A_352 = arith.constant 0 : i32
    %dma_wait3A_353 = tpu.memref_slice %arg6[%dma_wait3A_343, %dma_wait3A_351, %dma_wait3A_352] : memref<16x16x128xf32, #tpu.memory_space<vmem>> -> memref<1x16x128xf32, #tpu.memory_space<vmem>>
    %dma_wait3A_354 = tpu.memref_squeeze %dma_wait3A_353 : memref<1x16x128xf32, #tpu.memory_space<vmem>> -> memref<16x128xf32, #tpu.memory_space<vmem>>
    %dma_wait3A_355 = arith.constant 0 : i32
    %dma_wait3A_356 = arith.constant 0 : i32
    %dma_wait3A_357 = tpu.memref_slice %arg2[%dma_wait3A_355, %dma_wait3A_356] : memref<16x1000000xf32, #tpu.memory_space<hbm>> -> memref<16x128xf32, #tpu.memory_space<hbm>>
    tpu.wait_dma2 semaphore(%arg10 : memref<!tpu.dma_semaphore, #tpu.memory_space<semaphore_mem>>) src(%dma_wait3A_357 : memref<16x128xf32, #tpu.memory_space<hbm>>) dst(%dma_wait3A_354 : memref<16x128xf32, #tpu.memory_space<vmem>>)
    %broadcast_in_dim3A_358 = arith.constant 2 : i32
    %broadcast_in_dim3A_359 = vector.broadcast %broadcast_in_dim3A_358 : i32 to vector<16xi32>
    %and3A_360 = arith.constant 127 : i32
    %and3A_361 = arith.andi %squeeze3A_342, %and3A_360 : i32
    %broadcast_in_dim3A_362 = vector.broadcast %and3A_361 : i32 to vector<16xi32>
    %gather3A_363 = tpu.vector_load_idx %arg6[%broadcast_in_dim3A_359, %iota3A, %broadcast_in_dim3A_362] : memref<16x16x128xf32, #tpu.memory_space<vmem>>[vector<16xi32>, vector<16xi32>, vector<16xi32>], vector<16xf32>,
    %broadcast_in_dim3A_364 = arith.constant 498 : i32
    %broadcast_in_dim3A_365 = vector.broadcast %broadcast_in_dim3A_364 : i32 to vector<16xi32>
    tpu.vector_store_idx %arg7[%iota3A, %broadcast_in_dim3A_365], %gather3A_363 : memref<16x512xf32, #tpu.memory_space<vmem>>[vector<16xi32>, vector<16xi32>], vector<16xf32>,
    %slice3A_366 = vector.extract_strided_slice %get3A_293 {offsets = [3], sizes = [1], strides = [1]} : vector<16xi32> to vector<1xi32>
    %squeeze3A_367 = vector.extract %slice3A_366[0] : i32 from vector<1xi32>
    %dma_wait3A_368 = arith.constant 3 : i32
    %dma_wait3A_369 = arith.constant 0 : i32
    %dma_wait3A_370 = arith.constant 0 : i32
    %dma_wait3A_371 = tpu.memref_slice %arg6[%dma_wait3A_368, %dma_wait3A_369, %dma_wait3A_370] : memref<16x16x128xf32, #tpu.memory_space<vmem>> -> memref<1x16x128xf32, #tpu.memory_space<vmem>>
    %dma_wait3A_372 = tpu.memref_squeeze %dma_wait3A_371 : memref<1x16x128xf32, #tpu.memory_space<vmem>> -> memref<16x128xf32, #tpu.memory_space<vmem>>
    %dma_wait3A_373 = arith.constant 0 : i32
    %dma_wait3A_374 = arith.constant 0 : i32
    %dma_wait3A_375 = tpu.memref_slice %arg2[%dma_wait3A_373, %dma_wait3A_374] : memref<16x1000000xf32, #tpu.memory_space<hbm>> -> memref<16x128xf32, #tpu.memory_space<hbm>>
    %dma_wait3A_376 = arith.constant 0 : i32
    %dma_wait3A_377 = arith.constant 0 : i32
    %dma_wait3A_378 = tpu.memref_slice %arg6[%dma_wait3A_368, %dma_wait3A_376, %dma_wait3A_377] : memref<16x16x128xf32, #tpu.memory_space<vmem>> -> memref<1x16x128xf32, #tpu.memory_space<vmem>>
    %dma_wait3A_379 = tpu.memref_squeeze %dma_wait3A_378 : memref<1x16x128xf32, #tpu.memory_space<vmem>> -> memref<16x128xf32, #tpu.memory_space<vmem>>
    %dma_wait3A_380 = arith.constant 0 : i32
    %dma_wait3A_381 = arith.constant 0 : i32
    %dma_wait3A_382 = tpu.memref_slice %arg2[%dma_wait3A_380, %dma_wait3A_381] : memref<16x1000000xf32, #tpu.memory_space<hbm>> -> memref<16x128xf32, #tpu.memory_space<hbm>>
    tpu.wait_dma2 semaphore(%arg11 : memref<!tpu.dma_semaphore, #tpu.memory_space<semaphore_mem>>) src(%dma_wait3A_382 : memref<16x128xf32, #tpu.memory_space<hbm>>) dst(%dma_wait3A_379 : memref<16x128xf32, #tpu.memory_space<vmem>>)
    %broadcast_in_dim3A_383 = arith.constant 3 : i32
    %broadcast_in_dim3A_384 = vector.broadcast %broadcast_in_dim3A_383 : i32 to vector<16xi32>
    %and3A_385 = arith.constant 127 : i32
    %and3A_386 = arith.andi %squeeze3A_367, %and3A_385 : i32
    %broadcast_in_dim3A_387 = vector.broadcast %and3A_386 : i32 to vector<16xi32>
    %gather3A_388 = tpu.vector_load_idx %arg6[%broadcast_in_dim3A_384, %iota3A, %broadcast_in_dim3A_387] : memref<16x16x128xf32, #tpu.memory_space<vmem>>[vector<16xi32>, vector<16xi32>, vector<16xi32>], vector<16xf32>,
    %broadcast_in_dim3A_389 = arith.constant 499 : i32
    %broadcast_in_dim3A_390 = vector.broadcast %broadcast_in_dim3A_389 : i32 to vector<16xi32>
    tpu.vector_store_idx %arg7[%iota3A, %broadcast_in_dim3A_390], %gather3A_388 : memref<16x512xf32, #tpu.memory_space<vmem>>[vector<16xi32>, vector<16xi32>], vector<16xf32>,
    %slice3A_391 = vector.extract_strided_slice %get3A_293 {offsets = [4], sizes = [1], strides = [1]} : vector<16xi32> to vector<1xi32>
    %squeeze3A_392 = vector.extract %slice3A_391[0] : i32 from vector<1xi32>
    %dma_wait3A_393 = arith.constant 4 : i32
    %dma_wait3A_394 = arith.constant 0 : i32
    %dma_wait3A_395 = arith.constant 0 : i32
    %dma_wait3A_396 = tpu.memref_slice %arg6[%dma_wait3A_393, %dma_wait3A_394, %dma_wait3A_395] : memref<16x16x128xf32, #tpu.memory_space<vmem>> -> memref<1x16x128xf32, #tpu.memory_space<vmem>>
    %dma_wait3A_397 = tpu.memref_squeeze %dma_wait3A_396 : memref<1x16x128xf32, #tpu.memory_space<vmem>> -> memref<16x128xf32, #tpu.memory_space<vmem>>
    %dma_wait3A_398 = arith.constant 0 : i32
    %dma_wait3A_399 = arith.constant 0 : i32
    %dma_wait3A_400 = tpu.memref_slice %arg2[%dma_wait3A_398, %dma_wait3A_399] : memref<16x1000000xf32, #tpu.memory_space<hbm>> -> memref<16x128xf32, #tpu.memory_space<hbm>>
    %dma_wait3A_401 = arith.constant 0 : i32
    %dma_wait3A_402 = arith.constant 0 : i32
    %dma_wait3A_403 = tpu.memref_slice %arg6[%dma_wait3A_393, %dma_wait3A_401, %dma_wait3A_402] : memref<16x16x128xf32, #tpu.memory_space<vmem>> -> memref<1x16x128xf32, #tpu.memory_space<vmem>>
    %dma_wait3A_404 = tpu.memref_squeeze %dma_wait3A_403 : memref<1x16x128xf32, #tpu.memory_space<vmem>> -> memref<16x128xf32, #tpu.memory_space<vmem>>
    %dma_wait3A_405 = arith.constant 0 : i32
    %dma_wait3A_406 = arith.constant 0 : i32
    %dma_wait3A_407 = tpu.memref_slice %arg2[%dma_wait3A_405, %dma_wait3A_406] : memref<16x1000000xf32, #tpu.memory_space<hbm>> -> memref<16x128xf32, #tpu.memory_space<hbm>>
    tpu.wait_dma2 semaphore(%arg12 : memref<!tpu.dma_semaphore, #tpu.memory_space<semaphore_mem>>) src(%dma_wait3A_407 : memref<16x128xf32, #tpu.memory_space<hbm>>) dst(%dma_wait3A_404 : memref<16x128xf32, #tpu.memory_space<vmem>>)
    %broadcast_in_dim3A_408 = arith.constant 4 : i32
    %broadcast_in_dim3A_409 = vector.broadcast %broadcast_in_dim3A_408 : i32 to vector<16xi32>
    %and3A_410 = arith.constant 127 : i32
    %and3A_411 = arith.andi %squeeze3A_392, %and3A_410 : i32
    %broadcast_in_dim3A_412 = vector.broadcast %and3A_411 : i32 to vector<16xi32>
    %gather3A_413 = tpu.vector_load_idx %arg6[%broadcast_in_dim3A_409, %iota3A, %broadcast_in_dim3A_412] : memref<16x16x128xf32, #tpu.memory_space<vmem>>[vector<16xi32>, vector<16xi32>, vector<16xi32>], vector<16xf32>,
    %broadcast_in_dim3A_414 = arith.constant 500 : i32
    %broadcast_in_dim3A_415 = vector.broadcast %broadcast_in_dim3A_414 : i32 to vector<16xi32>
    tpu.vector_store_idx %arg7[%iota3A, %broadcast_in_dim3A_415], %gather3A_413 : memref<16x512xf32, #tpu.memory_space<vmem>>[vector<16xi32>, vector<16xi32>], vector<16xf32>,
    %slice3A_416 = vector.extract_strided_slice %get3A_293 {offsets = [5], sizes = [1], strides = [1]} : vector<16xi32> to vector<1xi32>
    %squeeze3A_417 = vector.extract %slice3A_416[0] : i32 from vector<1xi32>
    %dma_wait3A_418 = arith.constant 5 : i32
    %dma_wait3A_419 = arith.constant 0 : i32
    %dma_wait3A_420 = arith.constant 0 : i32
    %dma_wait3A_421 = tpu.memref_slice %arg6[%dma_wait3A_418, %dma_wait3A_419, %dma_wait3A_420] : memref<16x16x128xf32, #tpu.memory_space<vmem>> -> memref<1x16x128xf32, #tpu.memory_space<vmem>>
    %dma_wait3A_422 = tpu.memref_squeeze %dma_wait3A_421 : memref<1x16x128xf32, #tpu.memory_space<vmem>> -> memref<16x128xf32, #tpu.memory_space<vmem>>
    %dma_wait3A_423 = arith.constant 0 : i32
    %dma_wait3A_424 = arith.constant 0 : i32
    %dma_wait3A_425 = tpu.memref_slice %arg2[%dma_wait3A_423, %dma_wait3A_424] : memref<16x1000000xf32, #tpu.memory_space<hbm>> -> memref<16x128xf32, #tpu.memory_space<hbm>>
    %dma_wait3A_426 = arith.constant 0 : i32
    %dma_wait3A_427 = arith.constant 0 : i32
    %dma_wait3A_428 = tpu.memref_slice %arg6[%dma_wait3A_418, %dma_wait3A_426, %dma_wait3A_427] : memref<16x16x128xf32, #tpu.memory_space<vmem>> -> memref<1x16x128xf32, #tpu.memory_space<vmem>>
    %dma_wait3A_429 = tpu.memref_squeeze %dma_wait3A_428 : memref<1x16x128xf32, #tpu.memory_space<vmem>> -> memref<16x128xf32, #tpu.memory_space<vmem>>
    %dma_wait3A_430 = arith.constant 0 : i32
    %dma_wait3A_431 = arith.constant 0 : i32
    %dma_wait3A_432 = tpu.memref_slice %arg2[%dma_wait3A_430, %dma_wait3A_431] : memref<16x1000000xf32, #tpu.memory_space<hbm>> -> memref<16x128xf32, #tpu.memory_space<hbm>>
    tpu.wait_dma2 semaphore(%arg13 : memref<!tpu.dma_semaphore, #tpu.memory_space<semaphore_mem>>) src(%dma_wait3A_432 : memref<16x128xf32, #tpu.memory_space<hbm>>) dst(%dma_wait3A_429 : memref<16x128xf32, #tpu.memory_space<vmem>>)
    %broadcast_in_dim3A_433 = arith.constant 5 : i32
    %broadcast_in_dim3A_434 = vector.broadcast %broadcast_in_dim3A_433 : i32 to vector<16xi32>
    %and3A_435 = arith.constant 127 : i32
    %and3A_436 = arith.andi %squeeze3A_417, %and3A_435 : i32
    %broadcast_in_dim3A_437 = vector.broadcast %and3A_436 : i32 to vector<16xi32>
    %gather3A_438 = tpu.vector_load_idx %arg6[%broadcast_in_dim3A_434, %iota3A, %broadcast_in_dim3A_437] : memref<16x16x128xf32, #tpu.memory_space<vmem>>[vector<16xi32>, vector<16xi32>, vector<16xi32>], vector<16xf32>,
    %broadcast_in_dim3A_439 = arith.constant 501 : i32
    %broadcast_in_dim3A_440 = vector.broadcast %broadcast_in_dim3A_439 : i32 to vector<16xi32>
    tpu.vector_store_idx %arg7[%iota3A, %broadcast_in_dim3A_440], %gather3A_438 : memref<16x512xf32, #tpu.memory_space<vmem>>[vector<16xi32>, vector<16xi32>], vector<16xf32>,
    %slice3A_441 = vector.extract_strided_slice %get3A_293 {offsets = [6], sizes = [1], strides = [1]} : vector<16xi32> to vector<1xi32>
    %squeeze3A_442 = vector.extract %slice3A_441[0] : i32 from vector<1xi32>
    %dma_wait3A_443 = arith.constant 6 : i32
    %dma_wait3A_444 = arith.constant 0 : i32
    %dma_wait3A_445 = arith.constant 0 : i32
    %dma_wait3A_446 = tpu.memref_slice %arg6[%dma_wait3A_443, %dma_wait3A_444, %dma_wait3A_445] : memref<16x16x128xf32, #tpu.memory_space<vmem>> -> memref<1x16x128xf32, #tpu.memory_space<vmem>>
    %dma_wait3A_447 = tpu.memref_squeeze %dma_wait3A_446 : memref<1x16x128xf32, #tpu.memory_space<vmem>> -> memref<16x128xf32, #tpu.memory_space<vmem>>
    %dma_wait3A_448 = arith.constant 0 : i32
    %dma_wait3A_449 = arith.constant 0 : i32
    %dma_wait3A_450 = tpu.memref_slice %arg2[%dma_wait3A_448, %dma_wait3A_449] : memref<16x1000000xf32, #tpu.memory_space<hbm>> -> memref<16x128xf32, #tpu.memory_space<hbm>>
    %dma_wait3A_451 = arith.constant 0 : i32
    %dma_wait3A_452 = arith.constant 0 : i32
    %dma_wait3A_453 = tpu.memref_slice %arg6[%dma_wait3A_443, %dma_wait3A_451, %dma_wait3A_452] : memref<16x16x128xf32, #tpu.memory_space<vmem>> -> memref<1x16x128xf32, #tpu.memory_space<vmem>>
    %dma_wait3A_454 = tpu.memref_squeeze %dma_wait3A_453 : memref<1x16x128xf32, #tpu.memory_space<vmem>> -> memref<16x128xf32, #tpu.memory_space<vmem>>
    %dma_wait3A_455 = arith.constant 0 : i32
    %dma_wait3A_456 = arith.constant 0 : i32
    %dma_wait3A_457 = tpu.memref_slice %arg2[%dma_wait3A_455, %dma_wait3A_456] : memref<16x1000000xf32, #tpu.memory_space<hbm>> -> memref<16x128xf32, #tpu.memory_space<hbm>>
    tpu.wait_dma2 semaphore(%arg14 : memref<!tpu.dma_semaphore, #tpu.memory_space<semaphore_mem>>) src(%dma_wait3A_457 : memref<16x128xf32, #tpu.memory_space<hbm>>) dst(%dma_wait3A_454 : memref<16x128xf32, #tpu.memory_space<vmem>>)
    %broadcast_in_dim3A_458 = arith.constant 6 : i32
    %broadcast_in_dim3A_459 = vector.broadcast %broadcast_in_dim3A_458 : i32 to vector<16xi32>
    %and3A_460 = arith.constant 127 : i32
    %and3A_461 = arith.andi %squeeze3A_442, %and3A_460 : i32
    %broadcast_in_dim3A_462 = vector.broadcast %and3A_461 : i32 to vector<16xi32>
    %gather3A_463 = tpu.vector_load_idx %arg6[%broadcast_in_dim3A_459, %iota3A, %broadcast_in_dim3A_462] : memref<16x16x128xf32, #tpu.memory_space<vmem>>[vector<16xi32>, vector<16xi32>, vector<16xi32>], vector<16xf32>,
    %broadcast_in_dim3A_464 = arith.constant 502 : i32
    %broadcast_in_dim3A_465 = vector.broadcast %broadcast_in_dim3A_464 : i32 to vector<16xi32>
    tpu.vector_store_idx %arg7[%iota3A, %broadcast_in_dim3A_465], %gather3A_463 : memref<16x512xf32, #tpu.memory_space<vmem>>[vector<16xi32>, vector<16xi32>], vector<16xf32>,
    %slice3A_466 = vector.extract_strided_slice %get3A_293 {offsets = [7], sizes = [1], strides = [1]} : vector<16xi32> to vector<1xi32>
    %squeeze3A_467 = vector.extract %slice3A_466[0] : i32 from vector<1xi32>
    %dma_wait3A_468 = arith.constant 7 : i32
    %dma_wait3A_469 = arith.constant 0 : i32
    %dma_wait3A_470 = arith.constant 0 : i32
    %dma_wait3A_471 = tpu.memref_slice %arg6[%dma_wait3A_468, %dma_wait3A_469, %dma_wait3A_470] : memref<16x16x128xf32, #tpu.memory_space<vmem>> -> memref<1x16x128xf32, #tpu.memory_space<vmem>>
    %dma_wait3A_472 = tpu.memref_squeeze %dma_wait3A_471 : memref<1x16x128xf32, #tpu.memory_space<vmem>> -> memref<16x128xf32, #tpu.memory_space<vmem>>
    %dma_wait3A_473 = arith.constant 0 : i32
    %dma_wait3A_474 = arith.constant 0 : i32
    %dma_wait3A_475 = tpu.memref_slice %arg2[%dma_wait3A_473, %dma_wait3A_474] : memref<16x1000000xf32, #tpu.memory_space<hbm>> -> memref<16x128xf32, #tpu.memory_space<hbm>>
    %dma_wait3A_476 = arith.constant 0 : i32
    %dma_wait3A_477 = arith.constant 0 : i32
    %dma_wait3A_478 = tpu.memref_slice %arg6[%dma_wait3A_468, %dma_wait3A_476, %dma_wait3A_477] : memref<16x16x128xf32, #tpu.memory_space<vmem>> -> memref<1x16x128xf32, #tpu.memory_space<vmem>>
    %dma_wait3A_479 = tpu.memref_squeeze %dma_wait3A_478 : memref<1x16x128xf32, #tpu.memory_space<vmem>> -> memref<16x128xf32, #tpu.memory_space<vmem>>
    %dma_wait3A_480 = arith.constant 0 : i32
    %dma_wait3A_481 = arith.constant 0 : i32
    %dma_wait3A_482 = tpu.memref_slice %arg2[%dma_wait3A_480, %dma_wait3A_481] : memref<16x1000000xf32, #tpu.memory_space<hbm>> -> memref<16x128xf32, #tpu.memory_space<hbm>>
    tpu.wait_dma2 semaphore(%arg15 : memref<!tpu.dma_semaphore, #tpu.memory_space<semaphore_mem>>) src(%dma_wait3A_482 : memref<16x128xf32, #tpu.memory_space<hbm>>) dst(%dma_wait3A_479 : memref<16x128xf32, #tpu.memory_space<vmem>>)
    %broadcast_in_dim3A_483 = arith.constant 7 : i32
    %broadcast_in_dim3A_484 = vector.broadcast %broadcast_in_dim3A_483 : i32 to vector<16xi32>
    %and3A_485 = arith.constant 127 : i32
    %and3A_486 = arith.andi %squeeze3A_467, %and3A_485 : i32
    %broadcast_in_dim3A_487 = vector.broadcast %and3A_486 : i32 to vector<16xi32>
    %gather3A_488 = tpu.vector_load_idx %arg6[%broadcast_in_dim3A_484, %iota3A, %broadcast_in_dim3A_487] : memref<16x16x128xf32, #tpu.memory_space<vmem>>[vector<16xi32>, vector<16xi32>, vector<16xi32>], vector<16xf32>,
    %broadcast_in_dim3A_489 = arith.constant 503 : i32
    %broadcast_in_dim3A_490 = vector.broadcast %broadcast_in_dim3A_489 : i32 to vector<16xi32>
    tpu.vector_store_idx %arg7[%iota3A, %broadcast_in_dim3A_490], %gather3A_488 : memref<16x512xf32, #tpu.memory_space<vmem>>[vector<16xi32>, vector<16xi32>], vector<16xf32>,
    %slice3A_491 = vector.extract_strided_slice %get3A_293 {offsets = [8], sizes = [1], strides = [1]} : vector<16xi32> to vector<1xi32>
    %squeeze3A_492 = vector.extract %slice3A_491[0] : i32 from vector<1xi32>
    %dma_wait3A_493 = arith.constant 8 : i32
    %dma_wait3A_494 = arith.constant 0 : i32
    %dma_wait3A_495 = arith.constant 0 : i32
    %dma_wait3A_496 = tpu.memref_slice %arg6[%dma_wait3A_493, %dma_wait3A_494, %dma_wait3A_495] : memref<16x16x128xf32, #tpu.memory_space<vmem>> -> memref<1x16x128xf32, #tpu.memory_space<vmem>>
    %dma_wait3A_497 = tpu.memref_squeeze %dma_wait3A_496 : memref<1x16x128xf32, #tpu.memory_space<vmem>> -> memref<16x128xf32, #tpu.memory_space<vmem>>
    %dma_wait3A_498 = arith.constant 0 : i32
    %dma_wait3A_499 = arith.constant 0 : i32
    %dma_wait3A_500 = tpu.memref_slice %arg2[%dma_wait3A_498, %dma_wait3A_499] : memref<16x1000000xf32, #tpu.memory_space<hbm>> -> memref<16x128xf32, #tpu.memory_space<hbm>>
    %dma_wait3A_501 = arith.constant 0 : i32
    %dma_wait3A_502 = arith.constant 0 : i32
    %dma_wait3A_503 = tpu.memref_slice %arg6[%dma_wait3A_493, %dma_wait3A_501, %dma_wait3A_502] : memref<16x16x128xf32, #tpu.memory_space<vmem>> -> memref<1x16x128xf32, #tpu.memory_space<vmem>>
    %dma_wait3A_504 = tpu.memref_squeeze %dma_wait3A_503 : memref<1x16x128xf32, #tpu.memory_space<vmem>> -> memref<16x128xf32, #tpu.memory_space<vmem>>
    %dma_wait3A_505 = arith.constant 0 : i32
    %dma_wait3A_506 = arith.constant 0 : i32
    %dma_wait3A_507 = tpu.memref_slice %arg2[%dma_wait3A_505, %dma_wait3A_506] : memref<16x1000000xf32, #tpu.memory_space<hbm>> -> memref<16x128xf32, #tpu.memory_space<hbm>>
    tpu.wait_dma2 semaphore(%arg16 : memref<!tpu.dma_semaphore, #tpu.memory_space<semaphore_mem>>) src(%dma_wait3A_507 : memref<16x128xf32, #tpu.memory_space<hbm>>) dst(%dma_wait3A_504 : memref<16x128xf32, #tpu.memory_space<vmem>>)
    %broadcast_in_dim3A_508 = arith.constant 8 : i32
    %broadcast_in_dim3A_509 = vector.broadcast %broadcast_in_dim3A_508 : i32 to vector<16xi32>
    %and3A_510 = arith.constant 127 : i32
    %and3A_511 = arith.andi %squeeze3A_492, %and3A_510 : i32
    %broadcast_in_dim3A_512 = vector.broadcast %and3A_511 : i32 to vector<16xi32>
    %gather3A_513 = tpu.vector_load_idx %arg6[%broadcast_in_dim3A_509, %iota3A, %broadcast_in_dim3A_512] : memref<16x16x128xf32, #tpu.memory_space<vmem>>[vector<16xi32>, vector<16xi32>, vector<16xi32>], vector<16xf32>,
    %broadcast_in_dim3A_514 = arith.constant 504 : i32
    %broadcast_in_dim3A_515 = vector.broadcast %broadcast_in_dim3A_514 : i32 to vector<16xi32>
    tpu.vector_store_idx %arg7[%iota3A, %broadcast_in_dim3A_515], %gather3A_513 : memref<16x512xf32, #tpu.memory_space<vmem>>[vector<16xi32>, vector<16xi32>], vector<16xf32>,
    %slice3A_516 = vector.extract_strided_slice %get3A_293 {offsets = [9], sizes = [1], strides = [1]} : vector<16xi32> to vector<1xi32>
    %squeeze3A_517 = vector.extract %slice3A_516[0] : i32 from vector<1xi32>
    %dma_wait3A_518 = arith.constant 9 : i32
    %dma_wait3A_519 = arith.constant 0 : i32
    %dma_wait3A_520 = arith.constant 0 : i32
    %dma_wait3A_521 = tpu.memref_slice %arg6[%dma_wait3A_518, %dma_wait3A_519, %dma_wait3A_520] : memref<16x16x128xf32, #tpu.memory_space<vmem>> -> memref<1x16x128xf32, #tpu.memory_space<vmem>>
    %dma_wait3A_522 = tpu.memref_squeeze %dma_wait3A_521 : memref<1x16x128xf32, #tpu.memory_space<vmem>> -> memref<16x128xf32, #tpu.memory_space<vmem>>
    %dma_wait3A_523 = arith.constant 0 : i32
    %dma_wait3A_524 = arith.constant 0 : i32
    %dma_wait3A_525 = tpu.memref_slice %arg2[%dma_wait3A_523, %dma_wait3A_524] : memref<16x1000000xf32, #tpu.memory_space<hbm>> -> memref<16x128xf32, #tpu.memory_space<hbm>>
    %dma_wait3A_526 = arith.constant 0 : i32
    %dma_wait3A_527 = arith.constant 0 : i32
    %dma_wait3A_528 = tpu.memref_slice %arg6[%dma_wait3A_518, %dma_wait3A_526, %dma_wait3A_527] : memref<16x16x128xf32, #tpu.memory_space<vmem>> -> memref<1x16x128xf32, #tpu.memory_space<vmem>>
    %dma_wait3A_529 = tpu.memref_squeeze %dma_wait3A_528 : memref<1x16x128xf32, #tpu.memory_space<vmem>> -> memref<16x128xf32, #tpu.memory_space<vmem>>
    %dma_wait3A_530 = arith.constant 0 : i32
    %dma_wait3A_531 = arith.constant 0 : i32
    %dma_wait3A_532 = tpu.memref_slice %arg2[%dma_wait3A_530, %dma_wait3A_531] : memref<16x1000000xf32, #tpu.memory_space<hbm>> -> memref<16x128xf32, #tpu.memory_space<hbm>>
    tpu.wait_dma2 semaphore(%arg17 : memref<!tpu.dma_semaphore, #tpu.memory_space<semaphore_mem>>) src(%dma_wait3A_532 : memref<16x128xf32, #tpu.memory_space<hbm>>) dst(%dma_wait3A_529 : memref<16x128xf32, #tpu.memory_space<vmem>>)
    %broadcast_in_dim3A_533 = arith.constant 9 : i32
    %broadcast_in_dim3A_534 = vector.broadcast %broadcast_in_dim3A_533 : i32 to vector<16xi32>
    %and3A_535 = arith.constant 127 : i32
    %and3A_536 = arith.andi %squeeze3A_517, %and3A_535 : i32
    %broadcast_in_dim3A_537 = vector.broadcast %and3A_536 : i32 to vector<16xi32>
    %gather3A_538 = tpu.vector_load_idx %arg6[%broadcast_in_dim3A_534, %iota3A, %broadcast_in_dim3A_537] : memref<16x16x128xf32, #tpu.memory_space<vmem>>[vector<16xi32>, vector<16xi32>, vector<16xi32>], vector<16xf32>,
    %broadcast_in_dim3A_539 = arith.constant 505 : i32
    %broadcast_in_dim3A_540 = vector.broadcast %broadcast_in_dim3A_539 : i32 to vector<16xi32>
    tpu.vector_store_idx %arg7[%iota3A, %broadcast_in_dim3A_540], %gather3A_538 : memref<16x512xf32, #tpu.memory_space<vmem>>[vector<16xi32>, vector<16xi32>], vector<16xf32>,
    %slice3A_541 = vector.extract_strided_slice %get3A_293 {offsets = [10], sizes = [1], strides = [1]} : vector<16xi32> to vector<1xi32>
    %squeeze3A_542 = vector.extract %slice3A_541[0] : i32 from vector<1xi32>
    %dma_wait3A_543 = arith.constant 10 : i32
    %dma_wait3A_544 = arith.constant 0 : i32
    %dma_wait3A_545 = arith.constant 0 : i32
    %dma_wait3A_546 = tpu.memref_slice %arg6[%dma_wait3A_543, %dma_wait3A_544, %dma_wait3A_545] : memref<16x16x128xf32, #tpu.memory_space<vmem>> -> memref<1x16x128xf32, #tpu.memory_space<vmem>>
    %dma_wait3A_547 = tpu.memref_squeeze %dma_wait3A_546 : memref<1x16x128xf32, #tpu.memory_space<vmem>> -> memref<16x128xf32, #tpu.memory_space<vmem>>
    %dma_wait3A_548 = arith.constant 0 : i32
    %dma_wait3A_549 = arith.constant 0 : i32
    %dma_wait3A_550 = tpu.memref_slice %arg2[%dma_wait3A_548, %dma_wait3A_549] : memref<16x1000000xf32, #tpu.memory_space<hbm>> -> memref<16x128xf32, #tpu.memory_space<hbm>>
    %dma_wait3A_551 = arith.constant 0 : i32
    %dma_wait3A_552 = arith.constant 0 : i32
    %dma_wait3A_553 = tpu.memref_slice %arg6[%dma_wait3A_543, %dma_wait3A_551, %dma_wait3A_552] : memref<16x16x128xf32, #tpu.memory_space<vmem>> -> memref<1x16x128xf32, #tpu.memory_space<vmem>>
    %dma_wait3A_554 = tpu.memref_squeeze %dma_wait3A_553 : memref<1x16x128xf32, #tpu.memory_space<vmem>> -> memref<16x128xf32, #tpu.memory_space<vmem>>
    %dma_wait3A_555 = arith.constant 0 : i32
    %dma_wait3A_556 = arith.constant 0 : i32
    %dma_wait3A_557 = tpu.memref_slice %arg2[%dma_wait3A_555, %dma_wait3A_556] : memref<16x1000000xf32, #tpu.memory_space<hbm>> -> memref<16x128xf32, #tpu.memory_space<hbm>>
    tpu.wait_dma2 semaphore(%arg18 : memref<!tpu.dma_semaphore, #tpu.memory_space<semaphore_mem>>) src(%dma_wait3A_557 : memref<16x128xf32, #tpu.memory_space<hbm>>) dst(%dma_wait3A_554 : memref<16x128xf32, #tpu.memory_space<vmem>>)
    %broadcast_in_dim3A_558 = arith.constant 10 : i32
    %broadcast_in_dim3A_559 = vector.broadcast %broadcast_in_dim3A_558 : i32 to vector<16xi32>
    %and3A_560 = arith.constant 127 : i32
    %and3A_561 = arith.andi %squeeze3A_542, %and3A_560 : i32
    %broadcast_in_dim3A_562 = vector.broadcast %and3A_561 : i32 to vector<16xi32>
    %gather3A_563 = tpu.vector_load_idx %arg6[%broadcast_in_dim3A_559, %iota3A, %broadcast_in_dim3A_562] : memref<16x16x128xf32, #tpu.memory_space<vmem>>[vector<16xi32>, vector<16xi32>, vector<16xi32>], vector<16xf32>,
    %broadcast_in_dim3A_564 = arith.constant 506 : i32
    %broadcast_in_dim3A_565 = vector.broadcast %broadcast_in_dim3A_564 : i32 to vector<16xi32>
    tpu.vector_store_idx %arg7[%iota3A, %broadcast_in_dim3A_565], %gather3A_563 : memref<16x512xf32, #tpu.memory_space<vmem>>[vector<16xi32>, vector<16xi32>], vector<16xf32>,
    %slice3A_566 = vector.extract_strided_slice %get3A_293 {offsets = [11], sizes = [1], strides = [1]} : vector<16xi32> to vector<1xi32>
    %squeeze3A_567 = vector.extract %slice3A_566[0] : i32 from vector<1xi32>
    %dma_wait3A_568 = arith.constant 11 : i32
    %dma_wait3A_569 = arith.constant 0 : i32
    %dma_wait3A_570 = arith.constant 0 : i32
    %dma_wait3A_571 = tpu.memref_slice %arg6[%dma_wait3A_568, %dma_wait3A_569, %dma_wait3A_570] : memref<16x16x128xf32, #tpu.memory_space<vmem>> -> memref<1x16x128xf32, #tpu.memory_space<vmem>>
    %dma_wait3A_572 = tpu.memref_squeeze %dma_wait3A_571 : memref<1x16x128xf32, #tpu.memory_space<vmem>> -> memref<16x128xf32, #tpu.memory_space<vmem>>
    %dma_wait3A_573 = arith.constant 0 : i32
    %dma_wait3A_574 = arith.constant 0 : i32
    %dma_wait3A_575 = tpu.memref_slice %arg2[%dma_wait3A_573, %dma_wait3A_574] : memref<16x1000000xf32, #tpu.memory_space<hbm>> -> memref<16x128xf32, #tpu.memory_space<hbm>>
    %dma_wait3A_576 = arith.constant 0 : i32
    %dma_wait3A_577 = arith.constant 0 : i32
    %dma_wait3A_578 = tpu.memref_slice %arg6[%dma_wait3A_568, %dma_wait3A_576, %dma_wait3A_577] : memref<16x16x128xf32, #tpu.memory_space<vmem>> -> memref<1x16x128xf32, #tpu.memory_space<vmem>>
    %dma_wait3A_579 = tpu.memref_squeeze %dma_wait3A_578 : memref<1x16x128xf32, #tpu.memory_space<vmem>> -> memref<16x128xf32, #tpu.memory_space<vmem>>
    %dma_wait3A_580 = arith.constant 0 : i32
    %dma_wait3A_581 = arith.constant 0 : i32
    %dma_wait3A_582 = tpu.memref_slice %arg2[%dma_wait3A_580, %dma_wait3A_581] : memref<16x1000000xf32, #tpu.memory_space<hbm>> -> memref<16x128xf32, #tpu.memory_space<hbm>>
    tpu.wait_dma2 semaphore(%arg19 : memref<!tpu.dma_semaphore, #tpu.memory_space<semaphore_mem>>) src(%dma_wait3A_582 : memref<16x128xf32, #tpu.memory_space<hbm>>) dst(%dma_wait3A_579 : memref<16x128xf32, #tpu.memory_space<vmem>>)
    %broadcast_in_dim3A_583 = arith.constant 11 : i32
    %broadcast_in_dim3A_584 = vector.broadcast %broadcast_in_dim3A_583 : i32 to vector<16xi32>
    %and3A_585 = arith.constant 127 : i32
    %and3A_586 = arith.andi %squeeze3A_567, %and3A_585 : i32
    %broadcast_in_dim3A_587 = vector.broadcast %and3A_586 : i32 to vector<16xi32>
    %gather3A_588 = tpu.vector_load_idx %arg6[%broadcast_in_dim3A_584, %iota3A, %broadcast_in_dim3A_587] : memref<16x16x128xf32, #tpu.memory_space<vmem>>[vector<16xi32>, vector<16xi32>, vector<16xi32>], vector<16xf32>,
    %broadcast_in_dim3A_589 = arith.constant 507 : i32
    %broadcast_in_dim3A_590 = vector.broadcast %broadcast_in_dim3A_589 : i32 to vector<16xi32>
    tpu.vector_store_idx %arg7[%iota3A, %broadcast_in_dim3A_590], %gather3A_588 : memref<16x512xf32, #tpu.memory_space<vmem>>[vector<16xi32>, vector<16xi32>], vector<16xf32>,
    %slice3A_591 = vector.extract_strided_slice %get3A_293 {offsets = [12], sizes = [1], strides = [1]} : vector<16xi32> to vector<1xi32>
    %squeeze3A_592 = vector.extract %slice3A_591[0] : i32 from vector<1xi32>
    %dma_wait3A_593 = arith.constant 12 : i32
    %dma_wait3A_594 = arith.constant 0 : i32
    %dma_wait3A_595 = arith.constant 0 : i32
    %dma_wait3A_596 = tpu.memref_slice %arg6[%dma_wait3A_593, %dma_wait3A_594, %dma_wait3A_595] : memref<16x16x128xf32, #tpu.memory_space<vmem>> -> memref<1x16x128xf32, #tpu.memory_space<vmem>>
    %dma_wait3A_597 = tpu.memref_squeeze %dma_wait3A_596 : memref<1x16x128xf32, #tpu.memory_space<vmem>> -> memref<16x128xf32, #tpu.memory_space<vmem>>
    %dma_wait3A_598 = arith.constant 0 : i32
    %dma_wait3A_599 = arith.constant 0 : i32
    %dma_wait3A_600 = tpu.memref_slice %arg2[%dma_wait3A_598, %dma_wait3A_599] : memref<16x1000000xf32, #tpu.memory_space<hbm>> -> memref<16x128xf32, #tpu.memory_space<hbm>>
    %dma_wait3A_601 = arith.constant 0 : i32
    %dma_wait3A_602 = arith.constant 0 : i32
    %dma_wait3A_603 = tpu.memref_slice %arg6[%dma_wait3A_593, %dma_wait3A_601, %dma_wait3A_602] : memref<16x16x128xf32, #tpu.memory_space<vmem>> -> memref<1x16x128xf32, #tpu.memory_space<vmem>>
    %dma_wait3A_604 = tpu.memref_squeeze %dma_wait3A_603 : memref<1x16x128xf32, #tpu.memory_space<vmem>> -> memref<16x128xf32, #tpu.memory_space<vmem>>
    %dma_wait3A_605 = arith.constant 0 : i32
    %dma_wait3A_606 = arith.constant 0 : i32
    %dma_wait3A_607 = tpu.memref_slice %arg2[%dma_wait3A_605, %dma_wait3A_606] : memref<16x1000000xf32, #tpu.memory_space<hbm>> -> memref<16x128xf32, #tpu.memory_space<hbm>>
    tpu.wait_dma2 semaphore(%arg20 : memref<!tpu.dma_semaphore, #tpu.memory_space<semaphore_mem>>) src(%dma_wait3A_607 : memref<16x128xf32, #tpu.memory_space<hbm>>) dst(%dma_wait3A_604 : memref<16x128xf32, #tpu.memory_space<vmem>>)
    %broadcast_in_dim3A_608 = arith.constant 12 : i32
    %broadcast_in_dim3A_609 = vector.broadcast %broadcast_in_dim3A_608 : i32 to vector<16xi32>
    %and3A_610 = arith.constant 127 : i32
    %and3A_611 = arith.andi %squeeze3A_592, %and3A_610 : i32
    %broadcast_in_dim3A_612 = vector.broadcast %and3A_611 : i32 to vector<16xi32>
    %gather3A_613 = tpu.vector_load_idx %arg6[%broadcast_in_dim3A_609, %iota3A, %broadcast_in_dim3A_612] : memref<16x16x128xf32, #tpu.memory_space<vmem>>[vector<16xi32>, vector<16xi32>, vector<16xi32>], vector<16xf32>,
    %broadcast_in_dim3A_614 = arith.constant 508 : i32
    %broadcast_in_dim3A_615 = vector.broadcast %broadcast_in_dim3A_614 : i32 to vector<16xi32>
    tpu.vector_store_idx %arg7[%iota3A, %broadcast_in_dim3A_615], %gather3A_613 : memref<16x512xf32, #tpu.memory_space<vmem>>[vector<16xi32>, vector<16xi32>], vector<16xf32>,
    %slice3A_616 = vector.extract_strided_slice %get3A_293 {offsets = [13], sizes = [1], strides = [1]} : vector<16xi32> to vector<1xi32>
    %squeeze3A_617 = vector.extract %slice3A_616[0] : i32 from vector<1xi32>
    %dma_wait3A_618 = arith.constant 13 : i32
    %dma_wait3A_619 = arith.constant 0 : i32
    %dma_wait3A_620 = arith.constant 0 : i32
    %dma_wait3A_621 = tpu.memref_slice %arg6[%dma_wait3A_618, %dma_wait3A_619, %dma_wait3A_620] : memref<16x16x128xf32, #tpu.memory_space<vmem>> -> memref<1x16x128xf32, #tpu.memory_space<vmem>>
    %dma_wait3A_622 = tpu.memref_squeeze %dma_wait3A_621 : memref<1x16x128xf32, #tpu.memory_space<vmem>> -> memref<16x128xf32, #tpu.memory_space<vmem>>
    %dma_wait3A_623 = arith.constant 0 : i32
    %dma_wait3A_624 = arith.constant 0 : i32
    %dma_wait3A_625 = tpu.memref_slice %arg2[%dma_wait3A_623, %dma_wait3A_624] : memref<16x1000000xf32, #tpu.memory_space<hbm>> -> memref<16x128xf32, #tpu.memory_space<hbm>>
    %dma_wait3A_626 = arith.constant 0 : i32
    %dma_wait3A_627 = arith.constant 0 : i32
    %dma_wait3A_628 = tpu.memref_slice %arg6[%dma_wait3A_618, %dma_wait3A_626, %dma_wait3A_627] : memref<16x16x128xf32, #tpu.memory_space<vmem>> -> memref<1x16x128xf32, #tpu.memory_space<vmem>>
    %dma_wait3A_629 = tpu.memref_squeeze %dma_wait3A_628 : memref<1x16x128xf32, #tpu.memory_space<vmem>> -> memref<16x128xf32, #tpu.memory_space<vmem>>
    %dma_wait3A_630 = arith.constant 0 : i32
    %dma_wait3A_631 = arith.constant 0 : i32
    %dma_wait3A_632 = tpu.memref_slice %arg2[%dma_wait3A_630, %dma_wait3A_631] : memref<16x1000000xf32, #tpu.memory_space<hbm>> -> memref<16x128xf32, #tpu.memory_space<hbm>>
    tpu.wait_dma2 semaphore(%arg21 : memref<!tpu.dma_semaphore, #tpu.memory_space<semaphore_mem>>) src(%dma_wait3A_632 : memref<16x128xf32, #tpu.memory_space<hbm>>) dst(%dma_wait3A_629 : memref<16x128xf32, #tpu.memory_space<vmem>>)
    %broadcast_in_dim3A_633 = arith.constant 13 : i32
    %broadcast_in_dim3A_634 = vector.broadcast %broadcast_in_dim3A_633 : i32 to vector<16xi32>
    %and3A_635 = arith.constant 127 : i32
    %and3A_636 = arith.andi %squeeze3A_617, %and3A_635 : i32
    %broadcast_in_dim3A_637 = vector.broadcast %and3A_636 : i32 to vector<16xi32>
    %gather3A_638 = tpu.vector_load_idx %arg6[%broadcast_in_dim3A_634, %iota3A, %broadcast_in_dim3A_637] : memref<16x16x128xf32, #tpu.memory_space<vmem>>[vector<16xi32>, vector<16xi32>, vector<16xi32>], vector<16xf32>,
    %broadcast_in_dim3A_639 = arith.constant 509 : i32
    %broadcast_in_dim3A_640 = vector.broadcast %broadcast_in_dim3A_639 : i32 to vector<16xi32>
    tpu.vector_store_idx %arg7[%iota3A, %broadcast_in_dim3A_640], %gather3A_638 : memref<16x512xf32, #tpu.memory_space<vmem>>[vector<16xi32>, vector<16xi32>], vector<16xf32>,
    %slice3A_641 = vector.extract_strided_slice %get3A_293 {offsets = [14], sizes = [1], strides = [1]} : vector<16xi32> to vector<1xi32>
    %squeeze3A_642 = vector.extract %slice3A_641[0] : i32 from vector<1xi32>
    %dma_wait3A_643 = arith.constant 14 : i32
    %dma_wait3A_644 = arith.constant 0 : i32
    %dma_wait3A_645 = arith.constant 0 : i32
    %dma_wait3A_646 = tpu.memref_slice %arg6[%dma_wait3A_643, %dma_wait3A_644, %dma_wait3A_645] : memref<16x16x128xf32, #tpu.memory_space<vmem>> -> memref<1x16x128xf32, #tpu.memory_space<vmem>>
    %dma_wait3A_647 = tpu.memref_squeeze %dma_wait3A_646 : memref<1x16x128xf32, #tpu.memory_space<vmem>> -> memref<16x128xf32, #tpu.memory_space<vmem>>
    %dma_wait3A_648 = arith.constant 0 : i32
    %dma_wait3A_649 = arith.constant 0 : i32
    %dma_wait3A_650 = tpu.memref_slice %arg2[%dma_wait3A_648, %dma_wait3A_649] : memref<16x1000000xf32, #tpu.memory_space<hbm>> -> memref<16x128xf32, #tpu.memory_space<hbm>>
    %dma_wait3A_651 = arith.constant 0 : i32
    %dma_wait3A_652 = arith.constant 0 : i32
    %dma_wait3A_653 = tpu.memref_slice %arg6[%dma_wait3A_643, %dma_wait3A_651, %dma_wait3A_652] : memref<16x16x128xf32, #tpu.memory_space<vmem>> -> memref<1x16x128xf32, #tpu.memory_space<vmem>>
    %dma_wait3A_654 = tpu.memref_squeeze %dma_wait3A_653 : memref<1x16x128xf32, #tpu.memory_space<vmem>> -> memref<16x128xf32, #tpu.memory_space<vmem>>
    %dma_wait3A_655 = arith.constant 0 : i32
    %dma_wait3A_656 = arith.constant 0 : i32
    %dma_wait3A_657 = tpu.memref_slice %arg2[%dma_wait3A_655, %dma_wait3A_656] : memref<16x1000000xf32, #tpu.memory_space<hbm>> -> memref<16x128xf32, #tpu.memory_space<hbm>>
    tpu.wait_dma2 semaphore(%arg22 : memref<!tpu.dma_semaphore, #tpu.memory_space<semaphore_mem>>) src(%dma_wait3A_657 : memref<16x128xf32, #tpu.memory_space<hbm>>) dst(%dma_wait3A_654 : memref<16x128xf32, #tpu.memory_space<vmem>>)
    %broadcast_in_dim3A_658 = arith.constant 14 : i32
    %broadcast_in_dim3A_659 = vector.broadcast %broadcast_in_dim3A_658 : i32 to vector<16xi32>
    %and3A_660 = arith.constant 127 : i32
    %and3A_661 = arith.andi %squeeze3A_642, %and3A_660 : i32
    %broadcast_in_dim3A_662 = vector.broadcast %and3A_661 : i32 to vector<16xi32>
    %gather3A_663 = tpu.vector_load_idx %arg6[%broadcast_in_dim3A_659, %iota3A, %broadcast_in_dim3A_662] : memref<16x16x128xf32, #tpu.memory_space<vmem>>[vector<16xi32>, vector<16xi32>, vector<16xi32>], vector<16xf32>,
    %broadcast_in_dim3A_664 = arith.constant 510 : i32
    %broadcast_in_dim3A_665 = vector.broadcast %broadcast_in_dim3A_664 : i32 to vector<16xi32>
    tpu.vector_store_idx %arg7[%iota3A, %broadcast_in_dim3A_665], %gather3A_663 : memref<16x512xf32, #tpu.memory_space<vmem>>[vector<16xi32>, vector<16xi32>], vector<16xf32>,
    %slice3A_666 = vector.extract_strided_slice %get3A_293 {offsets = [15], sizes = [1], strides = [1]} : vector<16xi32> to vector<1xi32>
    %squeeze3A_667 = vector.extract %slice3A_666[0] : i32 from vector<1xi32>
    %dma_wait3A_668 = arith.constant 15 : i32
    %dma_wait3A_669 = arith.constant 0 : i32
    %dma_wait3A_670 = arith.constant 0 : i32
    %dma_wait3A_671 = tpu.memref_slice %arg6[%dma_wait3A_668, %dma_wait3A_669, %dma_wait3A_670] : memref<16x16x128xf32, #tpu.memory_space<vmem>> -> memref<1x16x128xf32, #tpu.memory_space<vmem>>
    %dma_wait3A_672 = tpu.memref_squeeze %dma_wait3A_671 : memref<1x16x128xf32, #tpu.memory_space<vmem>> -> memref<16x128xf32, #tpu.memory_space<vmem>>
    %dma_wait3A_673 = arith.constant 0 : i32
    %dma_wait3A_674 = arith.constant 0 : i32
    %dma_wait3A_675 = tpu.memref_slice %arg2[%dma_wait3A_673, %dma_wait3A_674] : memref<16x1000000xf32, #tpu.memory_space<hbm>> -> memref<16x128xf32, #tpu.memory_space<hbm>>
    %dma_wait3A_676 = arith.constant 0 : i32
    %dma_wait3A_677 = arith.constant 0 : i32
    %dma_wait3A_678 = tpu.memref_slice %arg6[%dma_wait3A_668, %dma_wait3A_676, %dma_wait3A_677] : memref<16x16x128xf32, #tpu.memory_space<vmem>> -> memref<1x16x128xf32, #tpu.memory_space<vmem>>
    %dma_wait3A_679 = tpu.memref_squeeze %dma_wait3A_678 : memref<1x16x128xf32, #tpu.memory_space<vmem>> -> memref<16x128xf32, #tpu.memory_space<vmem>>
    %dma_wait3A_680 = arith.constant 0 : i32
    %dma_wait3A_681 = arith.constant 0 : i32
    %dma_wait3A_682 = tpu.memref_slice %arg2[%dma_wait3A_680, %dma_wait3A_681] : memref<16x1000000xf32, #tpu.memory_space<hbm>> -> memref<16x128xf32, #tpu.memory_space<hbm>>
    tpu.wait_dma2 semaphore(%arg23 : memref<!tpu.dma_semaphore, #tpu.memory_space<semaphore_mem>>) src(%dma_wait3A_682 : memref<16x128xf32, #tpu.memory_space<hbm>>) dst(%dma_wait3A_679 : memref<16x128xf32, #tpu.memory_space<vmem>>)
    %broadcast_in_dim3A_683 = arith.constant 15 : i32
    %broadcast_in_dim3A_684 = vector.broadcast %broadcast_in_dim3A_683 : i32 to vector<16xi32>
    %and3A_685 = arith.constant 127 : i32
    %and3A_686 = arith.andi %squeeze3A_667, %and3A_685 : i32
    %broadcast_in_dim3A_687 = vector.broadcast %and3A_686 : i32 to vector<16xi32>
    %gather3A_688 = tpu.vector_load_idx %arg6[%broadcast_in_dim3A_684, %iota3A, %broadcast_in_dim3A_687] : memref<16x16x128xf32, #tpu.memory_space<vmem>>[vector<16xi32>, vector<16xi32>, vector<16xi32>], vector<16xf32>,
    %broadcast_in_dim3A_689 = arith.constant 511 : i32
    %broadcast_in_dim3A_690 = vector.broadcast %broadcast_in_dim3A_689 : i32 to vector<16xi32>
    tpu.vector_store_idx %arg7[%iota3A, %broadcast_in_dim3A_690], %gather3A_688 : memref<16x512xf32, #tpu.memory_space<vmem>>[vector<16xi32>, vector<16xi32>], vector<16xf32>,
    "tpu.region"() ({
      %run_scoped3A = tpu.sem_alloc : memref<!tpu.dma_semaphore, #tpu.memory_space<semaphore_mem>>
      %dma_start3A_691 = arith.constant 0 : i32
      %dma_start3A_692 = tpu.memref_slice %arg4[%dma_start3A_691, %mul3A_2] : memref<16x16384xf32, #tpu.memory_space<hbm>> -> memref<16x512xf32, #tpu.memory_space<hbm>>
      %dma_start3A_693 = arith.constant 0 : i32
      %dma_start3A_694 = tpu.memref_slice %arg4[%dma_start3A_693, %mul3A_2] : memref<16x16384xf32, #tpu.memory_space<hbm>> -> memref<16x512xf32, #tpu.memory_space<hbm>>
      tpu.enqueue_dma source(%arg7 : memref<16x512xf32, #tpu.memory_space<vmem>>) target(%dma_start3A_694 : memref<16x512xf32, #tpu.memory_space<hbm>>) target_semaphore(%run_scoped3A : memref<!tpu.dma_semaphore, #tpu.memory_space<semaphore_mem>>)
      %dma_wait3A_695 = arith.constant 0 : i32
      %dma_wait3A_696 = tpu.memref_slice %arg4[%dma_wait3A_695, %mul3A_2] : memref<16x16384xf32, #tpu.memory_space<hbm>> -> memref<16x512xf32, #tpu.memory_space<hbm>>
      %dma_wait3A_697 = arith.constant 0 : i32
      %dma_wait3A_698 = tpu.memref_slice %arg4[%dma_wait3A_697, %mul3A_2] : memref<16x16384xf32, #tpu.memory_space<hbm>> -> memref<16x512xf32, #tpu.memory_space<hbm>>
      tpu.wait_dma2 semaphore(%run_scoped3A : memref<!tpu.dma_semaphore, #tpu.memory_space<semaphore_mem>>) src(%arg7 : memref<16x512xf32, #tpu.memory_space<vmem>>) dst(%dma_wait3A_698 : memref<16x512xf32, #tpu.memory_space<hbm>>)
      tpu.yield
    }) : () -> ()
    return
  }
}

</mosaic_0001>

<sc_bundles>
// kernel: _sc_gather_t.3.cloned.1.call-start
scs
__scs_entry_jumppad:
0x0: {  	(pc) =	sbr.rel $0x88, $3  }
0x1: {  	(tag) =	ssettag $0x0;
	lr =	simm.s32 $0x1  }
0x2: {  	[smem:$0x3F9F] =	sst lr;
	_ =	strace $0xD0000000  }
0x3: {  	_ = 	snop  }
0x4: {  	_ = 	snop  }
0x5: {  	_ = 	snop  }
0x6: {  	_ = 	snop  }
0x7: {  	_ = 	snop  }
__scs_overlays_trampoline_lowered:
0x8: {  	[smem:$0x3FAE] =	sst s0  }
0x9: {  	[smem:$0x3FAF] =	sst s1  }
0xa: {  	[smem:$0x3FB0] =	sst s2  }
0xb: {  	[smem:$0x3FB1] =	sst s3  }
0xc: {  	[smem:$0x3FB2] =	sst s4  }
0xd: {  	[smem:$0x3FB3] =	sst s5  }
0xe: {  	[smem:$0x3FB4] =	sst s6  }
0xf: {  	[smem:$0x3FB5] =	sst s7  }
0x10: {  	[smem:$0x3FB6] =	sst s8  }
0x11: {  	[smem:$0x3FB7] =	sst s9;
	s0 =	simm.s32 @!p0 $0x0  }
0x12: {  	s1 =	sld [smem:$0x3F9D];
	s0 =	simm.s32 @p0 $0x1  }
0x13: {  	[smem:$0x3FB8] =	sst s0;
	s0 =	simm.s32 @!p1 $0x0  }
0x14: {  	s2 =	sld [smem:$0x3F9C];
	s0 =	simm.s32 @p1 $0x1  }
0x15: {  	[smem:$0x3FB9] =	sst s0;
	s0 =	simm.s32 @!p2 $0x0  }
0x16: {  	s3 =	sld [smem:$0x3FDB];
	s0 =	simm.s32 @p2 $0x1  }
0x17: {  	s4 =	simm.s32 $0x1BF5;
	[smem:$0x3FBB] =	sst s0  }
0x18: {  	s0 =	sld [smem:$0x3F9E];
	_ =	swait.ge [sflag:s4], $0x0  }
0x19: {  	s7 =	sld [smem:$0x3F9F]  }
0x1a: {  	s8 =	sadd.s32 $0xFFFFE003, lr  }
0x1b: {  	s9 =	sadd.s32 $0xFFFFFEF7, lr;
	s5 =	simm.s32 $0xFFFFFFFF;
	p2 =	slt.u32 s8, $0xFFFFF086  }
0x1c: {  	p1 =	slt.u32 s9, $0xF7A;
	s5 =	simm.s32 @!p2 $0x0  }
0x1d: {  	s5 =	simm.s32 @p1 $0x1;
	p0 =	seq.s32 s7, s2  }
0x1e: {  	s7 =	smul.u32 @!p0 $0xF7A, s2;
	p2 =	seq.s32 @!p0 s5, $0x0  }
0x1f: {  	s9 =	smul.u32 $0xF7A, s1;
	s8 =	simm.s32 @!p0 $0x1BF5;
	p2 =	por !p2, p0  }
0x20: {  	[sflag:s8] =	ssyncset.s32 @!p0 $0xFFFFF086;
	s6 =	sadd.s32 @!p0 s3, s7;
	s7 =	simm.s32 @!p0 $0x108  }
0x21: {  	s3 =	sadd.s32 s3, s9;
	s6 =	sadd.s32 @!p0 $0x88, s6;
	s7 =	simm.s32 @p2 $0x1082  }
0x22: {  	[simem:s7], [sflag:s8] =	dma.local @!p0 [hbm:s6], $0xF7A  }
0x23: {  	s9 =	sor.u32 $0xD0000000, s2;
	s6 =	simm.s32 $0x108;
	_ =	swait.ge @!p0 [sflag:s8], $0x0  }
0x24: {  	s3 =	sadd.s32 $0x88, s3;
	s6 =	simm.s32 @!p1 $0x1082;
	[sflag:s4] =	ssyncset.s32 $0xFFFFF086  }
0x25: {  	[simem:s6], [sflag:s4] =	dma.local [hbm:s3], $0xF7A  }
0x26: {  	[smem:$0x3F9F] =	sst s1;
	(tag) =	ssettag s2;
	_ =	strace s9  }
0x27: {  	s1 =	sld [smem:$0x3FAF]  }
0x28: {  	s2 =	sld [smem:$0x3FB0]  }
0x29: {  	s4 =	sld [smem:$0x3FB2]  }
0x2a: {  	p0 =	seq.s32 s5, $0x0;
	s5 =	sld [smem:$0x3FB3]  }
0x2b: {  	s6 =	sld [smem:$0x3FB4]  }
0x2c: {  	s7 =	sld [smem:$0x3FB5]  }
0x2d: {  	s3 =	simm.s32 $0x108;
	s8 =	sld [smem:$0x3FB6]  }
0x2e: {  	s3 =	simm.s32 @!p0 $0x1082;
	s9 =	sld [smem:$0x3FB7]  }
0x2f: {  	lr =	sadd.s32 s0, s3;
	s0 =	sld [smem:$0x3FAE]  }
0x30: {  	s3 =	sld [smem:$0x3FB1]  }
0x31: {  	[smem:$0x3FBA] =	sst s10  }
0x32: {  	s10 =	sld [smem:$0x3FB8];
	_ =	sdelay $0x3  }
0x33: {  	p0 =	seq.s32 s10, $0x1;
	s10 =	sld [smem:$0x3FBA];
	_ =	sdelay $0x3  }
0x34: {  	[smem:$0x3FBA] =	sst s10  }
0x35: {  	s10 =	sld [smem:$0x3FB9];
	_ =	sdelay $0x3  }
0x36: {  	p1 =	seq.s32 s10, $0x1;
	s10 =	sld [smem:$0x3FBA];
	_ =	sdelay $0x3  }
0x37: {  	[smem:$0x3FBA] =	sst s10  }
0x38: {  	s10 =	sld [smem:$0x3FBB]  }
0x39: {  	_ = 	snop;
	(pc) =	sbr.ind lr, $3  }
0x3a: {  	_ = 	snop  }
0x3b: {  	_ = 	snop  }
0x3c: {  	p2 =	seq.s32 s10, $0x1;
	s10 =	sld [smem:$0x3FBA]  }
0x3d: {  	_ =	shalt  }
0x3e: {  	_ =	shalt  }
0x3f: {  	_ =	shalt  }
0x40: {  	_ =	shalt  }
0x41: {  	_ =	shalt  }
0x42: {  	_ =	shalt  }
0x43: {  	_ =	shalt  }
0x44: {  	_ =	shalt  }
0x45: {  	_ =	shalt  }
0x46: {  	_ =	shalt  }
0x47: {  	_ =	shalt  }
0x48: {  	_ =	shalt  }
0x49: {  	_ =	shalt  }
0x4a: {  	_ =	shalt  }
0x4b: {  	_ =	shalt  }
0x4c: {  	_ =	shalt  }
0x4d: {  	_ =	shalt  }
0x4e: {  	_ =	shalt  }
0x4f: {  	_ =	shalt  }
0x50: {  	_ =	shalt  }
0x51: {  	_ =	shalt  }
0x52: {  	_ =	shalt  }
0x53: {  	_ =	shalt  }
0x54: {  	_ =	shalt  }
0x55: {  	_ =	shalt  }
0x56: {  	_ =	shalt  }
0x57: {  	_ =	shalt  }
0x58: {  	_ =	shalt  }
0x59: {  	_ =	shalt  }
0x5a: {  	_ =	shalt  }
0x5b: {  	_ =	shalt  }
0x5c: {  	_ =	shalt  }
0x5d: {  	_ =	shalt  }
0x5e: {  	_ =	shalt  }
0x5f: {  	_ =	shalt  }
0x60: {  	_ =	shalt  }
0x61: {  	_ =	shalt  }
0x62: {  	_ =	shalt  }
0x63: {  	_ =	shalt  }
0x64: {  	_ =	shalt  }
0x65: {  	_ =	shalt  }
0x66: {  	_ =	shalt  }
0x67: {  	_ =	shalt  }
0x68: {  	_ =	shalt  }
0x69: {  	_ =	shalt  }
0x6a: {  	_ =	shalt  }
0x6b: {  	_ =	shalt  }
0x6c: {  	_ =	shalt  }
0x6d: {  	_ =	shalt  }
0x6e: {  	_ =	shalt  }
0x6f: {  	_ =	shalt  }
0x70: {  	_ =	shalt  }
0x71: {  	_ =	shalt  }
0x72: {  	_ =	shalt  }
0x73: {  	_ =	shalt  }
0x74: {  	_ =	shalt  }
0x75: {  	_ =	shalt  }
0x76: {  	_ =	shalt  }
0x77: {  	_ =	shalt  }
0x78: {  	_ =	shalt  }
0x79: {  	_ =	shalt  }
0x7a: {  	_ =	shalt  }
0x7b: {  	_ =	shalt  }
0x7c: {  	_ =	shalt  }
0x7d: {  	_ =	shalt  }
0x7e: {  	_ =	shalt  }
0x7f: {  	_ =	shalt  }
0x80: {  	_ =	shalt  }
0x81: {  	_ =	shalt  }
0x82: {  	_ =	shalt  }
0x83: {  	_ =	shalt  }
0x84: {  	_ =	shalt  }
0x85: {  	_ =	shalt  }
0x86: {  	_ =	shalt  }
0x87: {  	_ =	shalt  }
.Lfunc_end0:
.L_simem_size_0:
called_computation_lowered:
.L_overlay_start_0:
0x88: {  	s2 =	sld [smem:$0x3FD9]  }
0x89: {  	s3 =	sld [smem:$0x3FFE];
	_ =	sdelay $0x1  }
0x8a: {  	s1 =	srdreg.scid  }
0x8b: {  	s0 =	sand.u32 $0x1, s1  }
0x8c: {  	s18 =	sshll.u32 s0, $0xA;
	s2 =	sadd.s32 s3, s2  }
0x8d: {  	s2 =	sadd.s32 s2, s18  }
0x8e: {  	[smem:$0x3FC6] =	sst s2  }
0x8f: {  	_ = 	snop  }
0x90: {  	s2 =	sld [smem:$0x3FC9]  }
0x91: {  	s19 =	sld [smem:$0x3FC8]  }
0x92: {  	s4 =	sld [smem:$0x3FD0];
	(tm) =	ssettm $0x1  }
0x93: {  	s5 =	sld [smem:$0x3FFB];
	_ =	sdelay $0x3  }
0x94: {  	_ =	strace s5  }
0x95: {  	s5 =	sld [smem:$0x3FFC];
	_ =	sdelay $0x3  }
0x96: {  	_ =	strace s5  }
0x97: {  	s5 =	sld [smem:$0x3FFD];
	_ =	sdelay $0x3  }
0x98: {  	_ =	strace s5  }
0x99: {  	_ =	strace $0x8FFFFFFF  }
0x9a: {  	s20 =	sld [smem:$0x3FDB];
	_ =	sdelay $0x1  }
0x9b: {  	s6 =	simm.s32 $_scs_section_size  }
0x9c: {  	s7 =	simm.s32 $_size__tile_overlayer_lowered;
	s8 =	simm.s32 $_tile_overlayer_lowered  }
0x9d: {  	s23 =	simm.s32 $0x1BFF;
	s22 =	sshll.u32 s8, $0x1;
	s5 =	sadd.s32 s6, s20  }
0x9e: {  	s9 =	simm.s32 $0x0;
	s21 =	sshll.u32 s7, $0x1;
	s7 =	sadd.s32 s22, s5  }
0x9f: {  	[timem:s9], [sflag:s23] =	dma.local [hbm:s7], s21  }
0xa0: {  	_ =	swait.ge [sflag:s23], s21  }
0xa1: {  	s6 =	ssub.s32 $0x0, s21;
	[sflag:s23] =	ssyncset.done $0x0  }
0xa2: {  	[sflag:s23] =	ssyncadd.s32 s6;
	_ =	sdelay $0x1  }
0xa3: {  	s24 =	simm.s32 $0x1B8B  }
0xa4: {  	_ =	swait.ge [sflag:s24], $0x1  }
0xa5: {  	[sflag:s24] =	ssyncset.done $0x0  }
0xa6: {  	s25 =	simm.s32 $0x1B8E;
	[sflag:s24] =	ssyncadd.s32 $0xFFFFFFFF  }
0xa7: {  	s26 =	simm.s32 $execute0_lowered;
	[smem:$0x3FD2] =	sst s25  }
0xa8: {  	s6 =	sshll.u32 s26, $0x1;
	_ =	strace $0x80000046;
	[dreg:$0x1] =	wrdreg $0xFFFFFFFF  }
0xa9: {  	s28 =	simm.s32 $_size_execute0_lowered;
	s5 =	sadd.s32 s5, s6;
	[dreg:$0x0] =	wrdreg $0x0  }
0xaa: {  	s6 =	sshll.u32 s28, $0x1;
	[dreg:$0x2] =	wrdreg s5  }
0xab: {  	[dreg:$0x3] =	wrdreg s6  }
0xac: {  	[dreg:$0x4] =	wrdreg $0xC0  }
0xad: {  	_ =	task [dreg:s9], $0x5FFFF  }
0xae: {  	[dreg:$0x1] =	wrdreg $0xFFFFFFFF  }
0xaf: {  	[dreg:$0x0] =	wrdreg $0x60  }
0xb0: {  	[dreg:$0x2] =	wrdreg s2  }
0xb1: {  	[dreg:$0x3] =	wrdreg s19  }
0xb2: {  	[dreg:$0x4] =	wrdreg s4  }
0xb3: {  	[dreg:$0x5] =	wrdreg $0x9  }
0xb4: {  	_ =	task.clear_ibuf [dreg:s9], $0x6FFFF;
	_ =	strace $0x90000046  }
0xb5: {  	s29 =	simm.s32 $0x9;
	_ =	strace $0x80000048  }
0xb6: {  	_ =	swait.ge [sflag:s29], $0x1  }
0xb7: {  	[sflag:s29] =	ssyncadd.s32 $0xFFFFFFFF  }
0xb8: {  	_ =	strace $0x90000048  }
0xb9: {  	_ =	sfence  }
0xba: {  	s30 =	sld [smem:$0x0];
	_ =	sdelay $0x2  }
0xbb: {  	s31 =	sshll.u32 s1, $0xD;
	s1 =	sshrl.u32 s1, $0x2  }
0xbc: {  	s3 =	sand.u32 $0x4000, s31;
	s1 =	sadd.s32 s1, s30  }
0xbd: {  	s0 =	sor.u32 s3, s0;
	s1 =	sshll.u32 s1, $0x11  }
0xbe: {  	s0 =	sor.u32 s1, s0  }
0xbf: {  	s0 =	sadd.s32 $0x8F2B, s0  }
0xc0: {  	[sflag:s0] =	ssyncadd.remote.s32 $0x1  }
0xc1: {  	_ =	sfence.sel $0xFFFF  }
0xc2: {  	[dreg:$0x0] =	wrdreg $0xFFFFFFFF;
	(pc) =	sbr.abs _section_cstart, $3  }
0xc3: {  	[dreg:$0x1] =	wrdreg $0xFFFFFFFF  }
0xc4: {  	_ =	task.clear_ibuf [dreg:s9], $0x2FFFF;
	_ =	strace $0x9FFFFFFF  }
0xc5: {  	(tm) =	ssettm $0x7FFFFFFF  }
tec
execute0_lowered:
.L_overlay_start_1:
0x0: {  	(tag) =	ssettag $0x1  }
0x1: {  	v0 =	vimm.s32 $0x1380  }
0x2: {  	vm14 =	vcmask $0x300;
	vm13 =	vcmask $0x704;
	vm12 =	vcmask $0xB08  }
0x3: {  	vm11 =	vcmask $0xF0C;
	vm10 =	vcmask $0x1310;
	v1 =	vlaneseq.u32  }
0x4: {  	vm9 =	vcmask $0x1714;
	vm8 =	vcmask $0x1B18;
	vm7 =	vcmask $0x1F1C  }
0x5: {  	vm6 =	vcmask $0x2320;
	vm5 =	vcmask $0x2724;
	vm4 =	vcmask $0x2B28  }
0x6: {  	vm3 =	vcmask $0x2F2C;
	vm2 =	vcmask $0x3330;
	vm1 =	vcmask $0x3734  }
0x7: {  	vm0 =	vcmask $0x3B38;
	v18 =	vimm.s32 $0x1FF1;
	v19 =	vimm.s32 $0x1FF2  }
0x8: {  	v20 =	vimm.s32 $0x1FF3;
	v21 =	vimm.s32 $0x1FF4;
	v22 =	vimm.s32 $0x1FF5  }
0x9: {  	v23 =	vimm.s32 $0x1FF6;
	v24 =	vimm.s32 $0x1FF7;
	v25 =	vimm.s32 $0x1FF8  }
0xa: {  	v26 =	vimm.s32 $0x1FF9;
	v27 =	vimm.s32 $0x1FFA;
	v28 =	vimm.s32 $0x1FFB  }
0xb: {  	v29 =	vimm.s32 $0x1FFC;
	v30 =	vimm.s32 $0x1FFD;
	v31 =	vimm.s32 $0x1FFE  }
0xc: {  	v32 =	vimm.s32 $0x1FFF;
	v0 =	vsel vm14, $0x0, v0;
	v18 =	vsel vm14, $0xC71, v18  }
0xd: {  	v19 =	vsel vm14, $0xC72, v19;
	v20 =	vsel vm14, $0xC73, v20;
	v21 =	vsel vm14, $0xC74, v21  }
0xe: {  	v22 =	vsel vm14, $0xC75, v22;
	v23 =	vsel vm14, $0xC76, v23;
	v24 =	vsel vm14, $0xC77, v24  }
0xf: {  	v25 =	vsel vm14, $0xC78, v25;
	v26 =	vsel vm14, $0xC79, v26;
	v27 =	vsel vm14, $0xC7A, v27  }
0x10: {  	v28 =	vsel vm14, $0xC7B, v28;
	v29 =	vsel vm14, $0xC7C, v29;
	v30 =	vsel vm14, $0xC7D, v30  }
0x11: {  	v31 =	vsel vm14, $0xC7E, v31;
	v32 =	vsel vm14, $0xC7F, v32;
	v0 =	vsel vm13, $0x80, v0  }
0x12: {  	v18 =	vsel vm13, $0xCF1, v18;
	v19 =	vsel vm13, $0xCF2, v19;
	v20 =	vsel vm13, $0xCF3, v20  }
0x13: {  	v21 =	vsel vm13, $0xCF4, v21;
	v22 =	vsel vm13, $0xCF5, v22;
	v23 =	vsel vm13, $0xCF6, v23  }
0x14: {  	v24 =	vsel vm13, $0xCF7, v24;
	v25 =	vsel vm13, $0xCF8, v25;
	v26 =	vsel vm13, $0xCF9, v26  }
0x15: {  	v27 =	vsel vm13, $0xCFA, v27;
	v28 =	vsel vm13, $0xCFB, v28;
	v29 =	vsel vm13, $0xCFC, v29  }
0x16: {  	v30 =	vsel vm13, $0xCFD, v30;
	v31 =	vsel vm13, $0xCFE, v31;
	v32 =	vsel vm13, $0xCFF, v32  }
0x17: {  	v0 =	vsel vm12, $0x100, v0;
	v18 =	vsel vm12, $0xD71, v18;
	v19 =	vsel vm12, $0xD72, v19  }
0x18: {  	v20 =	vsel vm12, $0xD73, v20;
	v21 =	vsel vm12, $0xD74, v21;
	v22 =	vsel vm12, $0xD75, v22  }
0x19: {  	v23 =	vsel vm12, $0xD76, v23;
	v24 =	vsel vm12, $0xD77, v24;
	v25 =	vsel vm12, $0xD78, v25  }
0x1a: {  	v26 =	vsel vm12, $0xD79, v26;
	v27 =	vsel vm12, $0xD7A, v27;
	v28 =	vsel vm12, $0xD7B, v28  }
0x1b: {  	v29 =	vsel vm12, $0xD7C, v29;
	v30 =	vsel vm12, $0xD7D, v30;
	v31 =	vsel vm12, $0xD7E, v31  }
0x1c: {  	v32 =	vsel vm12, $0xD7F, v32;
	v0 =	vsel vm11, $0x180, v0;
	v18 =	vsel vm11, $0xDF1, v18  }
0x1d: {  	v19 =	vsel vm11, $0xDF2, v19;
	v20 =	vsel vm11, $0xDF3, v20;
	v21 =	vsel vm11, $0xDF4, v21  }
0x1e: {  	v22 =	vsel vm11, $0xDF5, v22;
	v23 =	vsel vm11, $0xDF6, v23;
	v24 =	vsel vm11, $0xDF7, v24  }
0x1f: {  	v25 =	vsel vm11, $0xDF8, v25;
	v26 =	vsel vm11, $0xDF9, v26;
	v27 =	vsel vm11, $0xDFA, v27  }
0x20: {  	v28 =	vsel vm11, $0xDFB, v28;
	v29 =	vsel vm11, $0xDFC, v29;
	v30 =	vsel vm11, $0xDFD, v30  }
0x21: {  	v31 =	vsel vm11, $0xDFE, v31;
	v32 =	vsel vm11, $0xDFF, v32;
	v2 =	vsel vm10, $0x200, v0  }
0x22: {  	v0 =	vmul.u32 $0x80, v1;
	v18 =	vsel vm10, $0xE71, v18;
	v19 =	vsel vm10, $0xE72, v19  }
0x23: {  	v20 =	vsel vm10, $0xE73, v20;
	v21 =	vsel vm10, $0xE74, v21;
	v22 =	vsel vm10, $0xE75, v22  }
0x24: {  	v23 =	vsel vm10, $0xE76, v23;
	v24 =	vsel vm10, $0xE77, v24;
	v25 =	vsel vm10, $0xE78, v25  }
0x25: {  	v26 =	vsel vm10, $0xE79, v26;
	v27 =	vsel vm10, $0xE7A, v27;
	v28 =	vsel vm10, $0xE7B, v28  }
0x26: {  	v29 =	vsel vm10, $0xE7C, v29;
	v30 =	vsel vm10, $0xE7D, v30;
	v31 =	vsel vm10, $0xE7E, v31  }
0x27: {  	v32 =	vsel vm10, $0xE7F, v32;
	v1 =	vsel vm9, $0x280, v2;
	v2 =	vimm.s32 $0x1FF0  }
0x28: {  	v18 =	vsel vm9, $0xEF1, v18;
	v19 =	vsel vm9, $0xEF2, v19;
	v20 =	vsel vm9, $0xEF3, v20  }
0x29: {  	v21 =	vsel vm9, $0xEF4, v21;
	v22 =	vsel vm9, $0xEF5, v22;
	v23 =	vsel vm9, $0xEF6, v23  }
0x2a: {  	v24 =	vsel vm9, $0xEF7, v24;
	v25 =	vsel vm9, $0xEF8, v25;
	v26 =	vsel vm9, $0xEF9, v26  }
0x2b: {  	v27 =	vsel vm9, $0xEFA, v27;
	v28 =	vsel vm9, $0xEFB, v28;
	v29 =	vsel vm9, $0xEFC, v29  }
0x2c: {  	v30 =	vsel vm9, $0xEFD, v30;
	v31 =	vsel vm9, $0xEFE, v31;
	v32 =	vsel vm9, $0xEFF, v32  }
0x2d: {  	v1 =	vsel vm8, $0x300, v1;
	v2 =	vsel vm14, $0xC70, v2;
	v4 =	vor.u32 $0x1800, v0  }
0x2e: {  	v6 =	vor.u32 $0x2800, v0;
	v8 =	vor.u32 $0x3800, v0;
	v10 =	vor.u32 $0x4800, v0  }
0x2f: {  	v12 =	vor.u32 $0x5800, v0;
	v14 =	vor.u32 $0x6800, v0;
	v16 =	vor.u32 $0x7800, v0  }
0x30: {  	v18 =	vsel vm8, $0xF71, v18;
	v19 =	vsel vm8, $0xF72, v19;
	v20 =	vsel vm8, $0xF73, v20  }
0x31: {  	v21 =	vsel vm8, $0xF74, v21;
	v22 =	vsel vm8, $0xF75, v22;
	v23 =	vsel vm8, $0xF76, v23  }
0x32: {  	v24 =	vsel vm8, $0xF77, v24;
	v25 =	vsel vm8, $0xF78, v25;
	v26 =	vsel vm8, $0xF79, v26  }
0x33: {  	v27 =	vsel vm8, $0xF7A, v27;
	v28 =	vsel vm8, $0xF7B, v28;
	v29 =	vsel vm8, $0xF7C, v29  }
0x34: {  	v30 =	vsel vm8, $0xF7D, v30;
	v31 =	vsel vm8, $0xF7E, v31;
	v32 =	vsel vm8, $0xF7F, v32  }
0x35: {  	v1 =	vsel vm7, $0x380, v1;
	v2 =	vsel vm13, $0xCF0, v2;
	v18 =	vsel vm7, $0xFF1, v18  }
0x36: {  	v19 =	vsel vm7, $0xFF2, v19;
	v20 =	vsel vm7, $0xFF3, v20;
	v21 =	vsel vm7, $0xFF4, v21  }
0x37: {  	v22 =	vsel vm7, $0xFF5, v22;
	v23 =	vsel vm7, $0xFF6, v23;
	v24 =	vsel vm7, $0xFF7, v24  }
0x38: {  	v25 =	vsel vm7, $0xFF8, v25;
	v26 =	vsel vm7, $0xFF9, v26;
	v27 =	vsel vm7, $0xFFA, v27  }
0x39: {  	v28 =	vsel vm7, $0xFFB, v28;
	v29 =	vsel vm7, $0xFFC, v29;
	v30 =	vsel vm7, $0xFFD, v30  }
0x3a: {  	v31 =	vsel vm7, $0xFFE, v31;
	v32 =	vsel vm7, $0xFFF, v32;
	v1 =	vsel vm6, $0x1000, v1  }
0x3b: {  	v2 =	vsel vm12, $0xD70, v2;
	v18 =	vsel vm6, $0x1C71, v18;
	v19 =	vsel vm6, $0x1C72, v19  }
0x3c: {  	v20 =	vsel vm6, $0x1C73, v20;
	v21 =	vsel vm6, $0x1C74, v21;
	v22 =	vsel vm6, $0x1C75, v22  }
0x3d: {  	v23 =	vsel vm6, $0x1C76, v23;
	v24 =	vsel vm6, $0x1C77, v24;
	v25 =	vsel vm6, $0x1C78, v25  }
0x3e: {  	v26 =	vsel vm6, $0x1C79, v26;
	v27 =	vsel vm6, $0x1C7A, v27;
	v28 =	vsel vm6, $0x1C7B, v28  }
0x3f: {  	v29 =	vsel vm6, $0x1C7C, v29;
	v30 =	vsel vm6, $0x1C7D, v30;
	v31 =	vsel vm6, $0x1C7E, v31  }
0x40: {  	v32 =	vsel vm6, $0x1C7F, v32;
	v1 =	vsel vm5, $0x1080, v1;
	v2 =	vsel vm11, $0xDF0, v2  }
0x41: {  	v18 =	vsel vm5, $0x1CF1, v18;
	v19 =	vsel vm5, $0x1CF2, v19;
	v20 =	vsel vm5, $0x1CF3, v20  }
0x42: {  	v21 =	vsel vm5, $0x1CF4, v21;
	v22 =	vsel vm5, $0x1CF5, v22;
	v23 =	vsel vm5, $0x1CF6, v23  }
0x43: {  	v24 =	vsel vm5, $0x1CF7, v24;
	v25 =	vsel vm5, $0x1CF8, v25;
	v26 =	vsel vm5, $0x1CF9, v26  }
0x44: {  	v27 =	vsel vm5, $0x1CFA, v27;
	v28 =	vsel vm5, $0x1CFB, v28;
	v29 =	vsel vm5, $0x1CFC, v29  }
0x45: {  	v30 =	vsel vm5, $0x1CFD, v30;
	v31 =	vsel vm5, $0x1CFE, v31;
	v32 =	vsel vm5, $0x1CFF, v32  }
0x46: {  	v1 =	vsel vm4, $0x1100, v1;
	v2 =	vsel vm10, $0xE70, v2;
	v18 =	vsel vm4, $0x1D71, v18  }
0x47: {  	v19 =	vsel vm4, $0x1D72, v19;
	v20 =	vsel vm4, $0x1D73, v20;
	v21 =	vsel vm4, $0x1D74, v21  }
0x48: {  	v22 =	vsel vm4, $0x1D75, v22;
	v23 =	vsel vm4, $0x1D76, v23;
	v24 =	vsel vm4, $0x1D77, v24  }
0x49: {  	v25 =	vsel vm4, $0x1D78, v25;
	v26 =	vsel vm4, $0x1D79, v26;
	v27 =	vsel vm4, $0x1D7A, v27  }
0x4a: {  	v28 =	vsel vm4, $0x1D7B, v28;
	v29 =	vsel vm4, $0x1D7C, v29;
	v30 =	vsel vm4, $0x1D7D, v30  }
0x4b: {  	v31 =	vsel vm4, $0x1D7E, v31;
	v32 =	vsel vm4, $0x1D7F, v32;
	v1 =	vsel vm3, $0x1180, v1  }
0x4c: {  	v2 =	vsel vm9, $0xEF0, v2;
	v18 =	vsel vm3, $0x1DF1, v18;
	v19 =	vsel vm3, $0x1DF2, v19  }
0x4d: {  	v20 =	vsel vm3, $0x1DF3, v20;
	v21 =	vsel vm3, $0x1DF4, v21;
	v22 =	vsel vm3, $0x1DF5, v22  }
0x4e: {  	v23 =	vsel vm3, $0x1DF6, v23;
	v24 =	vsel vm3, $0x1DF7, v24;
	v25 =	vsel vm3, $0x1DF8, v25  }
0x4f: {  	v26 =	vsel vm3, $0x1DF9, v26;
	v27 =	vsel vm3, $0x1DFA, v27;
	v28 =	vsel vm3, $0x1DFB, v28  }
0x50: {  	v29 =	vsel vm3, $0x1DFC, v29;
	v30 =	vsel vm3, $0x1DFD, v30;
	v31 =	vsel vm3, $0x1DFE, v31  }
0x51: {  	v32 =	vsel vm3, $0x1DFF, v32;
	v1 =	vsel vm2, $0x1200, v1;
	v3 =	vsel vm8, $0xF70, v2  }
0x52: {  	v2 =	vor.u32 $0x800, v0;
	v18 =	vsel vm2, $0x1E71, v18;
	v19 =	vsel vm2, $0x1E72, v19  }
0x53: {  	v20 =	vsel vm2, $0x1E73, v20;
	v21 =	vsel vm2, $0x1E74, v21;
	v22 =	vsel vm2, $0x1E75, v22  }
0x54: {  	v23 =	vsel vm2, $0x1E76, v23;
	v24 =	vsel vm2, $0x1E77, v24;
	v25 =	vsel vm2, $0x1E78, v25  }
0x55: {  	v26 =	vsel vm2, $0x1E79, v26;
	v27 =	vsel vm2, $0x1E7A, v27;
	v28 =	vsel vm2, $0x1E7B, v28  }
0x56: {  	v29 =	vsel vm2, $0x1E7C, v29;
	v30 =	vsel vm2, $0x1E7D, v30;
	v31 =	vsel vm2, $0x1E7E, v31  }
0x57: {  	v32 =	vsel vm2, $0x1E7F, v32;
	v1 =	vsel vm1, $0x1280, v1;
	v5 =	vsel vm7, $0xFF0, v3  }
0x58: {  	v3 =	vor.u32 $0x1000, v0;
	v18 =	vsel vm1, $0x1EF1, v18;
	v19 =	vsel vm1, $0x1EF2, v19  }
0x59: {  	s8 =	rddreg [dreg:$0x0];
	v20 =	vsel vm1, $0x1EF3, v20;
	v21 =	vsel vm1, $0x1EF4, v21;
	v22 =	vsel vm1, $0x1EF5, v22  }
0x5a: {  	s0 =	rddreg [dreg:$0x1];
	v23 =	vsel vm1, $0x1EF6, v23;
	v24 =	vsel vm1, $0x1EF7, v24;
	v25 =	vsel vm1, $0x1EF8, v25  }
0x5b: {  	s1 =	rddreg [dreg:$0x2];
	s2 =	srdreg.scid;
	s5 =	simm.s32 $0x0;
	v26 =	vsel vm1, $0x1EF9, v26;
	v27 =	vsel vm1, $0x1EFA, v27;
	v28 =	vsel vm1, $0x1EFB, v28  }
0x5c: {  	s4 =	stileid.u32;
	s31 =	simm.s32 $0xA00;
	s16 =	simm.s32 $0x1200;
	v29 =	vsel vm1, $0x1EFC, v29;
	v30 =	vsel vm1, $0x1EFD, v30;
	v31 =	vsel vm1, $0x1EFE, v31  }
0x5d: {  	s30 =	simm.s32 $0x1A00;
	s21 =	simm.s32 $0x3A00;
	s19 =	simm.s32 $0x4200;
	v32 =	vsel vm1, $0x1EFF, v32;
	v1 =	vsel vm0, $0x1300, v1;
	v7 =	vsel vm6, $0x1C70, v5  }
0x5e: {  	s6 =	simm.s32 $0x4A00;
	s14 =	simm.s32 $0x5200;
	s11 =	simm.s32 $0x5A00;
	v5 =	vor.u32 $0x2000, v0;
	v18 =	vsel vm0, $0x1F71, v18;
	v19 =	vsel vm0, $0x1F72, v19  }
0x5f: {  	s12 =	simm.s32 $0x6200;
	s13 =	simm.s32 $0x6A00;
	s15 =	simm.s32 $0x7200;
	v20 =	vsel vm0, $0x1F73, v20;
	v21 =	vsel vm0, $0x1F74, v21;
	v22 =	vsel vm0, $0x1F75, v22  }
0x60: {  	s2 =	sand.u32 $0x1, s2;
	s4 =	sshll.u32 s4, $0xA;
	[smem:$0x7FF] =	sst s5;
	v23 =	vsel vm0, $0x1F76, v23;
	v24 =	vsel vm0, $0x1F77, v24;
	v25 =	vsel vm0, $0x1F78, v25  }
0x61: {  	s5 =	simm.s32 $0x3200;
	s3 =	ssub.s32 $0x2, s2;
	s2 =	sshll.u32 s2, $0x9;
	v26 =	vsel vm0, $0x1F79, v26;
	v27 =	vsel vm0, $0x1F7A, v27;
	v9 =	vsel vm5, $0x1CF0, v7  }
0x62: {  	_ =	strace $0x80000047;
	s26 =	sshrl.u32 s3, $0x1;
	s2 =	sor.u32 s2, s4;
	v28 =	vsel vm0, $0x1F7B, v28;
	v29 =	vsel vm0, $0x1F7C, v29;
	v11 =	vsel vm4, $0x1D70, v9  }
0x63: {  	s3 =	ssub.s32 s3, s26;
	s4 =	sshrl.u32 s2, $0x3;
	s28 =	sadd.s32 s1, s2;
	v30 =	vsel vm0, $0x1F7D, v30;
	v31 =	vsel vm0, $0x1F7E, v31;
	v13 =	vsel vm3, $0x1DF0, v11  }
0x64: {  	s2 =	simm.s32 $0x11;
	s0 =	sadd.s32 s0, s4;
	[dreg:$0xa] =	wrdreg s28;
	v32 =	vsel vm0, $0x1F7F, v32;
	v7 =	vor.u32 $0x3000, v0;
	v15 =	vsel vm2, $0x1E70, v13  }
0x65: {  	s1 =	simm.s32 $0x0;
	s29 =	smax.u32 s3, $0x1;
	[dreg:$0x9] =	wrdreg s0;
	v9 =	vor.u32 $0x4000, v0;
	v11 =	vor.u32 $0x5000, v0;
	v17 =	vsel vm1, $0x1EF0, v15  }
0x66: {  	s3 =	simm.s32 $0x2200;
	s4 =	simm.s32 $0x2A00;
	[dreg:$0xb] =	wrdreg s29;
	v13 =	vor.u32 $0x6000, v0;
	v15 =	vor.u32 $0x7000, v0;
	v17 =	vsel vm0, $0x1F70, v17  }
.LBB2_1:
0x67: {  	[dreg:$0xc] =	wrdreg s1  }
0x68: {  	s0 =	simm.s32 $0x0;
	s29 =	rddreg [dreg:$0x9]  }
0x69: {  	[tilespmem:s0], [sflag:$0x11] =	stream.linear.gather [hbm4b:s29+s0], $0x200, $0x38;
	[tilespmem:$0xA200] =	vst v63  }
0x6a: {  	_ =	swait.ge [sflag:s2], $0x200  }
0x6b: {  	[sflag:s2] =	ssyncset.done $0x0  }
0x6c: {  	[sflag:s2] =	ssyncadd.s32 $0xFFFFFE00  }
0x6d: {  	v33 =	vld [tilespmem:$0x0];
	_ =	sdelay $0x4  }
0x6e: {  	(v2sf) =	vpush v33, $0x0;
	_ =	sdelay $0x1  }
0x6f: {  	(v2sf) =	vpush v33, $0x1;
	_ =	sdelay $0x2  }
0x70: {  	(v2sf) =	vpush v33, $0x2;
	_ =	sdelay $0x2  }
0x71: {  	(v2sf) =	vpush v33, $0x3;
	_ =	sdelay $0x2  }
0x72: {  	(v2sf) =	vpush v33, $0x4;
	_ =	sdelay $0x2  }
0x73: {  	(v2sf) =	vpush v33, $0x5  }
0x74: {  	s9 =	simm.s32 $0x400;
	s1 =	spop (v2sf)  }
0x75: {  	s10 =	simm.s32 $0x7A1400;
	s0 =	sand.u32 $0xFFFFF80, s1  }
0x76: {  	s22 =	simm.s32 $0x200;
	(v2sf) =	vpush v33, $0x6;
	s2 =	spop (v2sf);
	s0 =	sadd.s32 s8, s0  }
0x77: {  	[tilespmem:s22], [sflag:$0x1] =	stream.strided.gather [hbm4b:s0+s9], $0x800, s10, s9, $0x38;
	[tilespmem:$0xA200] =	vst v63  }
0x78: {  	s0 =	sand.u32 $0xFFFFF80, s2  }
0x79: {  	(v2sf) =	vpush v33, $0x7;
	s7 =	spop (v2sf);
	s0 =	sadd.s32 s8, s0  }
0x7a: {  	[tilespmem:s31], [sflag:$0x2] =	stream.strided.gather [hbm4b:s0+s9], $0x800, s10, s9, $0x38;
	[tilespmem:$0xA200] =	vst v63  }
0x7b: {  	s0 =	sand.u32 $0xFFFFF80, s7  }
0x7c: {  	(v2sf) =	vpush v33, $0x8;
	s17 =	spop (v2sf);
	s0 =	sadd.s32 s8, s0  }
0x7d: {  	[tilespmem:s16], [sflag:$0x3] =	stream.strided.gather [hbm4b:s0+s9], $0x800, s10, s9, $0x38;
	[tilespmem:$0xA200] =	vst v63  }
0x7e: {  	s0 =	sand.u32 $0xFFFFF80, s17  }
0x7f: {  	(v2sf) =	vpush v33, $0x9;
	s18 =	spop (v2sf);
	s0 =	sadd.s32 s8, s0  }
0x80: {  	[tilespmem:s30], [sflag:$0x4] =	stream.strided.gather [hbm4b:s0+s9], $0x800, s10, s9, $0x38;
	[tilespmem:$0xA200] =	vst v63  }
0x81: {  	s0 =	sand.u32 $0xFFFFF80, s18  }
0x82: {  	(v2sf) =	vpush v33, $0xA;
	s20 =	spop (v2sf);
	s0 =	sadd.s32 s8, s0  }
0x83: {  	[tilespmem:s3], [sflag:$0x5] =	stream.strided.gather [hbm4b:s0+s9], $0x800, s10, s9, $0x38;
	[tilespmem:$0xA200] =	vst v63  }
0x84: {  	s0 =	sand.u32 $0xFFFFF80, s20  }
0x85: {  	(v2sf) =	vpush v33, $0xB;
	s23 =	spop (v2sf);
	s0 =	sadd.s32 s8, s0  }
0x86: {  	[tilespmem:s4], [sflag:$0x6] =	stream.strided.gather [hbm4b:s0+s9], $0x800, s10, s9, $0x38;
	[tilespmem:$0xA200] =	vst v63  }
0x87: {  	s0 =	sand.u32 $0xFFFFF80, s23  }
0x88: {  	(v2sf) =	vpush v33, $0xC;
	s24 =	spop (v2sf);
	s0 =	sadd.s32 s8, s0  }
0x89: {  	[tilespmem:s5], [sflag:$0x7] =	stream.strided.gather [hbm4b:s0+s9], $0x800, s10, s9, $0x38;
	[tilespmem:$0xA200] =	vst v63  }
0x8a: {  	s0 =	sand.u32 $0xFFFFF80, s24  }
0x8b: {  	(v2sf) =	vpush v33, $0xD;
	s25 =	spop (v2sf);
	s0 =	sadd.s32 s8, s0  }
0x8c: {  	[tilespmem:s21], [sflag:$0x8] =	stream.strided.gather [hbm4b:s0+s9], $0x800, s10, s9, $0x38;
	[tilespmem:$0xA200] =	vst v63  }
0x8d: {  	s0 =	sand.u32 $0xFFFFF80, s25  }
0x8e: {  	(v2sf) =	vpush v33, $0xE;
	s26 =	spop (v2sf);
	s0 =	sadd.s32 s8, s0  }
0x8f: {  	[tilespmem:s19], [sflag:$0x9] =	stream.strided.gather [hbm4b:s0+s9], $0x800, s10, s9, $0x38;
	[tilespmem:$0xA200] =	vst v63  }
0x90: {  	s0 =	sand.u32 $0xFFFFF80, s26  }
0x91: {  	(v2sf) =	vpush v33, $0xF;
	s28 =	spop (v2sf);
	s0 =	sadd.s32 s8, s0  }
0x92: {  	[tilespmem:s6], [sflag:$0xA] =	stream.strided.gather [hbm4b:s0+s9], $0x800, s10, s9, $0x38;
	[tilespmem:$0xA200] =	vst v63  }
0x93: {  	s0 =	sand.u32 $0xFFFFF80, s28  }
0x94: {  	s29 =	spop (v2sf);
	s0 =	sadd.s32 s8, s0  }
0x95: {  	[tilespmem:s14], [sflag:$0xB] =	stream.strided.gather [hbm4b:s0+s9], $0x800, s10, s9, $0x38;
	[tilespmem:$0xA200] =	vst v63  }
0x96: {  	s0 =	sand.u32 $0xFFFFF80, s29  }
0x97: {  	s1 =	spop (v2sf);
	s0 =	sadd.s32 s8, s0  }
0x98: {  	[tilespmem:s11], [sflag:$0xC] =	stream.strided.gather [hbm4b:s0+s9], $0x800, s10, s9, $0x38;
	[tilespmem:$0xA200] =	vst v63  }
0x99: {  	s0 =	sand.u32 $0xFFFFF80, s1  }
0x9a: {  	s2 =	spop (v2sf);
	s0 =	sadd.s32 s8, s0  }
0x9b: {  	[tilespmem:s12], [sflag:$0xD] =	stream.strided.gather [hbm4b:s0+s9], $0x800, s10, s9, $0x38;
	[tilespmem:$0xA200] =	vst v63  }
0x9c: {  	s0 =	sand.u32 $0xFFFFF80, s2  }
0x9d: {  	s3 =	spop (v2sf);
	s0 =	sadd.s32 s8, s0  }
0x9e: {  	[tilespmem:s13], [sflag:$0xE] =	stream.strided.gather [hbm4b:s0+s9], $0x800, s10, s9, $0x38;
	[tilespmem:$0xA200] =	vst v63  }
0x9f: {  	s0 =	sand.u32 $0xFFFFF80, s3  }
0xa0: {  	s4 =	spop (v2sf);
	s0 =	sadd.s32 s8, s0  }
0xa1: {  	[tilespmem:s15], [sflag:$0xF] =	stream.strided.gather [hbm4b:s0+s9], $0x800, s10, s9, $0x38;
	[tilespmem:$0xA200] =	vst v63  }
0xa2: {  	s0 =	sand.u32 $0xFFFFF80, s4  }
0xa3: {  	s5 =	simm.s32 $0x7A00;
	s6 =	simm.s32 $0x10;
	s0 =	sadd.s32 s8, s0  }
0xa4: {  	[tilespmem:s5], [sflag:$0x10] =	stream.strided.gather [hbm4b:s0+s9], $0x800, s10, s9, $0x38;
	[tilespmem:$0xA200] =	vst v63  }
0xa5: {  	v46 =	vld [tilespmem:s6+$0xFFFFFFF0]  }
0xa6: {  	v34 =	vld [tilespmem:s6+$0x0];
	_ =	sdelay $0x3  }
0xa7: {  	(v2sf) =	vpush v46, $0x0  }
0xa8: {  	(v2sf) =	vpush v34, $0x0  }
0xa9: {  	(v2sf) =	vpush v46, $0x1  }
0xaa: {  	(v2sf) =	vpush v34, $0x1;
	_ =	sdelay $0x1  }
0xab: {  	(v2sf) =	vpush v46, $0x2  }
0xac: {  	(v2sf) =	vpush v34, $0x2  }
0xad: {  	(v2sf) =	vpush v46, $0x3  }
0xae: {  	(v2sf) =	vpush v34, $0x3  }
0xaf: {  	(v2sf) =	vpush v46, $0x4  }
0xb0: {  	(v2sf) =	vpush v34, $0x4  }
0xb1: {  	(v2sf) =	vpush v46, $0x5  }
0xb2: {  	(v2sf) =	vpush v34, $0x5  }
0xb3: {  	(v2sf) =	vpush v46, $0x6;
	_ =	sdelay $0x1  }
0xb4: {  	s7 =	spop (v2sf);
	(v2sf) =	vpush v34, $0x6  }
0xb5: {  	s11 =	spop (v2sf);
	(v2sf) =	vpush v46, $0x7  }
0xb6: {  	s0 =	sand.u32 $0x7F, s7;
	s12 =	spop (v2sf);
	(v2sf) =	vpush v34, $0x7  }
0xb7: {  	s18 =	simm.s32 $0x1;
	s13 =	simm.s32 $0x0;
	v35 =	vor.u32 s0, v0;
	s14 =	spop (v2sf);
	(v2sf) =	vpush v46, $0x8  }
0xb8: {  	v36 =	vmov s13;
	_ =	swait.ge [sflag:s18], $0x800  }
0xb9: {  	v37 =	vshll.u32 v36, $0x3;
	s7 =	spop (v2sf);
	(v2sf) =	vpush v34, $0x8  }
0xba: {  	v36 =	vand.u32 $0x70, v36;
	v37 =	vand.u32 $0xC00, v37;
	[sflag:s18] =	ssyncset.done $0x0;
	s1 =	spop (v2sf);
	(v2sf) =	vpush v46, $0x9  }
0xbb: {  	v36 =	vor.u32 v37, v36;
	[sflag:s18] =	ssyncadd.s32 $0xFFFFF800;
	s2 =	spop (v2sf);
	(v2sf) =	vpush v34, $0x9  }
0xbc: {  	v36 =	vor.u32 v1, v36;
	v35 =	vld.idx.msk [tilespmem:v35+s22+$0x0], $0xffff;
	s29 =	spop (v2sf);
	(v2sf) =	vpush v46, $0xA  }
0xbd: {  	s3 =	spop (v2sf)  }
0xbe: {  	(v2sf) =	vpush v34, $0xA;
	s25 =	spop (v2sf)  }
0xbf: {  	s23 =	simm.s32 $0x1;
	s28 =	simm.s32 $0x8200;
	(v2sf) =	vpush v46, $0xB;
	s26 =	spop (v2sf)  }
0xc0: {  	s19 =	sand.u32 $0xFFFFF80, s11;
	s20 =	sand.u32 $0x7F, s12;
	(v2sf) =	vpush v34, $0xB;
	s21 =	spop (v2sf)  }
0xc1: {  	s4 =	simm.s32 $0x2;
	s0 =	sadd.s32 s8, s19;
	v47 =	vor.u32 s20, v2;
	[tilespmem:v36+s28+$0x0] =	vst.idx.msk $0xffff, v35;
	(v2sf) =	vpush v46, $0xC;
	s24 =	spop (v2sf)  }
0xc2: {  	v48 =	vmov s23;
	[tilespmem:s22], [sflag:$0x1] =	stream.strided.gather [hbm4b:s0+s9], $0x800, s10, s9, $0x38;
	(v2sf) =	vpush v34, $0xC;
	[tilespmem:$0xA200] =	vst v63  }
0xc3: {  	v49 =	vshll.u32 v48, $0x3;
	_ =	swait.ge [sflag:s4], $0x800  }
0xc4: {  	v37 =	vand.u32 $0xC00, v49;
	v36 =	vand.u32 $0x71, v48;
	s20 =	spop (v2sf);
	[sflag:s4] =	ssyncset.done $0x0  }
0xc5: {  	v36 =	vor.u32 v37, v36;
	(v2sf) =	vpush v46, $0xD;
	s23 =	spop (v2sf);
	[sflag:s4] =	ssyncadd.s32 $0xFFFFF800  }
0xc6: {  	v36 =	vor.u32 v1, v36;
	(v2sf) =	vpush v34, $0xD;
	s18 =	spop (v2sf);
	v35 =	vld.idx.msk [tilespmem:v47+s22+$0x0], $0xffff  }
0xc7: {  	(v2sf) =	vpush v46, $0xE;
	s19 =	spop (v2sf)  }
0xc8: {  	s0 =	spop (v2sf)  }
0xc9: {  	(v2sf) =	vpush v34, $0xE;
	s17 =	spop (v2sf)  }
0xca: {  	s11 =	simm.s32 $0x2;
	s5 =	sand.u32 $0xFFFFF80, s14;
	(v2sf) =	vpush v46, $0xF;
	s15 =	spop (v2sf)  }
0xcb: {  	s6 =	sand.u32 $0x7F, s7;
	s4 =	sadd.s32 s8, s5;
	[tilespmem:v36+s28+$0x0] =	vst.idx.msk $0xffff, v35;
	s7 =	spop (v2sf)  }
0xcc: {  	v50 =	vor.u32 s6, v3;
	[tilespmem:s31], [sflag:$0x2] =	stream.strided.gather [hbm4b:s4+s9], $0x800, s10, s9, $0x38;
	[tilespmem:$0xA200] =	vst v63  }
0xcd: {  	s13 =	simm.s32 $0x3;
	v51 =	vmov s11;
	(v2sf) =	vpush v34, $0xF;
	s12 =	spop (v2sf)  }
0xce: {  	v52 =	vshll.u32 v51, $0x3;
	_ =	swait.ge [sflag:s13], $0x800  }
0xcf: {  	v34 =	vand.u32 $0x72, v51;
	v35 =	vand.u32 $0xC00, v52;
	[sflag:s13] =	ssyncset.done $0x0  }
0xd0: {  	v34 =	vor.u32 v35, v34;
	s14 =	spop (v2sf);
	[sflag:s13] =	ssyncadd.s32 $0xFFFFF800  }
0xd1: {  	v34 =	vor.u32 v1, v34;
	s11 =	spop (v2sf);
	v33 =	vld.idx.msk [tilespmem:v50+s22+$0x0], $0xffff  }
0xd2: {  	s13 =	spop (v2sf)  }
0xd3: {  	s6 =	spop (v2sf)  }
0xd4: {  	s4 =	spop (v2sf)  }
0xd5: {  	s1 =	sand.u32 $0xFFFFF80, s1;
	s2 =	sand.u32 $0x7F, s2;
	s5 =	spop (v2sf)  }
0xd6: {  	s1 =	sadd.s32 s8, s1;
	[dreg:$0xd] =	wrdreg s5;
	s5 =	spop (v2sf);
	[tilespmem:v34+s28+$0x0] =	vst.idx.msk $0xffff, v33  }
0xd7: {  	[tilespmem:s16], [sflag:$0x3] =	stream.strided.gather [hbm4b:s1+s9], $0x800, s10, s9, $0x38;
	[tilespmem:$0xA200] =	vst v63  }
0xd8: {  	v53 =	vor.u32 s2, v4;
	s1 =	spop (v2sf);
	s16 =	simm.s32 $0x3  }
0xd9: {  	v54 =	vmov s16;
	s2 =	spop (v2sf);
	s16 =	simm.s32 $0x4  }
0xda: {  	_ =	swait.ge [sflag:s16], $0x800;
	v55 =	vshll.u32 v54, $0x3  }
0xdb: {  	v34 =	vand.u32 $0x73, v54;
	[sflag:s16] =	ssyncset.done $0x0;
	v35 =	vand.u32 $0xC00, v55  }
0xdc: {  	[sflag:s16] =	ssyncadd.s32 $0xFFFFF800;
	v34 =	vor.u32 v35, v34  }
0xdd: {  	v33 =	vld.idx.msk [tilespmem:v53+s22+$0x0], $0xffff;
	v34 =	vor.u32 v1, v34;
	_ =	sdelay $0x3  }
0xde: {  	s29 =	sand.u32 $0xFFFFF80, s29  }
0xdf: {  	s29 =	sadd.s32 s8, s29;
	s3 =	sand.u32 $0x7F, s3;
	[tilespmem:v34+s28+$0x0] =	vst.idx.msk $0xffff, v33  }
0xe0: {  	[tilespmem:s30], [sflag:$0x4] =	stream.strided.gather [hbm4b:s29+s9], $0x800, s10, s9, $0x38;
	[tilespmem:$0xA200] =	vst v63  }
0xe1: {  	v56 =	vor.u32 s3, v5;
	s29 =	simm.s32 $0x4  }
0xe2: {  	s3 =	spop (v2sf);
	v57 =	vmov s29;
	s29 =	simm.s32 $0x5  }
0xe3: {  	_ =	swait.ge [sflag:s29], $0x800;
	v58 =	vshll.u32 v57, $0x3  }
0xe4: {  	v34 =	vand.u32 $0x74, v57;
	[sflag:s29] =	ssyncset.done $0x0;
	v35 =	vand.u32 $0xC00, v58  }
0xe5: {  	[sflag:s29] =	ssyncadd.s32 $0xFFFFF800;
	v34 =	vor.u32 v35, v34  }
0xe6: {  	v33 =	vld.idx.msk [tilespmem:v56+s22+$0x0], $0xffff;
	v34 =	vor.u32 v1, v34;
	_ =	sdelay $0x3  }
0xe7: {  	s25 =	sand.u32 $0xFFFFF80, s25;
	s26 =	sand.u32 $0x7F, s26  }
0xe8: {  	s25 =	sadd.s32 s8, s25;
	v59 =	vor.u32 s26, v6;
	s26 =	simm.s32 $0x5;
	s29 =	simm.s32 $0x2200;
	[tilespmem:v34+s28+$0x0] =	vst.idx.msk $0xffff, v33  }
0xe9: {  	[tilespmem:s29], [sflag:$0x5] =	stream.strided.gather [hbm4b:s25+s9], $0x800, s10, s9, $0x38;
	[tilespmem:$0xA200] =	vst v63  }
0xea: {  	v60 =	vmov s26;
	s29 =	simm.s32 $0x6  }
0xeb: {  	v61 =	vshll.u32 v60, $0x3;
	_ =	swait.ge [sflag:s29], $0x800  }
0xec: {  	v35 =	vand.u32 $0xC00, v61;
	v34 =	vand.u32 $0x75, v60;
	[sflag:s29] =	ssyncset.done $0x0  }
0xed: {  	v34 =	vor.u32 v35, v34;
	[sflag:s29] =	ssyncadd.s32 $0xFFFFF800  }
0xee: {  	v34 =	vor.u32 v1, v34;
	v33 =	vld.idx.msk [tilespmem:v59+s22+$0x0], $0xffff;
	_ =	sdelay $0x2  }
0xef: {  	s21 =	sand.u32 $0xFFFFF80, s21  }
0xf0: {  	s24 =	sand.u32 $0x7F, s24;
	s21 =	sadd.s32 s8, s21  }
0xf1: {  	s26 =	simm.s32 $0x6;
	v62 =	vor.u32 s24, v7;
	s25 =	simm.s32 $0x7;
	s29 =	simm.s32 $0x2A00;
	[tilespmem:v34+s28+$0x0] =	vst.idx.msk $0xffff, v33  }
0xf2: {  	v63 =	vmov s26;
	[tilespmem:s29], [sflag:$0x6] =	stream.strided.gather [hbm4b:s21+s9], $0x800, s10, s9, $0x38;
	[tilespmem:$0xA200] =	vst v63  }
0xf3: {  	v36 =	vshll.u32 v63, $0x3;
	_ =	swait.ge [sflag:s25], $0x800  }
0xf4: {  	v35 =	vand.u32 $0xC00, v36;
	v34 =	vand.u32 $0x76, v63;
	[sflag:s25] =	ssyncset.done $0x0  }
0xf5: {  	v34 =	vor.u32 v35, v34;
	[sflag:s25] =	ssyncadd.s32 $0xFFFFF800  }
0xf6: {  	v34 =	vor.u32 v1, v34;
	v33 =	vld.idx.msk [tilespmem:v62+s22+$0x0], $0xffff;
	_ =	sdelay $0x3  }
0xf7: {  	s24 =	simm.s32 $0x3200;
	s20 =	sand.u32 $0xFFFFF80, s20;
	s26 =	sand.u32 $0x7F, s23  }
0xf8: {  	s20 =	sadd.s32 s8, s20;
	v37 =	vor.u32 s26, v8;
	s26 =	simm.s32 $0x8;
	s29 =	simm.s32 $0x7;
	[tilespmem:v34+s28+$0x0] =	vst.idx.msk $0xffff, v33  }
0xf9: {  	v38 =	vmov s29;
	[tilespmem:s24], [sflag:$0x7] =	stream.strided.gather [hbm4b:s20+s9], $0x800, s10, s9, $0x38;
	[tilespmem:$0xA200] =	vst v63  }
0xfa: {  	v39 =	vshll.u32 v38, $0x3;
	_ =	swait.ge [sflag:s26], $0x800  }
0xfb: {  	v35 =	vand.u32 $0xC00, v39;
	v34 =	vand.u32 $0x77, v38;
	[sflag:s26] =	ssyncset.done $0x0  }
0xfc: {  	v34 =	vor.u32 v35, v34;
	[sflag:s26] =	ssyncadd.s32 $0xFFFFF800  }
0xfd: {  	v34 =	vor.u32 v1, v34;
	v33 =	vld.idx.msk [tilespmem:v37+s22+$0x0], $0xffff;
	_ =	sdelay $0x2  }
0xfe: {  	s18 =	sand.u32 $0xFFFFF80, s18  }
0xff: {  	s19 =	sand.u32 $0x7F, s19;
	s18 =	sadd.s32 s8, s18  }
0x100: {  	v40 =	vor.u32 s19, v9;
	s21 =	simm.s32 $0x9;
	s29 =	simm.s32 $0x8;
	s25 =	simm.s32 $0x3A00;
	[tilespmem:v34+s28+$0x0] =	vst.idx.msk $0xffff, v33  }
0x101: {  	v41 =	vmov s29;
	[tilespmem:s25], [sflag:$0x8] =	stream.strided.gather [hbm4b:s18+s9], $0x800, s10, s9, $0x38;
	[tilespmem:$0xA200] =	vst v63  }
0x102: {  	v42 =	vshll.u32 v41, $0x3;
	_ =	swait.ge [sflag:s21], $0x800  }
0x103: {  	v35 =	vand.u32 $0xC00, v42;
	v34 =	vand.u32 $0x78, v41;
	[sflag:s21] =	ssyncset.done $0x0  }
0x104: {  	v34 =	vor.u32 v35, v34;
	[sflag:s21] =	ssyncadd.s32 $0xFFFFF800  }
0x105: {  	v34 =	vor.u32 v1, v34;
	v33 =	vld.idx.msk [tilespmem:v40+s22+$0x0], $0xffff;
	_ =	sdelay $0x3  }
0x106: {  	s23 =	simm.s32 $0x9;
	s0 =	sand.u32 $0xFFFFF80, s0;
	s17 =	sand.u32 $0x7F, s17  }
0x107: {  	s0 =	sadd.s32 s8, s0;
	v43 =	vor.u32 s17, v10;
	s20 =	simm.s32 $0x4200;
	s24 =	simm.s32 $0xA;
	[tilespmem:v34+s28+$0x0] =	vst.idx.msk $0xffff, v33  }
0x108: {  	v44 =	vmov s23;
	[tilespmem:s20], [sflag:$0x9] =	stream.strided.gather [hbm4b:s0+s9], $0x800, s10, s9, $0x38;
	[tilespmem:$0xA200] =	vst v63  }
0x109: {  	v45 =	vshll.u32 v44, $0x3;
	_ =	swait.ge [sflag:s24], $0x800  }
0x10a: {  	v35 =	vand.u32 $0xC00, v45;
	v34 =	vand.u32 $0x79, v44;
	[sflag:s24] =	ssyncset.done $0x0  }
0x10b: {  	v34 =	vor.u32 v35, v34;
	[sflag:s24] =	ssyncadd.s32 $0xFFFFF800  }
0x10c: {  	v34 =	vor.u32 v1, v34;
	v33 =	vld.idx.msk [tilespmem:v43+s22+$0x0], $0xffff;
	_ =	sdelay $0x3  }
0x10d: {  	s16 =	simm.s32 $0x4A00;
	s26 =	sand.u32 $0x7F, s7;
	s25 =	sand.u32 $0xFFFFF80, s15  }
0x10e: {  	s29 =	simm.s32 $0xA;
	s7 =	simm.s32 $0xB;
	v46 =	vor.u32 s26, v11;
	s0 =	sadd.s32 s8, s25;
	[tilespmem:v34+s28+$0x0] =	vst.idx.msk $0xffff, v33  }
0x10f: {  	v47 =	vmov s29;
	[tilespmem:s16], [sflag:$0xA] =	stream.strided.gather [hbm4b:s0+s9], $0x800, s10, s9, $0x38;
	[tilespmem:$0xA200] =	vst v63  }
0x110: {  	v48 =	vshll.u32 v47, $0x3;
	_ =	swait.ge [sflag:s7], $0x800  }
0x111: {  	v35 =	vand.u32 $0xC00, v48;
	v34 =	vand.u32 $0x7A, v47;
	[sflag:s7] =	ssyncset.done $0x0  }
0x112: {  	v34 =	vor.u32 v35, v34;
	[sflag:s7] =	ssyncadd.s32 $0xFFFFF800  }
0x113: {  	v34 =	vor.u32 v1, v34;
	v33 =	vld.idx.msk [tilespmem:v46+s22+$0x0], $0xffff;
	_ =	sdelay $0x3  }
0x114: {  	s19 =	simm.s32 $0xB;
	s17 =	sand.u32 $0x7F, s14;
	s16 =	sand.u32 $0xFFFFF80, s12  }
0x115: {  	v49 =	vor.u32 s17, v12;
	s18 =	simm.s32 $0x5200;
	s21 =	simm.s32 $0xC;
	s0 =	sadd.s32 s8, s16;
	[tilespmem:v34+s28+$0x0] =	vst.idx.msk $0xffff, v33  }
0x116: {  	v50 =	vmov s19;
	[tilespmem:s18], [sflag:$0xB] =	stream.strided.gather [hbm4b:s0+s9], $0x800, s10, s9, $0x38;
	[tilespmem:$0xA200] =	vst v63  }
0x117: {  	v51 =	vshll.u32 v50, $0x3;
	_ =	swait.ge [sflag:s21], $0x800  }
0x118: {  	v35 =	vand.u32 $0xC00, v51;
	v34 =	vand.u32 $0x7B, v50;
	[sflag:s21] =	ssyncset.done $0x0  }
0x119: {  	v34 =	vor.u32 v35, v34;
	[sflag:s21] =	ssyncadd.s32 $0xFFFFF800  }
0x11a: {  	v34 =	vor.u32 v1, v34;
	v33 =	vld.idx.msk [tilespmem:v49+s22+$0x0], $0xffff;
	_ =	sdelay $0x3  }
0x11b: {  	s23 =	sand.u32 $0xFFFFF80, s11;
	s26 =	simm.s32 $0xC;
	s24 =	sand.u32 $0x7F, s13  }
0x11c: {  	s20 =	simm.s32 $0x5A00;
	v52 =	vor.u32 s24, v13;
	s7 =	simm.s32 $0xD;
	s0 =	sadd.s32 s8, s23;
	[tilespmem:v34+s28+$0x0] =	vst.idx.msk $0xffff, v33  }
0x11d: {  	v53 =	vmov s26;
	[tilespmem:s20], [sflag:$0xC] =	stream.strided.gather [hbm4b:s0+s9], $0x800, s10, s9, $0x38;
	[tilespmem:$0xA200] =	vst v63  }
0x11e: {  	v54 =	vshll.u32 v53, $0x3;
	_ =	swait.ge [sflag:s7], $0x800  }
0x11f: {  	v35 =	vand.u32 $0xC00, v54;
	v34 =	vand.u32 $0x7C, v53;
	[sflag:s7] =	ssyncset.done $0x0  }
0x120: {  	v34 =	vor.u32 v35, v34;
	[sflag:s7] =	ssyncadd.s32 $0xFFFFF800  }
0x121: {  	v34 =	vor.u32 v1, v34;
	v33 =	vld.idx.msk [tilespmem:v52+s22+$0x0], $0xffff;
	_ =	sdelay $0x3  }
0x122: {  	s17 =	simm.s32 $0xE;
	s11 =	sand.u32 $0xFFFFF80, s6;
	s14 =	sand.u32 $0x7F, s4  }
0x123: {  	v55 =	vor.u32 s14, v14;
	s29 =	simm.s32 $0x6200;
	s16 =	simm.s32 $0xD;
	s0 =	sadd.s32 s8, s11;
	[tilespmem:v34+s28+$0x0] =	vst.idx.msk $0xffff, v33  }
0x124: {  	v56 =	vmov s16;
	[tilespmem:s29], [sflag:$0xD] =	stream.strided.gather [hbm4b:s0+s9], $0x800, s10, s9, $0x38;
	[tilespmem:$0xA200] =	vst v63  }
0x125: {  	v57 =	vshll.u32 v56, $0x3;
	_ =	swait.ge [sflag:s17], $0x800  }
0x126: {  	v35 =	vand.u32 $0xC00, v57;
	v34 =	vand.u32 $0x7D, v56;
	[sflag:s17] =	ssyncset.done $0x0  }
0x127: {  	v34 =	vor.u32 v35, v34;
	[sflag:s17] =	ssyncadd.s32 $0xFFFFF800  }
0x128: {  	v34 =	vor.u32 v1, v34;
	v33 =	vld.idx.msk [tilespmem:v55+s22+$0x0], $0xffff;
	_ =	sdelay $0x2  }
0x129: {  	s18 =	rddreg [dreg:$0xd]  }
0x12a: {  	s19 =	sand.u32 $0x7F, s5;
	s25 =	simm.s32 $0x6A00;
	s0 =	sand.u32 $0xFFFFF80, s18  }
0x12b: {  	v58 =	vor.u32 s19, v15;
	s21 =	simm.s32 $0xF;
	s20 =	simm.s32 $0xE;
	s0 =	sadd.s32 s8, s0;
	[tilespmem:v34+s28+$0x0] =	vst.idx.msk $0xffff, v33  }
0x12c: {  	v59 =	vmov s20;
	[tilespmem:s25], [sflag:$0xE] =	stream.strided.gather [hbm4b:s0+s9], $0x800, s10, s9, $0x38;
	[tilespmem:$0xA200] =	vst v63  }
0x12d: {  	v60 =	vshll.u32 v59, $0x3;
	_ =	swait.ge [sflag:s21], $0x800  }
0x12e: {  	v35 =	vand.u32 $0xC00, v60;
	v34 =	vand.u32 $0x7E, v59;
	[sflag:s21] =	ssyncset.done $0x0  }
0x12f: {  	v34 =	vor.u32 v35, v34;
	[sflag:s21] =	ssyncadd.s32 $0xFFFFF800  }
0x130: {  	v34 =	vor.u32 v1, v34;
	v33 =	vld.idx.msk [tilespmem:v58+s22+$0x0], $0xffff;
	_ =	sdelay $0x3  }
0x131: {  	s24 =	sand.u32 $0x7F, s2;
	s23 =	sand.u32 $0xFFFFF80, s1  }
0x132: {  	s15 =	simm.s32 $0x7200;
	v61 =	vor.u32 s24, v16;
	s0 =	sadd.s32 s8, s23;
	s25 =	simm.s32 $0x10;
	[tilespmem:v34+s28+$0x0] =	vst.idx.msk $0xffff, v33  }
0x133: {  	v62 =	vmov s21;
	[tilespmem:s15], [sflag:$0xF] =	stream.strided.gather [hbm4b:s0+s9], $0x800, s10, s9, $0x38;
	[tilespmem:$0xA200] =	vst v63  }
0x134: {  	v63 =	vshll.u32 v62, $0x3;
	_ =	swait.ge [sflag:s25], $0x800  }
0x135: {  	s26 =	simm.s32 $0x10;
	v35 =	vand.u32 $0xC00, v63;
	v34 =	vand.u32 $0x7F, v62;
	[sflag:s25] =	ssyncset.done $0x0  }
0x136: {  	v34 =	vor.u32 v35, v34;
	[sflag:s26] =	ssyncadd.s32 $0xFFFFF800  }
0x137: {  	v34 =	vor.u32 v1, v34;
	v33 =	vld.idx.msk [tilespmem:v61+s22+$0x0], $0xffff;
	_ =	sdelay $0x3  }
0x138: {  	s29 =	sand.u32 $0xFFFFF80, s3  }
0x139: {  	s30 =	simm.s32 $0x1F;
	s17 =	simm.s32 $0x20;
	s0 =	sadd.s32 s8, s29;
	[tilespmem:v34+s28+$0x0] =	vst.idx.msk $0xffff, v33  }
.LBB2_2:
0x13a: {  	s28 =	simm.s32 $0x400;
	s10 =	simm.s32 $0x7A1400;
	s1 =	simm.s32 $0x7A00  }
0x13b: {  	[tilespmem:s1], [sflag:$0x10] =	stream.strided.gather [hbm4b:s0+s28], $0x800, s10, s28, $0x38;
	[tilespmem:$0xA200] =	vst v63  }
0x13c: {  	v34 =	vld [tilespmem:s17+$0xFFFFFFF0]  }
0x13d: {  	v33 =	vld [tilespmem:s17+$0x0];
	_ =	sdelay $0x3  }
0x13e: {  	(v2sf) =	vpush v34, $0x0  }
0x13f: {  	(v2sf) =	vpush v33, $0x0  }
0x140: {  	(v2sf) =	vpush v34, $0x1  }
0x141: {  	(v2sf) =	vpush v33, $0x1;
	_ =	sdelay $0x1  }
0x142: {  	(v2sf) =	vpush v34, $0x2  }
0x143: {  	(v2sf) =	vpush v33, $0x2  }
0x144: {  	(v2sf) =	vpush v34, $0x3  }
0x145: {  	(v2sf) =	vpush v33, $0x3  }
0x146: {  	(v2sf) =	vpush v34, $0x4  }
0x147: {  	(v2sf) =	vpush v33, $0x4  }
0x148: {  	(v2sf) =	vpush v34, $0x5  }
0x149: {  	(v2sf) =	vpush v33, $0x5  }
0x14a: {  	(v2sf) =	vpush v34, $0x6;
	_ =	sdelay $0x1  }
0x14b: {  	s14 =	spop (v2sf);
	(v2sf) =	vpush v33, $0x6  }
0x14c: {  	s15 =	spop (v2sf);
	(v2sf) =	vpush v34, $0x7  }
0x14d: {  	s18 =	smov.u32 s30;
	s16 =	spop (v2sf);
	(v2sf) =	vpush v33, $0x7  }
0x14e: {  	s4 =	simm.s32 $0x1;
	s0 =	sand.u32 $0x7F, s14;
	s19 =	spop (v2sf);
	(v2sf) =	vpush v34, $0x8  }
0x14f: {  	s2 =	sadd.s32 $0xFFFFFFF1, s18;
	v35 =	vor.u32 s0, v0;
	_ =	swait.ge [sflag:s4], $0x800  }
0x150: {  	v36 =	vmov s2;
	s20 =	spop (v2sf)  }
0x151: {  	v37 =	vshll.u32 v36, $0x3;
	(v2sf) =	vpush v33, $0x8;
	s21 =	spop (v2sf)  }
0x152: {  	v36 =	vand.u32 $0x70, v36;
	v37 =	vand.u32 $0xC00, v37;
	[sflag:s4] =	ssyncset.done $0x0;
	(v2sf) =	vpush v34, $0x9;
	s22 =	spop (v2sf)  }
0x153: {  	s7 =	simm.s32 $0x200;
	v36 =	vor.u32 v37, v36;
	[sflag:s4] =	ssyncadd.s32 $0xFFFFF800;
	(v2sf) =	vpush v33, $0x9;
	s25 =	spop (v2sf)  }
0x154: {  	v36 =	vor.u32 v1, v36;
	v35 =	vld.idx.msk [tilespmem:v35+s7+$0x0], $0xffff;
	(v2sf) =	vpush v34, $0xA;
	s26 =	spop (v2sf)  }
0x155: {  	(v2sf) =	vpush v33, $0xA;
	s29 =	spop (v2sf)  }
0x156: {  	s4 =	spop (v2sf)  }
0x157: {  	s1 =	sand.u32 $0xFFFFF80, s15;
	s5 =	spop (v2sf);
	(v2sf) =	vpush v34, $0xB  }
0x158: {  	s3 =	sand.u32 $0x7F, s16;
	s16 =	simm.s32 $0x8200;
	s6 =	spop (v2sf);
	(v2sf) =	vpush v33, $0xB  }
0x159: {  	s12 =	simm.s32 $0x2;
	s9 =	sadd.s32 $0xFFFFFFF2, s18;
	s1 =	sadd.s32 s8, s1;
	[tilespmem:v36+s16+$0x0] =	vst.idx.msk $0xffff, v35;
	(v2sf) =	vpush v34, $0xC  }
0x15a: {  	v47 =	vor.u32 s3, v2;
	[tilespmem:s7], [sflag:$0x1] =	stream.strided.gather [hbm4b:s1+s28], $0x800, s10, s28, $0x38;
	(v2sf) =	vpush v33, $0xC;
	[tilespmem:$0xA200] =	vst v63  }
0x15b: {  	v48 =	vmov s9;
	s23 =	sand.u32 $0xFFFFF80, s19;
	_ =	swait.ge [sflag:s12], $0x800  }
0x15c: {  	v49 =	vshll.u32 v48, $0x3;
	s24 =	sand.u32 $0x7F, s20;
	s20 =	sand.u32 $0x7F, s22;
	s22 =	spop (v2sf);
	(v2sf) =	vpush v34, $0xD  }
0x15d: {  	v37 =	vand.u32 $0xC00, v49;
	s0 =	sand.u32 $0xFFFFF80, s25;
	v36 =	vand.u32 $0x71, v48;
	[sflag:s12] =	ssyncset.done $0x0;
	s25 =	spop (v2sf);
	(v2sf) =	vpush v33, $0xD  }
0x15e: {  	s19 =	sand.u32 $0x7F, s26;
	v36 =	vor.u32 v37, v36;
	[sflag:s12] =	ssyncadd.s32 $0xFFFFF800;
	s26 =	spop (v2sf);
	(v2sf) =	vpush v34, $0xE  }
0x15f: {  	s14 =	sand.u32 $0xFFFFF80, s29;
	v36 =	vor.u32 v1, v36;
	v35 =	vld.idx.msk [tilespmem:v47+s7+$0x0], $0xffff;
	s29 =	spop (v2sf);
	(v2sf) =	vpush v33, $0xE  }
0x160: {  	s2 =	spop (v2sf)  }
0x161: {  	s15 =	sand.u32 $0x7F, s4;
	(v2sf) =	vpush v34, $0xF;
	s4 =	spop (v2sf)  }
0x162: {  	s23 =	sadd.s32 s8, s23;
	s13 =	sand.u32 $0x7F, s6;
	s9 =	spop (v2sf)  }
0x163: {  	s6 =	sand.u32 $0xFFFFF80, s22;
	s12 =	sand.u32 $0x7F, s25;
	s22 =	spop (v2sf)  }
0x164: {  	s1 =	sand.u32 $0xFFFFF80, s9;
	[tilespmem:v36+s16+$0x0] =	vst.idx.msk $0xffff, v35;
	s9 =	simm.s32 $0x3;
	s25 =	spop (v2sf)  }
0x165: {  	(v2sf) =	vpush v33, $0xF;
	[tilespmem:s31], [sflag:$0x2] =	stream.strided.gather [hbm4b:s23+s28], $0x800, s10, s28, $0x38;
	[tilespmem:$0xA200] =	vst v63  }
0x166: {  	s11 =	sand.u32 $0xFFFFF80, s5;
	s5 =	sand.u32 $0xFFFFF80, s26;
	_ =	swait.ge [sflag:s9], $0x800  }
0x167: {  	v50 =	vor.u32 s24, v3;
	s26 =	sadd.s32 $0xFFFFFFF3, s18;
	s24 =	sand.u32 $0xFFFFF80, s25;
	s25 =	spop (v2sf)  }
0x168: {  	s21 =	sand.u32 $0xFFFFF80, s21;
	v51 =	vmov s26;
	[sflag:s9] =	ssyncset.done $0x0;
	s26 =	spop (v2sf)  }
0x169: {  	s3 =	sand.u32 $0x7F, s29;
	v52 =	vshll.u32 v51, $0x3;
	[sflag:s9] =	ssyncadd.s32 $0xFFFFF800;
	s9 =	spop (v2sf)  }
0x16a: {  	s29 =	sand.u32 $0xFFFFF80, s2;
	v34 =	vand.u32 $0x72, v51;
	v35 =	vand.u32 $0xC00, v52;
	s2 =	sand.u32 $0x7F, s22;
	s22 =	spop (v2sf)  }
0x16b: {  	s21 =	sadd.s32 s8, s21;
	v34 =	vor.u32 v35, v34;
	s23 =	sand.u32 $0xFFFFF80, s22;
	s22 =	spop (v2sf)  }
0x16c: {  	v34 =	vor.u32 v1, v34;
	v33 =	vld.idx.msk [tilespmem:v50+s7+$0x0], $0xffff;
	[dreg:$0x7] =	wrdreg s23;
	s23 =	sand.u32 $0x7F, s22;
	s22 =	spop (v2sf)  }
0x16d: {  	s31 =	sand.u32 $0x7F, s25;
	s25 =	sand.u32 $0x7F, s9;
	s9 =	spop (v2sf)  }
0x16e: {  	[dreg:$0x8] =	wrdreg s23;
	s23 =	sand.u32 $0xFFFFF80, s22;
	s22 =	spop (v2sf)  }
0x16f: {  	[dreg:$0x6] =	wrdreg s23;
	s23 =	sand.u32 $0x7F, s9;
	s22 =	sand.u32 $0xFFFFF80, s22  }
0x170: {  	s9 =	smov.u32 s8;
	[dreg:$0x5] =	wrdreg s22;
	s22 =	spop (v2sf)  }
0x171: {  	v53 =	vor.u32 s20, v4;
	[tilespmem:v34+s16+$0x0] =	vst.idx.msk $0xffff, v33;
	s8 =	sadd.s32 $0xFFFFFFF4, s18;
	s20 =	sand.u32 $0x7F, s22;
	s22 =	simm.s32 $0x1200  }
0x172: {  	[tilespmem:s22], [sflag:$0x3] =	stream.strided.gather [hbm4b:s21+s28], $0x800, s10, s28, $0x38;
	[tilespmem:$0xA200] =	vst v63  }
0x173: {  	v54 =	vmov s8;
	s22 =	simm.s32 $0x4  }
0x174: {  	v55 =	vshll.u32 v54, $0x3;
	_ =	swait.ge [sflag:s22], $0x800  }
0x175: {  	v34 =	vand.u32 $0x73, v54;
	v35 =	vand.u32 $0xC00, v55;
	[sflag:s22] =	ssyncset.done $0x0  }
0x176: {  	v34 =	vor.u32 v35, v34;
	[sflag:s22] =	ssyncadd.s32 $0xFFFFF800  }
0x177: {  	v34 =	vor.u32 v1, v34;
	v33 =	vld.idx.msk [tilespmem:v53+s7+$0x0], $0xffff;
	_ =	sdelay $0x2  }
0x178: {  	s8 =	spop (v2sf)  }
0x179: {  	s0 =	sadd.s32 s9, s0;
	s8 =	sand.u32 $0xFFFFF80, s8  }
0x17a: {  	s22 =	simm.s32 $0x1A00;
	[dreg:$0x4] =	wrdreg s8;
	s8 =	sadd.s32 $0xFFFFFFF5, s18;
	[tilespmem:v34+s16+$0x0] =	vst.idx.msk $0xffff, v33  }
0x17b: {  	v56 =	vor.u32 s19, v5;
	[tilespmem:s22], [sflag:$0x4] =	stream.strided.gather [hbm4b:s0+s28], $0x800, s10, s28, $0x38;
	[tilespmem:$0xA200] =	vst v63  }
0x17c: {  	v57 =	vmov s8;
	s22 =	simm.s32 $0x5  }
0x17d: {  	v58 =	vshll.u32 v57, $0x3;
	_ =	swait.ge [sflag:s22], $0x800  }
0x17e: {  	v35 =	vand.u32 $0xC00, v58;
	v34 =	vand.u32 $0x74, v57;
	[sflag:s22] =	ssyncset.done $0x0  }
0x17f: {  	v34 =	vor.u32 v35, v34;
	[sflag:s22] =	ssyncadd.s32 $0xFFFFF800  }
0x180: {  	v34 =	vor.u32 v1, v34;
	v33 =	vld.idx.msk [tilespmem:v56+s7+$0x0], $0xffff;
	_ =	sdelay $0x3  }
0x181: {  	s8 =	sadd.s32 $0xFFFFFFF6, s18  }
0x182: {  	v59 =	vor.u32 s15, v6;
	v60 =	vmov s8;
	s8 =	simm.s32 $0x6;
	s0 =	sadd.s32 s9, s14;
	s22 =	simm.s32 $0x2200;
	[tilespmem:v34+s16+$0x0] =	vst.idx.msk $0xffff, v33  }
0x183: {  	[tilespmem:s22], [sflag:$0x5] =	stream.strided.gather [hbm4b:s0+s28], $0x800, s10, s28, $0x38;
	[tilespmem:$0xA200] =	vst v63  }
0x184: {  	v61 =	vshll.u32 v60, $0x3;
	_ =	swait.ge [sflag:s8], $0x800  }
0x185: {  	v35 =	vand.u32 $0xC00, v61;
	v34 =	vand.u32 $0x75, v60;
	[sflag:s8] =	ssyncset.done $0x0  }
0x186: {  	v34 =	vor.u32 v35, v34;
	[sflag:s8] =	ssyncadd.s32 $0xFFFFF800  }
0x187: {  	v34 =	vor.u32 v1, v34;
	v33 =	vld.idx.msk [tilespmem:v59+s7+$0x0], $0xffff;
	_ =	sdelay $0x4  }
0x188: {  	s11 =	sadd.s32 s9, s11;
	s22 =	simm.s32 $0x2A00;
	s8 =	sadd.s32 $0xFFFFFFF7, s18;
	[tilespmem:v34+s16+$0x0] =	vst.idx.msk $0xffff, v33  }
0x189: {  	v62 =	vor.u32 s13, v7;
	[tilespmem:s22], [sflag:$0x6] =	stream.strided.gather [hbm4b:s11+s28], $0x800, s10, s28, $0x38;
	[tilespmem:$0xA200] =	vst v63  }
0x18a: {  	v63 =	vmov s8;
	s22 =	simm.s32 $0x7  }
0x18b: {  	v36 =	vshll.u32 v63, $0x3;
	_ =	swait.ge [sflag:s22], $0x800  }
0x18c: {  	v35 =	vand.u32 $0xC00, v36;
	v34 =	vand.u32 $0x76, v63;
	[sflag:s22] =	ssyncset.done $0x0  }
0x18d: {  	v34 =	vor.u32 v35, v34;
	[sflag:s22] =	ssyncadd.s32 $0xFFFFF800  }
0x18e: {  	v34 =	vor.u32 v1, v34;
	v33 =	vld.idx.msk [tilespmem:v62+s7+$0x0], $0xffff;
	_ =	sdelay $0x3  }
0x18f: {  	s8 =	smov.u32 s9;
	s9 =	sadd.s32 s9, s6;
	s6 =	sadd.s32 $0xFFFFFFF8, s18  }
0x190: {  	v37 =	vor.u32 s12, v8;
	v38 =	vmov s6;
	s6 =	simm.s32 $0x8;
	s22 =	simm.s32 $0x3200;
	[tilespmem:v34+s16+$0x0] =	vst.idx.msk $0xffff, v33  }
0x191: {  	[tilespmem:s22], [sflag:$0x7] =	stream.strided.gather [hbm4b:s9+s28], $0x800, s10, s28, $0x38;
	[tilespmem:$0xA200] =	vst v63  }
0x192: {  	v39 =	vshll.u32 v38, $0x3;
	_ =	swait.ge [sflag:s6], $0x800  }
0x193: {  	v35 =	vand.u32 $0xC00, v39;
	v34 =	vand.u32 $0x77, v38;
	[sflag:s6] =	ssyncset.done $0x0  }
0x194: {  	v34 =	vor.u32 v35, v34;
	[sflag:s6] =	ssyncadd.s32 $0xFFFFF800  }
0x195: {  	v34 =	vor.u32 v1, v34;
	v33 =	vld.idx.msk [tilespmem:v37+s7+$0x0], $0xffff;
	_ =	sdelay $0x3  }
0x196: {  	s21 =	simm.s32 $0x3A00  }
0x197: {  	v40 =	vor.u32 s3, v9;
	s9 =	sadd.s32 s8, s5;
	s22 =	sadd.s32 $0xFFFFFFF9, s18;
	s6 =	simm.s32 $0x9;
	[tilespmem:v34+s16+$0x0] =	vst.idx.msk $0xffff, v33  }
0x198: {  	v41 =	vmov s22;
	[tilespmem:s21], [sflag:$0x8] =	stream.strided.gather [hbm4b:s9+s28], $0x800, s10, s28, $0x38;
	[tilespmem:$0xA200] =	vst v63  }
0x199: {  	v42 =	vshll.u32 v41, $0x3;
	_ =	swait.ge [sflag:s6], $0x800  }
0x19a: {  	v35 =	vand.u32 $0xC00, v42;
	v34 =	vand.u32 $0x78, v41;
	[sflag:s6] =	ssyncset.done $0x0  }
0x19b: {  	v34 =	vor.u32 v35, v34;
	[sflag:s6] =	ssyncadd.s32 $0xFFFFF800  }
0x19c: {  	v34 =	vor.u32 v1, v34;
	v33 =	vld.idx.msk [tilespmem:v40+s7+$0x0], $0xffff;
	_ =	sdelay $0x3  }
0x19d: {  	s19 =	simm.s32 $0x4200;
	s4 =	sand.u32 $0x7F, s4  }
0x19e: {  	v43 =	vor.u32 s4, v10;
	s22 =	sadd.s32 $0xFFFFFFFA, s18;
	s9 =	sadd.s32 s8, s29;
	s29 =	simm.s32 $0xA;
	[tilespmem:v34+s16+$0x0] =	vst.idx.msk $0xffff, v33  }
0x19f: {  	v44 =	vmov s22;
	[tilespmem:s19], [sflag:$0x9] =	stream.strided.gather [hbm4b:s9+s28], $0x800, s10, s28, $0x38;
	[tilespmem:$0xA200] =	vst v63  }
0x1a0: {  	v45 =	vshll.u32 v44, $0x3;
	_ =	swait.ge [sflag:s29], $0x800  }
0x1a1: {  	v35 =	vand.u32 $0xC00, v45;
	v34 =	vand.u32 $0x79, v44;
	[sflag:s29] =	ssyncset.done $0x0  }
0x1a2: {  	v34 =	vor.u32 v35, v34;
	[sflag:s29] =	ssyncadd.s32 $0xFFFFF800  }
0x1a3: {  	v34 =	vor.u32 v1, v34;
	v33 =	vld.idx.msk [tilespmem:v43+s7+$0x0], $0xffff;
	_ =	sdelay $0x3  }
0x1a4: {  	s4 =	sadd.s32 $0xFFFFFFFB, s18  }
0x1a5: {  	v46 =	vor.u32 s2, v11;
	s3 =	sadd.s32 s8, s1;
	s5 =	simm.s32 $0xB;
	s6 =	simm.s32 $0x4A00;
	[tilespmem:v34+s16+$0x0] =	vst.idx.msk $0xffff, v33  }
0x1a6: {  	v47 =	vmov s4;
	[tilespmem:s6], [sflag:$0xA] =	stream.strided.gather [hbm4b:s3+s28], $0x800, s10, s28, $0x38;
	[tilespmem:$0xA200] =	vst v63  }
0x1a7: {  	v48 =	vshll.u32 v47, $0x3;
	_ =	swait.ge [sflag:s5], $0x800  }
0x1a8: {  	v35 =	vand.u32 $0xC00, v48;
	v34 =	vand.u32 $0x7A, v47;
	[sflag:s5] =	ssyncset.done $0x0  }
0x1a9: {  	v34 =	vor.u32 v35, v34;
	[sflag:s5] =	ssyncadd.s32 $0xFFFFF800  }
0x1aa: {  	v34 =	vor.u32 v1, v34;
	v33 =	vld.idx.msk [tilespmem:v46+s7+$0x0], $0xffff;
	_ =	sdelay $0x3  }
0x1ab: {  	s14 =	simm.s32 $0x5200  }
0x1ac: {  	v49 =	vor.u32 s31, v12;
	s22 =	sadd.s32 $0xFFFFFFFC, s18;
	s9 =	sadd.s32 s8, s24;
	s24 =	simm.s32 $0xC;
	[tilespmem:v34+s16+$0x0] =	vst.idx.msk $0xffff, v33  }
0x1ad: {  	v50 =	vmov s22;
	[tilespmem:s14], [sflag:$0xB] =	stream.strided.gather [hbm4b:s9+s28], $0x800, s10, s28, $0x38;
	[tilespmem:$0xA200] =	vst v63  }
0x1ae: {  	v51 =	vshll.u32 v50, $0x3;
	_ =	swait.ge [sflag:s24], $0x800  }
0x1af: {  	v35 =	vand.u32 $0xC00, v51;
	v34 =	vand.u32 $0x7B, v50;
	[sflag:s24] =	ssyncset.done $0x0  }
0x1b0: {  	v34 =	vor.u32 v35, v34;
	[sflag:s24] =	ssyncadd.s32 $0xFFFFF800  }
0x1b1: {  	v34 =	vor.u32 v1, v34;
	v33 =	vld.idx.msk [tilespmem:v49+s7+$0x0], $0xffff;
	_ =	sdelay $0x3  }
0x1b2: {  	s2 =	simm.s32 $0xD;
	s26 =	sand.u32 $0xFFFFF80, s26  }
0x1b3: {  	v52 =	vor.u32 s25, v13;
	s26 =	sadd.s32 s8, s26;
	s11 =	simm.s32 $0x5A00;
	s29 =	sadd.s32 $0xFFFFFFFD, s18;
	[tilespmem:v34+s16+$0x0] =	vst.idx.msk $0xffff, v33  }
0x1b4: {  	v53 =	vmov s29;
	[tilespmem:s11], [sflag:$0xC] =	stream.strided.gather [hbm4b:s26+s28], $0x800, s10, s28, $0x38;
	[tilespmem:$0xA200] =	vst v63  }
0x1b5: {  	v54 =	vshll.u32 v53, $0x3;
	_ =	swait.ge [sflag:s2], $0x800  }
0x1b6: {  	v35 =	vand.u32 $0xC00, v54;
	v34 =	vand.u32 $0x7C, v53;
	[sflag:s2] =	ssyncset.done $0x0  }
0x1b7: {  	v34 =	vor.u32 v35, v34;
	[sflag:s2] =	ssyncadd.s32 $0xFFFFF800  }
0x1b8: {  	v34 =	vor.u32 v1, v34;
	v33 =	vld.idx.msk [tilespmem:v52+s7+$0x0], $0xffff;
	_ =	sdelay $0x2  }
0x1b9: {  	s3 =	rddreg [dreg:$0x7]  }
0x1ba: {  	s12 =	simm.s32 $0x6200;
	s5 =	rddreg [dreg:$0x8]  }
0x1bb: {  	s4 =	sadd.s32 $0xFFFFFFFE, s18;
	s9 =	simm.s32 $0xE;
	s0 =	sadd.s32 s8, s3;
	v55 =	vor.u32 s5, v14;
	[tilespmem:v34+s16+$0x0] =	vst.idx.msk $0xffff, v33  }
0x1bc: {  	v56 =	vmov s4;
	[tilespmem:s12], [sflag:$0xD] =	stream.strided.gather [hbm4b:s0+s28], $0x800, s10, s28, $0x38;
	[tilespmem:$0xA200] =	vst v63  }
0x1bd: {  	v57 =	vshll.u32 v56, $0x3;
	_ =	swait.ge [sflag:s9], $0x800  }
0x1be: {  	v35 =	vand.u32 $0xC00, v57;
	v34 =	vand.u32 $0x7D, v56;
	[sflag:s9] =	ssyncset.done $0x0  }
0x1bf: {  	v34 =	vor.u32 v35, v34;
	[sflag:s9] =	ssyncadd.s32 $0xFFFFF800  }
0x1c0: {  	v34 =	vor.u32 v1, v34;
	v33 =	vld.idx.msk [tilespmem:v55+s7+$0x0], $0xffff;
	_ =	sdelay $0x3  }
0x1c1: {  	s13 =	simm.s32 $0x6A00;
	s22 =	rddreg [dreg:$0x6]  }
0x1c2: {  	s25 =	simm.s32 $0xF;
	v58 =	vor.u32 s23, v15;
	s24 =	sadd.s32 $0xFFFFFFFF, s18;
	s0 =	sadd.s32 s8, s22;
	[tilespmem:v34+s16+$0x0] =	vst.idx.msk $0xffff, v33  }
0x1c3: {  	v59 =	vmov s24;
	[tilespmem:s13], [sflag:$0xE] =	stream.strided.gather [hbm4b:s0+s28], $0x800, s10, s28, $0x38;
	[tilespmem:$0xA200] =	vst v63  }
0x1c4: {  	v60 =	vshll.u32 v59, $0x3;
	_ =	swait.ge [sflag:s25], $0x800  }
0x1c5: {  	v35 =	vand.u32 $0xC00, v60;
	v34 =	vand.u32 $0x7E, v59;
	[sflag:s25] =	ssyncset.done $0x0  }
0x1c6: {  	v34 =	vor.u32 v35, v34;
	[sflag:s25] =	ssyncadd.s32 $0xFFFFF800  }
0x1c7: {  	v34 =	vor.u32 v1, v34;
	v33 =	vld.idx.msk [tilespmem:v58+s7+$0x0], $0xffff;
	_ =	sdelay $0x3  }
0x1c8: {  	s26 =	rddreg [dreg:$0x5]  }
0x1c9: {  	s15 =	simm.s32 $0x7200;
	s0 =	sadd.s32 s8, s26;
	[tilespmem:v34+s16+$0x0] =	vst.idx.msk $0xffff, v33  }
0x1ca: {  	v61 =	vor.u32 s20, v16;
	[tilespmem:s15], [sflag:$0xF] =	stream.strided.gather [hbm4b:s0+s28], $0x800, s10, s28, $0x38;
	[tilespmem:$0xA200] =	vst v63  }
0x1cb: {  	v62 =	vmov s18;
	s28 =	simm.s32 $0x10  }
0x1cc: {  	v63 =	vshll.u32 v62, $0x3;
	_ =	swait.ge [sflag:s28], $0x800  }
0x1cd: {  	v35 =	vand.u32 $0xC00, v63;
	v34 =	vand.u32 $0x7F, v62;
	[sflag:s28] =	ssyncset.done $0x0  }
0x1ce: {  	v34 =	vor.u32 v35, v34;
	[sflag:s28] =	ssyncadd.s32 $0xFFFFF800  }
0x1cf: {  	p0 =	sne.s32 s30, $0x1EF;
	v34 =	vor.u32 v1, v34;
	v33 =	vld.idx.msk [tilespmem:v61+s7+$0x0], $0xffff  }
.Ltmp0:
0x1d0: {  	_ = 	snop;
	(pc) =	sbr.rel @p0 .LBB2_2-.Ltmp0, $4  }
0x1d1: {  	_ = 	snop  }
0x1d2: {  	s30 =	sadd.s32 $0x10, s30  }
0x1d3: {  	s17 =	sadd.s32 $0x10, s17;
	s31 =	simm.s32 $0xA00;
	s29 =	rddreg [dreg:$0x4]  }
0x1d4: {  	s1 =	simm.s32 $0x400;
	s2 =	simm.s32 $0x7A1400;
	s0 =	sadd.s32 s8, s29;
	[tilespmem:v34+s16+$0x0] =	vst.idx.msk $0xffff, v33  }
0x1d5: {  	s3 =	simm.s32 $0x7A00  }
0x1d6: {  	[tilespmem:s3], [sflag:$0x10] =	stream.strided.gather [hbm4b:s0+s1], $0x800, s2, s1, $0x38;
	[tilespmem:$0xA200] =	vst v63  }
0x1d7: {  	v33 =	vld [tilespmem:$0x1F0];
	_ =	sdelay $0x4  }
0x1d8: {  	(v2sf) =	vpush v33, $0x0;
	_ =	sdelay $0xe  }
0x1d9: {  	s26 =	simm.s32 $0x1;
	s25 =	spop (v2sf)  }
0x1da: {  	_ =	swait.ge [sflag:s26], $0x800  }
0x1db: {  	(v2sf) =	vpush v33, $0x1;
	_ =	sdelay $0x3  }
0x1dc: {  	s0 =	sand.u32 $0x7F, s25  }
0x1dd: {  	v34 =	vor.u32 s0, v0;
	_ =	sdelay $0x2  }
0x1de: {  	[sflag:s26] =	ssyncset.done $0x0  }
0x1df: {  	s1 =	simm.s32 $0x200;
	[sflag:s26] =	ssyncadd.s32 $0xFFFFF800  }
0x1e0: {  	v34 =	vld.idx.msk [tilespmem:v34+s1+$0x0], $0xffff;
	_ =	sdelay $0x3  }
0x1e1: {  	s2 =	simm.s32 $0x8200  }
0x1e2: {  	s29 =	simm.s32 $0x2;
	[tilespmem:v17+s2+$0x0] =	vst.idx.msk $0xffff, v34;
	s28 =	spop (v2sf)  }
0x1e3: {  	_ =	swait.ge [sflag:s29], $0x800  }
0x1e4: {  	(v2sf) =	vpush v33, $0x2;
	_ =	sdelay $0x3  }
0x1e5: {  	s0 =	sand.u32 $0x7F, s28  }
0x1e6: {  	v48 =	vor.u32 s0, v2;
	_ =	sdelay $0x2  }
0x1e7: {  	[sflag:s29] =	ssyncset.done $0x0  }
0x1e8: {  	[sflag:s29] =	ssyncadd.s32 $0xFFFFF800  }
0x1e9: {  	v34 =	vld.idx.msk [tilespmem:v48+s1+$0x0], $0xffff;
	_ =	sdelay $0x4  }
0x1ea: {  	s5 =	simm.s32 $0x3;
	[tilespmem:v18+s2+$0x0] =	vst.idx.msk $0xffff, v34;
	s4 =	spop (v2sf)  }
0x1eb: {  	_ =	swait.ge [sflag:s5], $0x800  }
0x1ec: {  	(v2sf) =	vpush v33, $0x3;
	_ =	sdelay $0x3  }
0x1ed: {  	s0 =	sand.u32 $0x7F, s4  }
0x1ee: {  	v49 =	vor.u32 s0, v3;
	_ =	sdelay $0x2  }
0x1ef: {  	[sflag:s5] =	ssyncset.done $0x0  }
0x1f0: {  	[sflag:s5] =	ssyncadd.s32 $0xFFFFF800  }
0x1f1: {  	v34 =	vld.idx.msk [tilespmem:v49+s1+$0x0], $0xffff;
	_ =	sdelay $0x4  }
0x1f2: {  	s9 =	simm.s32 $0x4;
	[tilespmem:v19+s2+$0x0] =	vst.idx.msk $0xffff, v34;
	s7 =	spop (v2sf)  }
0x1f3: {  	_ =	swait.ge [sflag:s9], $0x800  }
0x1f4: {  	(v2sf) =	vpush v33, $0x4;
	_ =	sdelay $0x3  }
0x1f5: {  	s0 =	sand.u32 $0x7F, s7  }
0x1f6: {  	v50 =	vor.u32 s0, v4;
	_ =	sdelay $0x2  }
0x1f7: {  	[sflag:s9] =	ssyncset.done $0x0  }
0x1f8: {  	[sflag:s9] =	ssyncadd.s32 $0xFFFFF800  }
0x1f9: {  	v34 =	vld.idx.msk [tilespmem:v50+s1+$0x0], $0xffff;
	_ =	sdelay $0x4  }
0x1fa: {  	s16 =	simm.s32 $0x5;
	[tilespmem:v20+s2+$0x0] =	vst.idx.msk $0xffff, v34;
	s10 =	spop (v2sf)  }
0x1fb: {  	_ =	swait.ge [sflag:s16], $0x800  }
0x1fc: {  	(v2sf) =	vpush v33, $0x5;
	_ =	sdelay $0x3  }
0x1fd: {  	s0 =	sand.u32 $0x7F, s10  }
0x1fe: {  	v51 =	vor.u32 s0, v5;
	_ =	sdelay $0x2  }
0x1ff: {  	[sflag:s16] =	ssyncset.done $0x0  }
0x200: {  	[sflag:s16] =	ssyncadd.s32 $0xFFFFF800  }
0x201: {  	v34 =	vld.idx.msk [tilespmem:v51+s1+$0x0], $0xffff;
	_ =	sdelay $0x4  }
0x202: {  	s18 =	simm.s32 $0x6;
	[tilespmem:v21+s2+$0x0] =	vst.idx.msk $0xffff, v34;
	s17 =	spop (v2sf)  }
0x203: {  	_ =	swait.ge [sflag:s18], $0x800  }
0x204: {  	(v2sf) =	vpush v33, $0x6;
	_ =	sdelay $0x3  }
0x205: {  	s0 =	sand.u32 $0x7F, s17  }
0x206: {  	v52 =	vor.u32 s0, v6;
	_ =	sdelay $0x2  }
0x207: {  	[sflag:s18] =	ssyncset.done $0x0  }
0x208: {  	[sflag:s18] =	ssyncadd.s32 $0xFFFFF800  }
0x209: {  	v34 =	vld.idx.msk [tilespmem:v52+s1+$0x0], $0xffff;
	_ =	sdelay $0x4  }
0x20a: {  	s22 =	simm.s32 $0x7;
	[tilespmem:v22+s2+$0x0] =	vst.idx.msk $0xffff, v34;
	s20 =	spop (v2sf)  }
0x20b: {  	_ =	swait.ge [sflag:s22], $0x800  }
0x20c: {  	(v2sf) =	vpush v33, $0x7;
	_ =	sdelay $0x3  }
0x20d: {  	s0 =	sand.u32 $0x7F, s20  }
0x20e: {  	v53 =	vor.u32 s0, v7;
	_ =	sdelay $0x2  }
0x20f: {  	[sflag:s22] =	ssyncset.done $0x0  }
0x210: {  	[sflag:s22] =	ssyncadd.s32 $0xFFFFF800  }
0x211: {  	v34 =	vld.idx.msk [tilespmem:v53+s1+$0x0], $0xffff;
	_ =	sdelay $0x4  }
0x212: {  	s24 =	simm.s32 $0x8;
	[tilespmem:v23+s2+$0x0] =	vst.idx.msk $0xffff, v34;
	s23 =	spop (v2sf)  }
0x213: {  	_ =	swait.ge [sflag:s24], $0x800  }
0x214: {  	(v2sf) =	vpush v33, $0x8;
	_ =	sdelay $0x3  }
0x215: {  	s0 =	sand.u32 $0x7F, s23  }
0x216: {  	v54 =	vor.u32 s0, v8;
	_ =	sdelay $0x2  }
0x217: {  	[sflag:s24] =	ssyncset.done $0x0  }
0x218: {  	[sflag:s24] =	ssyncadd.s32 $0xFFFFF800  }
0x219: {  	v34 =	vld.idx.msk [tilespmem:v54+s1+$0x0], $0xffff;
	_ =	sdelay $0x4  }
0x21a: {  	s26 =	simm.s32 $0x9;
	[tilespmem:v24+s2+$0x0] =	vst.idx.msk $0xffff, v34;
	s25 =	spop (v2sf)  }
0x21b: {  	_ =	swait.ge [sflag:s26], $0x800  }
0x21c: {  	(v2sf) =	vpush v33, $0x9;
	_ =	sdelay $0x3  }
0x21d: {  	s0 =	sand.u32 $0x7F, s25  }
0x21e: {  	v55 =	vor.u32 s0, v9;
	_ =	sdelay $0x2  }
0x21f: {  	[sflag:s26] =	ssyncset.done $0x0  }
0x220: {  	[sflag:s26] =	ssyncadd.s32 $0xFFFFF800  }
0x221: {  	v34 =	vld.idx.msk [tilespmem:v55+s1+$0x0], $0xffff;
	_ =	sdelay $0x4  }
0x222: {  	s29 =	simm.s32 $0xA;
	[tilespmem:v25+s2+$0x0] =	vst.idx.msk $0xffff, v34;
	s28 =	spop (v2sf)  }
0x223: {  	_ =	swait.ge [sflag:s29], $0x800  }
0x224: {  	(v2sf) =	vpush v33, $0xA;
	_ =	sdelay $0x3  }
0x225: {  	s0 =	sand.u32 $0x7F, s28  }
0x226: {  	v56 =	vor.u32 s0, v10;
	_ =	sdelay $0x2  }
0x227: {  	[sflag:s29] =	ssyncset.done $0x0  }
0x228: {  	[sflag:s29] =	ssyncadd.s32 $0xFFFFF800  }
0x229: {  	v34 =	vld.idx.msk [tilespmem:v56+s1+$0x0], $0xffff;
	_ =	sdelay $0x4  }
0x22a: {  	s4 =	simm.s32 $0xB;
	[tilespmem:v26+s2+$0x0] =	vst.idx.msk $0xffff, v34;
	s3 =	spop (v2sf)  }
0x22b: {  	_ =	swait.ge [sflag:s4], $0x800  }
0x22c: {  	(v2sf) =	vpush v33, $0xB;
	_ =	sdelay $0x3  }
0x22d: {  	s0 =	sand.u32 $0x7F, s3  }
0x22e: {  	v57 =	vor.u32 s0, v11;
	_ =	sdelay $0x2  }
0x22f: {  	[sflag:s4] =	ssyncset.done $0x0  }
0x230: {  	[sflag:s4] =	ssyncadd.s32 $0xFFFFF800  }
0x231: {  	v34 =	vld.idx.msk [tilespmem:v57+s1+$0x0], $0xffff;
	_ =	sdelay $0x4  }
0x232: {  	s7 =	simm.s32 $0xC;
	[tilespmem:v27+s2+$0x0] =	vst.idx.msk $0xffff, v34;
	s5 =	spop (v2sf)  }
0x233: {  	_ =	swait.ge [sflag:s7], $0x800  }
0x234: {  	(v2sf) =	vpush v33, $0xC;
	_ =	sdelay $0x3  }
0x235: {  	s0 =	sand.u32 $0x7F, s5  }
0x236: {  	v58 =	vor.u32 s0, v12;
	_ =	sdelay $0x2  }
0x237: {  	[sflag:s7] =	ssyncset.done $0x0  }
0x238: {  	[sflag:s7] =	ssyncadd.s32 $0xFFFFF800  }
0x239: {  	v34 =	vld.idx.msk [tilespmem:v58+s1+$0x0], $0xffff;
	_ =	sdelay $0x4  }
0x23a: {  	s10 =	simm.s32 $0xD;
	[tilespmem:v28+s2+$0x0] =	vst.idx.msk $0xffff, v34;
	s9 =	spop (v2sf)  }
0x23b: {  	_ =	swait.ge [sflag:s10], $0x800  }
0x23c: {  	(v2sf) =	vpush v33, $0xD;
	_ =	sdelay $0x3  }
0x23d: {  	s0 =	sand.u32 $0x7F, s9  }
0x23e: {  	v59 =	vor.u32 s0, v13;
	_ =	sdelay $0x2  }
0x23f: {  	[sflag:s10] =	ssyncset.done $0x0  }
0x240: {  	[sflag:s10] =	ssyncadd.s32 $0xFFFFF800  }
0x241: {  	v34 =	vld.idx.msk [tilespmem:v59+s1+$0x0], $0xffff;
	_ =	sdelay $0x4  }
0x242: {  	s17 =	simm.s32 $0xE;
	[tilespmem:v29+s2+$0x0] =	vst.idx.msk $0xffff, v34;
	s16 =	spop (v2sf)  }
0x243: {  	_ =	swait.ge [sflag:s17], $0x800  }
0x244: {  	(v2sf) =	vpush v33, $0xE;
	_ =	sdelay $0x3  }
0x245: {  	s0 =	sand.u32 $0x7F, s16  }
0x246: {  	v60 =	vor.u32 s0, v14;
	_ =	sdelay $0x2  }
0x247: {  	[sflag:s17] =	ssyncset.done $0x0  }
0x248: {  	[sflag:s17] =	ssyncadd.s32 $0xFFFFF800  }
0x249: {  	v34 =	vld.idx.msk [tilespmem:v60+s1+$0x0], $0xffff;
	_ =	sdelay $0x4  }
0x24a: {  	s20 =	simm.s32 $0xF;
	[tilespmem:v30+s2+$0x0] =	vst.idx.msk $0xffff, v34;
	s18 =	spop (v2sf)  }
0x24b: {  	_ =	swait.ge [sflag:s20], $0x800  }
0x24c: {  	(v2sf) =	vpush v33, $0xF;
	_ =	sdelay $0x6  }
0x24d: {  	s0 =	sand.u32 $0x7F, s18  }
0x24e: {  	v61 =	vor.u32 s0, v15;
	_ =	sdelay $0x2  }
0x24f: {  	[sflag:s20] =	ssyncset.done $0x0  }
0x250: {  	[sflag:s20] =	ssyncadd.s32 $0xFFFFF800  }
0x251: {  	v33 =	vld.idx.msk [tilespmem:v61+s1+$0x0], $0xffff;
	_ =	sdelay $0x1  }
0x252: {  	s22 =	spop (v2sf)  }
0x253: {  	s0 =	sand.u32 $0x7F, s22  }
0x254: {  	v62 =	vor.u32 s0, v16  }
0x255: {  	s23 =	simm.s32 $0x10;
	[tilespmem:v31+s2+$0x0] =	vst.idx.msk $0xffff, v33  }
0x256: {  	_ =	swait.ge [sflag:s23], $0x800  }
0x257: {  	[sflag:s23] =	ssyncset.done $0x0  }
0x258: {  	[sflag:s23] =	ssyncadd.s32 $0xFFFFF800  }
0x259: {  	v63 =	vld.idx.msk [tilespmem:v62+s1+$0x0], $0xffff;
	_ =	sdelay $0x4  }
0x25a: {  	s25 =	simm.s32 $0x1000;
	s26 =	simm.s32 $0x20000;
	s24 =	rddreg [dreg:$0xa];
	[tilespmem:v32+s2+$0x0] =	vst.idx.msk $0xffff, v63  }
0x25b: {  	[hbm4b:s24+s25] =	stream.strided.scatter [tilespmem:s2], [sflag:$0x11], $0x2000, s26, s25, $0x38;
	[tilespmem:$0xA200] =	vst v63  }
0x25c: {  	s2 =	simm.s32 $0x11  }
0x25d: {  	_ =	swait.ge [sflag:s2], $0x2000  }
0x25e: {  	s28 =	rddreg [dreg:$0xc]  }
0x25f: {  	s29 =	rddreg [dreg:$0xb];
	s1 =	sadd.s32 $0x1, s28  }
0x260: {  	p0 =	sne.s32 s1, s29  }
.Ltmp1:
0x261: {  	_ = 	snop;
	(pc) =	sbr.rel @p0 .LBB2_1-.Ltmp1, $4  }
0x262: {  	_ = 	snop  }
0x263: {  	s30 =	simm.s32 $0x1A00  }
0x264: {  	s3 =	simm.s32 $0x2200;
	s4 =	simm.s32 $0x2A00;
	[sflag:s2] =	ssyncset.done $0x0  }
0x265: {  	s5 =	simm.s32 $0x3200;
	s16 =	simm.s32 $0x1200;
	[sflag:s2] =	ssyncadd.s32 $0xFFFFE000  }
0x266: {  	_ =	sfence.sel $0x180000  }
0x267: {  	[bflag:$0x0] =	sbarrier.arrive $0xFFFF  }
0x268: {  	_ =	strace $0x90000047  }
0x269: {  	s0 =	stileid.u32;
	[bflag:$0x2] =	sbarrier.arrive $0xFFFF  }
0x26a: {  	p0 =	sne.s32 s0, $0x0;
	s0 =	rddreg [dreg:$0x3]  }
0x26b: {  	s0 =	sadd.s32 @!p0 $0x100000, s0  }
0x26c: {  	[sflag:s0] =	ssyncadd.tile.s32 @!p0 $0x1;
	_ =	shalt  }
.Lfunc_end2:
_tile_overlayer_lowered:
.L_overlay_start_2:
0x26d: {  	(tag) =	ssettag $0x2  }
0x26e: {  	s0 =	rddreg [dreg:$0x0];
	s2 =	stileid.u32  }
0x26f: {  	s1 =	rddreg [dreg:$0x1];
	p0 =	sne.s32 s2, $0x0  }
0x270: {  	s3 =	rddreg [dreg:$0x2];
	[bflag:$0x3] =	sbarrier.arrive $0xFFFF;
	s2 =	simm.s32 @!p0 $0x1C11  }
0x271: {  	[timem:s3], [sflag:s2] =	dma.local @!p0 [hbm:s0], s1  }
0x272: {  	s0 =	simm.s32 @!p0 $0x11  }
0x273: {  	_ =	swait.ge @!p0 [sflag:s0], s1  }
0x274: {  	s1 =	ssub.s32 @!p0 $0x0, s1;
	[sflag:s0] =	ssyncset.done @!p0 $0x0  }
0x275: {  	[sflag:s0] =	ssyncadd.s32 @!p0 s1  }
0x276: {  	[bflag:$0x3] =	sbarrier.arrive $0xFFFF  }
0x277: {  	_ =	shalt  }

</sc_bundles>
